<compile_context>
chip_gen: v7x
topology: tpu7x:2x2x1
jax: 0.10.2.dev20260603
libtpu: 0.0.44.dev20260713+nightly
codegen_flags: <defaults>
</compile_context>

<pallas_src>
import functools

import jax
import jax.numpy as jnp
from jax import lax
from jax.experimental import pallas as pl
from jax.experimental.pallas import tpu as pltpu
from jax.experimental.pallas import tpu_sc as plsc

_EPS = 0.001
_B = 8
_N = 512
_LANES = 16
_NGROUPS = _N // _LANES


def _task_params(k, wid_s, wid_c):
    wid = wid_s * 2 + wid_c
    if k == 0:
        return 0, 1.0, 2048, wid // 4, wid % 4
    if k == 1:
        return 1, 0.5, 1024, wid // 4, wid % 4
    if k == 2:
        return 2, 0.25, 512, wid // 8, wid % 8
    return 2, 0.25, 512, 4 + wid // 8, wid % 8


def _sc_body(v0, v1, v2, st_hbm, du_hbm, out_hbm,
             vbuf_a, obuf_a,
             start_v, dur_v, sidx_v, eidx_v, scale_v,
             sem_in, sem_out):
    wid_s = lax.axis_index("s")
    wid_c = lax.axis_index("c")
    vrefs = (v0, v1, v2)
    out_off = (0, 128, 256)

    lane_iota = lax.iota(jnp.int32, _LANES)
    lane_hi = lane_iota + _LANES
    zero = jnp.zeros((_LANES,), jnp.float32)

    pltpu.sync_copy(st_hbm, start_v)
    pltpu.sync_copy(du_hbm, dur_v)

    for k in range(4):
        map_id, ratio, T, b, chunk = _task_params(k, wid_s, wid_c)
        vref = vrefs[map_id]
        c0 = chunk * 32
        outcol = out_off[map_id] + c0

        cp_a = pltpu.make_async_copy(
            vref.at[b, :, pl.ds(c0, 32)],
            vbuf_a.at[pl.ds(0, T), pl.ds(0, 32)], sem_in)
        cp_a.start()

        @plsc.parallel_loop(0, _NGROUPS, unroll=2)
        def _idx(g):
            cols = g * _LANES + lane_iota
            brow = jnp.full((_LANES,), b, jnp.int32)
            stv = plsc.load_gather(start_v, [brow, cols])
            duv = plsc.load_gather(dur_v, [brow, cols])
            sl = pl.ds(g * _LANES, _LANES)
            sf = stv * ratio
            s_i = sf.astype(jnp.int32)
            ef = (stv + duv + _EPS) * ratio
            et = ef.astype(jnp.int32)
            e_i = et + (ef > et.astype(jnp.float32)).astype(jnp.int32)
            s_i = jnp.minimum(s_i, T - 1)
            e_i = jnp.minimum(e_i, T - 1)
            cnt = (e_i - s_i).astype(jnp.float32)
            sidx_v[sl] = s_i
            eidx_v[sl] = e_i
            scale_v[sl] = 1.0 / jnp.maximum(cnt, 1.0)

        cp_a.wait()

        @plsc.parallel_loop(0, T, unroll=8, carry=(zero, zero))
        def _cum(t, carry):
            acc_a, acc_b = carry
            row = jnp.full((_LANES,), t, jnp.int32)
            ra = plsc.load_gather(vbuf_a, [row, lane_iota])
            plsc.store_scatter(vbuf_a, [row, lane_iota], acc_a)
            rb = plsc.load_gather(vbuf_a, [row, lane_hi])
            plsc.store_scatter(vbuf_a, [row, lane_hi], acc_b)
            return acc_a + ra, acc_b + rb

        if k > 0:
            p_map, _, _, pb, p_chunk = _task_params(k - 1, wid_s, wid_c)
            p_col = out_off[p_map] + p_chunk * 32
            pltpu.make_async_copy(
                obuf_a.at[pl.ds(0, _N), pl.ds(0, 32)],
                out_hbm.at[pb, :, pl.ds(p_col, 32)], sem_out
            ).wait()

        @plsc.parallel_loop(0, _N, unroll=2)
        def _seg(i):
            col = lax.rem(i, _LANES)
            off = i - col
            sl = pl.ds(off, _LANES)
            s_i = sidx_v[sl]
            e_i = eidx_v[sl]
            sc = scale_v[sl]
            n_vec = off + lane_iota
            col_vec = jnp.full((_LANES,), col, jnp.int32)
            col_hi = col_vec + _LANES
            ga = plsc.load_gather(vbuf_a, [e_i, col_vec]) - \
                plsc.load_gather(vbuf_a, [s_i, col_vec])
            plsc.store_scatter(obuf_a, [n_vec, col_vec], ga * sc)
            gb = plsc.load_gather(vbuf_a, [e_i, col_hi]) - \
                plsc.load_gather(vbuf_a, [s_i, col_hi])
            plsc.store_scatter(obuf_a, [n_vec, col_hi], gb * sc)

        pltpu.make_async_copy(
            obuf_a.at[pl.ds(0, _N), pl.ds(0, 32)],
            out_hbm.at[b, :, pl.ds(outcol, 32)], sem_out
        ).start()

    l_map, _, _, lb, l_chunk = _task_params(3, wid_s, wid_c)
    l_col = out_off[l_map] + l_chunk * 32
    pltpu.make_async_copy(
        obuf_a.at[pl.ds(0, _N), pl.ds(0, 32)],
        out_hbm.at[lb, :, pl.ds(l_col, 32)], sem_out
    ).wait()


@jax.jit
def kernel(value_list_0, value_list_1, value_list_2, start, duration):
    mesh = plsc.VectorSubcoreMesh(core_axis_name="c", subcore_axis_name="s")
    run = functools.partial(
        pl.kernel,
        mesh=mesh,
        out_type=jax.ShapeDtypeStruct((_B, _N, 512), jnp.float32),
        compiler_params=pltpu.CompilerParams(
            use_tc_tiling_on_sc=False, needs_layout_passes=False
        ),
        scratch_types=[
            pltpu.VMEM((2048, 33), jnp.float32),
            pltpu.VMEM((_N, 33), jnp.float32),
            pltpu.VMEM((_B, _N), jnp.float32),
            pltpu.VMEM((_B, _N), jnp.float32),
            pltpu.VMEM((_N,), jnp.int32),
            pltpu.VMEM((_N,), jnp.int32),
            pltpu.VMEM((_N,), jnp.float32),
            pltpu.SemaphoreType.DMA,
            pltpu.SemaphoreType.DMA,
        ],
    )(_sc_body)
    return run(value_list_0, value_list_1, value_list_2, start, duration)

# --- scband reference (transcript-rebuilt; emitter-appended) ---
"""Pipeline reference for scband-inform-pooling-69200513073193 (READ-ONLY COPY).

The authoritative reference and input builder live on the scoring server;
editing this copy changes nothing except your own understanding.
"""

import jax, jax.numpy as jnp
import numpy as np

RATIOS = [1.0, 0.5, 0.25]
EPS = 0.001


def setup_inputs(seed: int = 0) -> dict:
    key = jax.random.key(seed)
    ks = jax.random.split(key, 5)
    return {
        "value_list_0": jax.random.normal(ks[0], (8, 2048, 128), dtype=jnp.float32),
        "value_list_1": jax.random.normal(ks[1], (8, 1024, 128), dtype=jnp.float32),
        "value_list_2": jax.random.normal(ks[2], (8, 512, 256), dtype=jnp.float32),
        # start/duration are in base-map frame units (ratio 1.0 map has T=2048)
        "start": jax.random.uniform(ks[3], (8, 512), dtype=jnp.float32) * 1024.0,
        "duration": jax.random.uniform(ks[4], (8, 512), dtype=jnp.float32) * 64.0,
    }


def _pool_one(value, start, duration, ratio):
    # Equivalent of InformPooling.inform_pooling for one feature map.
    # tf.ragged.range(s, e) gather + reduce_mean(axis=1) == (cumsum[e]-cumsum[s])/(e-s).
    B, T, C = value.shape
    end = start + duration
    s = jnp.floor(start * ratio)
    e = jnp.ceil((end + EPS) * ratio)
    s = jnp.minimum(s.astype(jnp.int32), T - 1)
    e = jnp.minimum(e.astype(jnp.int32), T - 1)
    csum = jnp.concatenate(
        [jnp.zeros((B, 1, C), value.dtype), jnp.cumsum(value, axis=1)], axis=1
    )  # [B, T+1, C]; csum[:, i] = sum of value[:, :i]
    seg_sum = jnp.take_along_axis(csum, e[:, :, None], axis=1) - jnp.take_along_axis(
        csum, s[:, :, None], axis=1
    )  # [B, N, C]
    cnt = (e - s)[:, :, None].astype(value.dtype)
    # empty segment (cnt==0) -> tf.reduce_mean gives NaN, replaced by 0 in call()
    mean = jnp.where(cnt > 0, seg_sum / jnp.maximum(cnt, 1.0), jnp.nan)
    return mean


def reference(value_list_0, value_list_1, value_list_2, start, duration):
    vals = [value_list_0, value_list_1, value_list_2]
    pooled = [_pool_one(v, start, duration, r) for v, r in zip(vals, RATIOS)]
    ret = jnp.concatenate(pooled, axis=-1)  # [B, N, 512]
    ret = jnp.where(jnp.isnan(ret), 0.0, ret)
    # tf.RaggedTensor.from_row_lengths with equal row lengths N == dense [B, N, C_total]
    return ret

if __name__ == "__main__":
    import jax
    _d = setup_inputs()
    print(jax.jit(kernel)(*tuple(_d.values())))

</pallas_src>

<mosaic_0001>
#map = affine_map<(d0, d1) -> (0, 0, 0)>
#map1 = affine_map<(d0, d1) -> (0, 0)>
module attributes {stable_mosaic.version = 14 : i64} {
  func.func @_sc_body(%arg0: i32, %arg1: i32, %arg2: memref<8x2048x128xf32, #tpu.memory_space<hbm>>, %arg3: memref<8x1024x128xf32, #tpu.memory_space<hbm>>, %arg4: memref<8x512x256xf32, #tpu.memory_space<hbm>>, %arg5: memref<8x512xf32, #tpu.memory_space<hbm>>, %arg6: memref<8x512xf32, #tpu.memory_space<hbm>>, %arg7: memref<8x512x512xf32, #tpu.memory_space<hbm>>, %arg8: memref<2048x33xf32, #tpu.memory_space<vmem>>, %arg9: memref<512x33xf32, #tpu.memory_space<vmem>>, %arg10: memref<8x512xf32, #tpu.memory_space<vmem>>, %arg11: memref<8x512xf32, #tpu.memory_space<vmem>>, %arg12: memref<512xi32, #tpu.memory_space<vmem>>, %arg13: memref<512xi32, #tpu.memory_space<vmem>>, %arg14: memref<512xf32, #tpu.memory_space<vmem>>, %arg15: memref<!tpu.dma_semaphore, #tpu.memory_space<semaphore_mem>>, %arg16: memref<!tpu.dma_semaphore, #tpu.memory_space<semaphore_mem>>) attributes {dimension_semantics = [#tpu.dimension_semantics<core_parallel>, #tpu.dimension_semantics<subcore_parallel>], iteration_bounds = array<i64: 2, 16>, scalar_prefetch = 0 : i64, scratch_operands = 9 : i64, tpu.core_type = #tpu.core_type<sc_vector_subcore>, window_params = [{transform_indices = #map}, {transform_indices = #map}, {transform_indices = #map}, {transform_indices = #map1}, {transform_indices = #map1}, {transform_indices = #map}]} {
    %iota3A = tpu.iota {dimensions = array<i32: 0>} : vector<16xi32>
    %add3A = arith.constant 16 : i32
    %add3A_0 = vector.broadcast %add3A : i32 to vector<16xi32>
    %add3A_1 = arith.addi %iota3A, %add3A_0 : vector<16xi32>
    %broadcast_in_dim3A = arith.constant 0.000000e+00 : f32
    %broadcast_in_dim3A_2 = vector.broadcast %broadcast_in_dim3A : f32 to vector<16xf32>
    "tpu.region"() ({
      %run_scoped3A = tpu.sem_alloc : memref<!tpu.dma_semaphore, #tpu.memory_space<semaphore_mem>>
      tpu.enqueue_dma source(%arg5 : memref<8x512xf32, #tpu.memory_space<hbm>>) target(%arg10 : memref<8x512xf32, #tpu.memory_space<vmem>>) target_semaphore(%run_scoped3A : memref<!tpu.dma_semaphore, #tpu.memory_space<semaphore_mem>>)
      tpu.wait_dma2 semaphore(%run_scoped3A : memref<!tpu.dma_semaphore, #tpu.memory_space<semaphore_mem>>) src(%arg5 : memref<8x512xf32, #tpu.memory_space<hbm>>) dst(%arg10 : memref<8x512xf32, #tpu.memory_space<vmem>>)
      tpu.yield
    }) : () -> ()
    "tpu.region"() ({
      %run_scoped3A = tpu.sem_alloc : memref<!tpu.dma_semaphore, #tpu.memory_space<semaphore_mem>>
      tpu.enqueue_dma source(%arg6 : memref<8x512xf32, #tpu.memory_space<hbm>>) target(%arg11 : memref<8x512xf32, #tpu.memory_space<vmem>>) target_semaphore(%run_scoped3A : memref<!tpu.dma_semaphore, #tpu.memory_space<semaphore_mem>>)
      tpu.wait_dma2 semaphore(%run_scoped3A : memref<!tpu.dma_semaphore, #tpu.memory_space<semaphore_mem>>) src(%arg6 : memref<8x512xf32, #tpu.memory_space<hbm>>) dst(%arg11 : memref<8x512xf32, #tpu.memory_space<vmem>>)
      tpu.yield
    }) : () -> ()
    %mul3A = arith.constant 2 : i32
    %mul3A_3 = arith.muli %arg1, %mul3A : i32
    %add3A_4 = arith.addi %mul3A_3, %arg0 : i32
    %jit3A = arith.constant 4 : i32
    %div3A = arith.divsi %add3A_4, %jit3A : i32
    %sign3A = arith.constant 0 : i32
    %sign3A_5 = arith.cmpi sgt, %add3A_4, %sign3A : i32
    %sign3A_6 = arith.extui %sign3A_5 : i1 to i32
    %sign3A_7 = arith.constant 0 : i32
    %sign3A_8 = arith.cmpi slt, %add3A_4, %sign3A_7 : i32
    %sign3A_9 = arith.extui %sign3A_8 : i1 to i32
    %sign3A_10 = arith.subi %sign3A_6, %sign3A_9 : i32
    %sign3A_11 = arith.constant 0 : i32
    %sign3A_12 = arith.cmpi sgt, %jit3A, %sign3A_11 : i32
    %sign3A_13 = arith.extui %sign3A_12 : i1 to i32
    %sign3A_14 = arith.constant 0 : i32
    %sign3A_15 = arith.cmpi slt, %jit3A, %sign3A_14 : i32
    %sign3A_16 = arith.extui %sign3A_15 : i1 to i32
    %sign3A_17 = arith.subi %sign3A_13, %sign3A_16 : i32
    %ne3A = arith.cmpi ne, %sign3A_10, %sign3A_17 : i32
    %rem3A = arith.remsi %add3A_4, %jit3A : i32
    %ne3A_18 = arith.constant 0 : i32
    %ne3A_19 = arith.cmpi ne, %rem3A, %ne3A_18 : i32
    %and3A = arith.andi %ne3A, %ne3A_19 : i1
    %sub3A = arith.constant 1 : i32
    %sub3A_20 = arith.subi %div3A, %sub3A : i32
    %select_n3A = arith.select %and3A, %sub3A_20, %div3A : i32
    %jit3A_21 = arith.constant 4 : i32
    %eq3A = arith.constant 0 : i32
    %eq3A_22 = arith.cmpi eq, %jit3A_21, %eq3A : i32
    %jit3A_23 = arith.constant 1 : i32
    %select_n3A_24 = arith.select %eq3A_22, %jit3A_23, %jit3A_21 : i32
    %rem3A_25 = arith.remsi %add3A_4, %select_n3A_24 : i32
    %ne3A_26 = arith.constant 0 : i32
    %ne3A_27 = arith.cmpi ne, %rem3A_25, %ne3A_26 : i32
    %lt3A = arith.constant 0 : i32
    %lt3A_28 = arith.cmpi slt, %rem3A_25, %lt3A : i32
    %lt3A_29 = arith.constant 0 : i32
    %lt3A_30 = arith.cmpi slt, %select_n3A_24, %lt3A_29 : i32
    %ne3A_31 = arith.xori %lt3A_28, %lt3A_30 : i1
    %and3A_32 = arith.andi %ne3A_31, %ne3A_27 : i1
    %add3A_33 = arith.addi %rem3A_25, %select_n3A_24 : i32
    %select_n3A_34 = arith.select %and3A_32, %add3A_33, %rem3A_25 : i32
    %mul3A_35 = arith.constant 32 : i32
    %mul3A_36 = arith.muli %select_n3A_34, %mul3A_35 : i32
    %add3A_37 = arith.constant 0 : i32
    %add3A_38 = arith.addi %add3A_37, %mul3A_36 : i32
    %dma_start3A = arith.constant 0 : i32
    %dma_start3A_39 = arith.constant 0 : i32
    %dma_start3A_40 = tpu.memref_slice %arg8[%dma_start3A, %dma_start3A_39] : memref<2048x33xf32, #tpu.memory_space<vmem>> -> memref<2048x32xf32, #tpu.memory_space<vmem>>
    %dma_start3A_41 = arith.constant 0 : i32
    %dma_start3A_42 = tpu.memref_slice %arg2[%select_n3A, %dma_start3A_41, %mul3A_36] : memref<8x2048x128xf32, #tpu.memory_space<hbm>> -> memref<1x2048x32xf32, #tpu.memory_space<hbm>>
    %dma_start3A_43 = tpu.memref_squeeze %dma_start3A_42 : memref<1x2048x32xf32, #tpu.memory_space<hbm>> -> memref<2048x32xf32, #tpu.memory_space<hbm>>
    %dma_start3A_44 = arith.constant 0 : i32
    %dma_start3A_45 = arith.constant 0 : i32
    %dma_start3A_46 = tpu.memref_slice %arg8[%dma_start3A_44, %dma_start3A_45] : memref<2048x33xf32, #tpu.memory_space<vmem>> -> memref<2048x32xf32, #tpu.memory_space<vmem>>
    %dma_start3A_47 = arith.constant 0 : i32
    %dma_start3A_48 = tpu.memref_slice %arg2[%select_n3A, %dma_start3A_47, %mul3A_36] : memref<8x2048x128xf32, #tpu.memory_space<hbm>> -> memref<1x2048x32xf32, #tpu.memory_space<hbm>>
    %dma_start3A_49 = tpu.memref_squeeze %dma_start3A_48 : memref<1x2048x32xf32, #tpu.memory_space<hbm>> -> memref<2048x32xf32, #tpu.memory_space<hbm>>
    tpu.enqueue_dma source(%dma_start3A_49 : memref<2048x32xf32, #tpu.memory_space<hbm>>) target(%dma_start3A_46 : memref<2048x32xf32, #tpu.memory_space<vmem>>) target_semaphore(%arg15 : memref<!tpu.dma_semaphore, #tpu.memory_space<semaphore_mem>>)
    %parallel_loop3A = arith.constant 0 : i32
    %parallel_loop3A_50 = arith.constant 32 : i32
    %parallel_loop3A_51 = arith.constant 1 : i32
    scf.for %parallel_loop3A_601 = %parallel_loop3A to %parallel_loop3A_50 step %parallel_loop3A_51  : i32 {
      %parallel_loop3A_602 = arith.constant 16 : i32
      %parallel_loop3A_603 = arith.muli %parallel_loop3A_601, %parallel_loop3A_602 : i32
      %parallel_loop3A_604 = vector.broadcast %parallel_loop3A_603 : i32 to vector<16xi32>
      %parallel_loop3A_605 = arith.addi %parallel_loop3A_604, %iota3A : vector<16xi32>
      %parallel_loop3A_606 = vector.broadcast %select_n3A : i32 to vector<16xi32>
      %parallel_loop3A_607 = tpu.vector_load_idx %arg10[%parallel_loop3A_606, %parallel_loop3A_605] : memref<8x512xf32, #tpu.memory_space<vmem>>[vector<16xi32>, vector<16xi32>], vector<16xf32>,
      %parallel_loop3A_608 = tpu.vector_load_idx %arg11[%parallel_loop3A_606, %parallel_loop3A_605] : memref<8x512xf32, #tpu.memory_space<vmem>>[vector<16xi32>, vector<16xi32>], vector<16xf32>,
      %parallel_loop3A_609 = arith.constant 16 : i32
      %parallel_loop3A_610 = arith.muli %parallel_loop3A_601, %parallel_loop3A_609 : i32
      %parallel_loop3A_611 = arith.constant 1.000000e+00 : f32
      %parallel_loop3A_612 = vector.broadcast %parallel_loop3A_611 : f32 to vector<16xf32>
      %parallel_loop3A_613 = arith.mulf %parallel_loop3A_607, %parallel_loop3A_612 : vector<16xf32>
      %parallel_loop3A_614 = arith.fptosi %parallel_loop3A_613 : vector<16xf32> to vector<16xi32>
      %parallel_loop3A_615 = arith.addf %parallel_loop3A_607, %parallel_loop3A_608 : vector<16xf32>
      %parallel_loop3A_616 = arith.constant 1.000000e-03 : f32
      %parallel_loop3A_617 = vector.broadcast %parallel_loop3A_616 : f32 to vector<16xf32>
      %parallel_loop3A_618 = arith.addf %parallel_loop3A_615, %parallel_loop3A_617 : vector<16xf32>
      %parallel_loop3A_619 = arith.constant 1.000000e+00 : f32
      %parallel_loop3A_620 = vector.broadcast %parallel_loop3A_619 : f32 to vector<16xf32>
      %parallel_loop3A_621 = arith.mulf %parallel_loop3A_618, %parallel_loop3A_620 : vector<16xf32>
      %parallel_loop3A_622 = arith.fptosi %parallel_loop3A_621 : vector<16xf32> to vector<16xi32>
      %parallel_loop3A_623 = arith.sitofp %parallel_loop3A_622 : vector<16xi32> to vector<16xf32>
      %parallel_loop3A_624 = arith.cmpf ogt, %parallel_loop3A_621, %parallel_loop3A_623 : vector<16xf32>
      %parallel_loop3A_625 = arith.extui %parallel_loop3A_624 : vector<16xi1> to vector<16xi32>
      %parallel_loop3A_626 = arith.addi %parallel_loop3A_622, %parallel_loop3A_625 : vector<16xi32>
      %parallel_loop3A_627 = arith.constant 2047 : i32
      %parallel_loop3A_628 = vector.broadcast %parallel_loop3A_627 : i32 to vector<16xi32>
      %parallel_loop3A_629 = arith.minsi %parallel_loop3A_614, %parallel_loop3A_628 : vector<16xi32>
      %parallel_loop3A_630 = arith.constant 2047 : i32
      %parallel_loop3A_631 = vector.broadcast %parallel_loop3A_630 : i32 to vector<16xi32>
      %parallel_loop3A_632 = arith.minsi %parallel_loop3A_626, %parallel_loop3A_631 : vector<16xi32>
      %parallel_loop3A_633 = arith.subi %parallel_loop3A_632, %parallel_loop3A_629 : vector<16xi32>
      %parallel_loop3A_634 = arith.sitofp %parallel_loop3A_633 : vector<16xi32> to vector<16xf32>
      %parallel_loop3A_635 = arith.index_cast %parallel_loop3A_610 : i32 to index
      %parallel_loop3A_636 = tpu.vector_load %arg12[%parallel_loop3A_635] {strides = array<i32>} : memref<512xi32, #tpu.memory_space<vmem>>, vector<16xi32>,
      tpu.vector_store %arg12[%parallel_loop3A_635], %parallel_loop3A_629 {strides = array<i32>} : memref<512xi32, #tpu.memory_space<vmem>>, vector<16xi32>,
      %parallel_loop3A_637 = arith.index_cast %parallel_loop3A_610 : i32 to index
      %parallel_loop3A_638 = tpu.vector_load %arg13[%parallel_loop3A_637] {strides = array<i32>} : memref<512xi32, #tpu.memory_space<vmem>>, vector<16xi32>,
      tpu.vector_store %arg13[%parallel_loop3A_637], %parallel_loop3A_632 {strides = array<i32>} : memref<512xi32, #tpu.memory_space<vmem>>, vector<16xi32>,
      %parallel_loop3A_639 = arith.constant 1.000000e+00 : f32
      %parallel_loop3A_640 = vector.broadcast %parallel_loop3A_639 : f32 to vector<16xf32>
      %parallel_loop3A_641 = arith.maximumf %parallel_loop3A_634, %parallel_loop3A_640 : vector<16xf32>
      %parallel_loop3A_642 = arith.constant 1.000000e+00 : f32
      %parallel_loop3A_643 = vector.broadcast %parallel_loop3A_642 : f32 to vector<16xf32>
      %parallel_loop3A_644 = arith.divf %parallel_loop3A_643, %parallel_loop3A_641 : vector<16xf32>
      %parallel_loop3A_645 = arith.index_cast %parallel_loop3A_610 : i32 to index
      %parallel_loop3A_646 = tpu.vector_load %arg14[%parallel_loop3A_645] {strides = array<i32>} : memref<512xf32, #tpu.memory_space<vmem>>, vector<16xf32>,
      tpu.vector_store %arg14[%parallel_loop3A_645], %parallel_loop3A_644 {strides = array<i32>} : memref<512xf32, #tpu.memory_space<vmem>>, vector<16xf32>,
    } {sc.loop_unroll_factor = 2 : i64, sc.parallel_access}
    %dma_wait3A = arith.constant 0 : i32
    %dma_wait3A_52 = arith.constant 0 : i32
    %dma_wait3A_53 = tpu.memref_slice %arg8[%dma_wait3A, %dma_wait3A_52] : memref<2048x33xf32, #tpu.memory_space<vmem>> -> memref<2048x32xf32, #tpu.memory_space<vmem>>
    %dma_wait3A_54 = arith.constant 0 : i32
    %dma_wait3A_55 = tpu.memref_slice %arg2[%select_n3A, %dma_wait3A_54, %mul3A_36] : memref<8x2048x128xf32, #tpu.memory_space<hbm>> -> memref<1x2048x32xf32, #tpu.memory_space<hbm>>
    %dma_wait3A_56 = tpu.memref_squeeze %dma_wait3A_55 : memref<1x2048x32xf32, #tpu.memory_space<hbm>> -> memref<2048x32xf32, #tpu.memory_space<hbm>>
    %dma_wait3A_57 = arith.constant 0 : i32
    %dma_wait3A_58 = arith.constant 0 : i32
    %dma_wait3A_59 = tpu.memref_slice %arg8[%dma_wait3A_57, %dma_wait3A_58] : memref<2048x33xf32, #tpu.memory_space<vmem>> -> memref<2048x32xf32, #tpu.memory_space<vmem>>
    %dma_wait3A_60 = arith.constant 0 : i32
    %dma_wait3A_61 = tpu.memref_slice %arg2[%select_n3A, %dma_wait3A_60, %mul3A_36] : memref<8x2048x128xf32, #tpu.memory_space<hbm>> -> memref<1x2048x32xf32, #tpu.memory_space<hbm>>
    %dma_wait3A_62 = tpu.memref_squeeze %dma_wait3A_61 : memref<1x2048x32xf32, #tpu.memory_space<hbm>> -> memref<2048x32xf32, #tpu.memory_space<hbm>>
    tpu.wait_dma2 semaphore(%arg15 : memref<!tpu.dma_semaphore, #tpu.memory_space<semaphore_mem>>) src(%dma_wait3A_62 : memref<2048x32xf32, #tpu.memory_space<hbm>>) dst(%dma_wait3A_59 : memref<2048x32xf32, #tpu.memory_space<vmem>>)
    %parallel_loop3A_63 = arith.constant 0 : i32
    %parallel_loop3A_64 = arith.constant 2048 : i32
    %parallel_loop3A_65 = arith.constant 1 : i32
    %parallel_loop3A_66:2 = scf.for %parallel_loop3A_601 = %parallel_loop3A_63 to %parallel_loop3A_64 step %parallel_loop3A_65 iter_args(%parallel_loop3A_602 = %broadcast_in_dim3A_2, %parallel_loop3A_603 = %broadcast_in_dim3A_2) -> (vector<16xf32>, vector<16xf32>)  : i32 {
      %parallel_loop3A_604 = vector.broadcast %parallel_loop3A_601 : i32 to vector<16xi32>
      %parallel_loop3A_605 = tpu.vector_load_idx %arg8[%parallel_loop3A_604, %iota3A] : memref<2048x33xf32, #tpu.memory_space<vmem>>[vector<16xi32>, vector<16xi32>], vector<16xf32>,
      tpu.vector_store_idx %arg8[%parallel_loop3A_604, %iota3A], %parallel_loop3A_602 : memref<2048x33xf32, #tpu.memory_space<vmem>>[vector<16xi32>, vector<16xi32>], vector<16xf32>,
      %parallel_loop3A_606 = tpu.vector_load_idx %arg8[%parallel_loop3A_604, %add3A_1] : memref<2048x33xf32, #tpu.memory_space<vmem>>[vector<16xi32>, vector<16xi32>], vector<16xf32>,
      tpu.vector_store_idx %arg8[%parallel_loop3A_604, %add3A_1], %parallel_loop3A_603 : memref<2048x33xf32, #tpu.memory_space<vmem>>[vector<16xi32>, vector<16xi32>], vector<16xf32>,
      %parallel_loop3A_607 = arith.addf %parallel_loop3A_602, %parallel_loop3A_605 : vector<16xf32>
      %parallel_loop3A_608 = arith.addf %parallel_loop3A_603, %parallel_loop3A_606 : vector<16xf32>
      scf.yield %parallel_loop3A_607, %parallel_loop3A_608 : vector<16xf32>, vector<16xf32>
    } {sc.loop_unroll_factor = 8 : i64, sc.parallel_access}
    %parallel_loop3A_67 = arith.constant 0 : i32
    %parallel_loop3A_68 = arith.constant 512 : i32
    %parallel_loop3A_69 = arith.constant 1 : i32
    scf.for %parallel_loop3A_601 = %parallel_loop3A_67 to %parallel_loop3A_68 step %parallel_loop3A_69  : i32 {
      %parallel_loop3A_602 = arith.constant 16 : i32
      %parallel_loop3A_603 = arith.remsi %parallel_loop3A_601, %parallel_loop3A_602 : i32
      %parallel_loop3A_604 = arith.subi %parallel_loop3A_601, %parallel_loop3A_603 : i32
      %parallel_loop3A_605 = arith.index_cast %parallel_loop3A_604 : i32 to index
      %parallel_loop3A_606 = tpu.vector_load %arg12[%parallel_loop3A_605] {strides = array<i32>} : memref<512xi32, #tpu.memory_space<vmem>>, vector<16xi32>,
      %parallel_loop3A_607 = arith.index_cast %parallel_loop3A_604 : i32 to index
      %parallel_loop3A_608 = tpu.vector_load %arg13[%parallel_loop3A_607] {strides = array<i32>} : memref<512xi32, #tpu.memory_space<vmem>>, vector<16xi32>,
      %parallel_loop3A_609 = arith.index_cast %parallel_loop3A_604 : i32 to index
      %parallel_loop3A_610 = tpu.vector_load %arg14[%parallel_loop3A_609] {strides = array<i32>} : memref<512xf32, #tpu.memory_space<vmem>>, vector<16xf32>,
      %parallel_loop3A_611 = vector.broadcast %parallel_loop3A_604 : i32 to vector<16xi32>
      %parallel_loop3A_612 = arith.addi %parallel_loop3A_611, %iota3A : vector<16xi32>
      %parallel_loop3A_613 = vector.broadcast %parallel_loop3A_603 : i32 to vector<16xi32>
      %parallel_loop3A_614 = arith.constant 16 : i32
      %parallel_loop3A_615 = vector.broadcast %parallel_loop3A_614 : i32 to vector<16xi32>
      %parallel_loop3A_616 = arith.addi %parallel_loop3A_613, %parallel_loop3A_615 : vector<16xi32>
      %parallel_loop3A_617 = tpu.vector_load_idx %arg8[%parallel_loop3A_608, %parallel_loop3A_613] : memref<2048x33xf32, #tpu.memory_space<vmem>>[vector<16xi32>, vector<16xi32>], vector<16xf32>,
      %parallel_loop3A_618 = tpu.vector_load_idx %arg8[%parallel_loop3A_606, %parallel_loop3A_613] : memref<2048x33xf32, #tpu.memory_space<vmem>>[vector<16xi32>, vector<16xi32>], vector<16xf32>,
      %parallel_loop3A_619 = arith.subf %parallel_loop3A_617, %parallel_loop3A_618 : vector<16xf32>
      %parallel_loop3A_620 = arith.mulf %parallel_loop3A_619, %parallel_loop3A_610 : vector<16xf32>
      tpu.vector_store_idx %arg9[%parallel_loop3A_612, %parallel_loop3A_613], %parallel_loop3A_620 : memref<512x33xf32, #tpu.memory_space<vmem>>[vector<16xi32>, vector<16xi32>], vector<16xf32>,
      %parallel_loop3A_621 = tpu.vector_load_idx %arg8[%parallel_loop3A_608, %parallel_loop3A_616] : memref<2048x33xf32, #tpu.memory_space<vmem>>[vector<16xi32>, vector<16xi32>], vector<16xf32>,
      %parallel_loop3A_622 = tpu.vector_load_idx %arg8[%parallel_loop3A_606, %parallel_loop3A_616] : memref<2048x33xf32, #tpu.memory_space<vmem>>[vector<16xi32>, vector<16xi32>], vector<16xf32>,
      %parallel_loop3A_623 = arith.subf %parallel_loop3A_621, %parallel_loop3A_622 : vector<16xf32>
      %parallel_loop3A_624 = arith.mulf %parallel_loop3A_623, %parallel_loop3A_610 : vector<16xf32>
      tpu.vector_store_idx %arg9[%parallel_loop3A_612, %parallel_loop3A_616], %parallel_loop3A_624 : memref<512x33xf32, #tpu.memory_space<vmem>>[vector<16xi32>, vector<16xi32>], vector<16xf32>,
    } {sc.loop_unroll_factor = 2 : i64, sc.parallel_access}
    %dma_start3A_70 = arith.constant 0 : i32
    %dma_start3A_71 = arith.constant 0 : i32
    %dma_start3A_72 = tpu.memref_slice %arg9[%dma_start3A_70, %dma_start3A_71] : memref<512x33xf32, #tpu.memory_space<vmem>> -> memref<512x32xf32, #tpu.memory_space<vmem>>
    %dma_start3A_73 = arith.constant 0 : i32
    %dma_start3A_74 = tpu.memref_slice %arg7[%select_n3A, %dma_start3A_73, %add3A_38] : memref<8x512x512xf32, #tpu.memory_space<hbm>> -> memref<1x512x32xf32, #tpu.memory_space<hbm>>
    %dma_start3A_75 = tpu.memref_squeeze %dma_start3A_74 : memref<1x512x32xf32, #tpu.memory_space<hbm>> -> memref<512x32xf32, #tpu.memory_space<hbm>>
    %dma_start3A_76 = arith.constant 0 : i32
    %dma_start3A_77 = tpu.memref_slice %arg7[%select_n3A, %dma_start3A_76, %add3A_38] : memref<8x512x512xf32, #tpu.memory_space<hbm>> -> memref<1x512x32xf32, #tpu.memory_space<hbm>>
    %dma_start3A_78 = tpu.memref_squeeze %dma_start3A_77 : memref<1x512x32xf32, #tpu.memory_space<hbm>> -> memref<512x32xf32, #tpu.memory_space<hbm>>
    %dma_start3A_79 = arith.constant 0 : i32
    %dma_start3A_80 = arith.constant 0 : i32
    %dma_start3A_81 = tpu.memref_slice %arg9[%dma_start3A_79, %dma_start3A_80] : memref<512x33xf32, #tpu.memory_space<vmem>> -> memref<512x32xf32, #tpu.memory_space<vmem>>
    tpu.enqueue_dma source(%dma_start3A_81 : memref<512x32xf32, #tpu.memory_space<vmem>>) target(%dma_start3A_78 : memref<512x32xf32, #tpu.memory_space<hbm>>) target_semaphore(%arg16 : memref<!tpu.dma_semaphore, #tpu.memory_space<semaphore_mem>>)
    %mul3A_82 = arith.constant 2 : i32
    %mul3A_83 = arith.muli %arg1, %mul3A_82 : i32
    %add3A_84 = arith.addi %mul3A_83, %arg0 : i32
    %jit3A_85 = arith.constant 4 : i32
    %div3A_86 = arith.divsi %add3A_84, %jit3A_85 : i32
    %sign3A_87 = arith.constant 0 : i32
    %sign3A_88 = arith.cmpi sgt, %add3A_84, %sign3A_87 : i32
    %sign3A_89 = arith.extui %sign3A_88 : i1 to i32
    %sign3A_90 = arith.constant 0 : i32
    %sign3A_91 = arith.cmpi slt, %add3A_84, %sign3A_90 : i32
    %sign3A_92 = arith.extui %sign3A_91 : i1 to i32
    %sign3A_93 = arith.subi %sign3A_89, %sign3A_92 : i32
    %sign3A_94 = arith.constant 0 : i32
    %sign3A_95 = arith.cmpi sgt, %jit3A_85, %sign3A_94 : i32
    %sign3A_96 = arith.extui %sign3A_95 : i1 to i32
    %sign3A_97 = arith.constant 0 : i32
    %sign3A_98 = arith.cmpi slt, %jit3A_85, %sign3A_97 : i32
    %sign3A_99 = arith.extui %sign3A_98 : i1 to i32
    %sign3A_100 = arith.subi %sign3A_96, %sign3A_99 : i32
    %ne3A_101 = arith.cmpi ne, %sign3A_93, %sign3A_100 : i32
    %rem3A_102 = arith.remsi %add3A_84, %jit3A_85 : i32
    %ne3A_103 = arith.constant 0 : i32
    %ne3A_104 = arith.cmpi ne, %rem3A_102, %ne3A_103 : i32
    %and3A_105 = arith.andi %ne3A_101, %ne3A_104 : i1
    %sub3A_106 = arith.constant 1 : i32
    %sub3A_107 = arith.subi %div3A_86, %sub3A_106 : i32
    %select_n3A_108 = arith.select %and3A_105, %sub3A_107, %div3A_86 : i32
    %jit3A_109 = arith.constant 4 : i32
    %eq3A_110 = arith.constant 0 : i32
    %eq3A_111 = arith.cmpi eq, %jit3A_109, %eq3A_110 : i32
    %jit3A_112 = arith.constant 1 : i32
    %select_n3A_113 = arith.select %eq3A_111, %jit3A_112, %jit3A_109 : i32
    %rem3A_114 = arith.remsi %add3A_84, %select_n3A_113 : i32
    %ne3A_115 = arith.constant 0 : i32
    %ne3A_116 = arith.cmpi ne, %rem3A_114, %ne3A_115 : i32
    %lt3A_117 = arith.constant 0 : i32
    %lt3A_118 = arith.cmpi slt, %rem3A_114, %lt3A_117 : i32
    %lt3A_119 = arith.constant 0 : i32
    %lt3A_120 = arith.cmpi slt, %select_n3A_113, %lt3A_119 : i32
    %ne3A_121 = arith.xori %lt3A_118, %lt3A_120 : i1
    %and3A_122 = arith.andi %ne3A_121, %ne3A_116 : i1
    %add3A_123 = arith.addi %rem3A_114, %select_n3A_113 : i32
    %select_n3A_124 = arith.select %and3A_122, %add3A_123, %rem3A_114 : i32
    %mul3A_125 = arith.constant 32 : i32
    %mul3A_126 = arith.muli %select_n3A_124, %mul3A_125 : i32
    %add3A_127 = arith.constant 128 : i32
    %add3A_128 = arith.addi %add3A_127, %mul3A_126 : i32
    %dma_start3A_129 = arith.constant 0 : i32
    %dma_start3A_130 = arith.constant 0 : i32
    %dma_start3A_131 = tpu.memref_slice %arg8[%dma_start3A_129, %dma_start3A_130] : memref<2048x33xf32, #tpu.memory_space<vmem>> -> memref<1024x32xf32, #tpu.memory_space<vmem>>
    %dma_start3A_132 = arith.constant 0 : i32
    %dma_start3A_133 = tpu.memref_slice %arg3[%select_n3A_108, %dma_start3A_132, %mul3A_126] : memref<8x1024x128xf32, #tpu.memory_space<hbm>> -> memref<1x1024x32xf32, #tpu.memory_space<hbm>>
    %dma_start3A_134 = tpu.memref_squeeze %dma_start3A_133 : memref<1x1024x32xf32, #tpu.memory_space<hbm>> -> memref<1024x32xf32, #tpu.memory_space<hbm>>
    %dma_start3A_135 = arith.constant 0 : i32
    %dma_start3A_136 = arith.constant 0 : i32
    %dma_start3A_137 = tpu.memref_slice %arg8[%dma_start3A_135, %dma_start3A_136] : memref<2048x33xf32, #tpu.memory_space<vmem>> -> memref<1024x32xf32, #tpu.memory_space<vmem>>
    %dma_start3A_138 = arith.constant 0 : i32
    %dma_start3A_139 = tpu.memref_slice %arg3[%select_n3A_108, %dma_start3A_138, %mul3A_126] : memref<8x1024x128xf32, #tpu.memory_space<hbm>> -> memref<1x1024x32xf32, #tpu.memory_space<hbm>>
    %dma_start3A_140 = tpu.memref_squeeze %dma_start3A_139 : memref<1x1024x32xf32, #tpu.memory_space<hbm>> -> memref<1024x32xf32, #tpu.memory_space<hbm>>
    tpu.enqueue_dma source(%dma_start3A_140 : memref<1024x32xf32, #tpu.memory_space<hbm>>) target(%dma_start3A_137 : memref<1024x32xf32, #tpu.memory_space<vmem>>) target_semaphore(%arg15 : memref<!tpu.dma_semaphore, #tpu.memory_space<semaphore_mem>>)
    %parallel_loop3A_141 = arith.constant 0 : i32
    %parallel_loop3A_142 = arith.constant 32 : i32
    %parallel_loop3A_143 = arith.constant 1 : i32
    scf.for %parallel_loop3A_601 = %parallel_loop3A_141 to %parallel_loop3A_142 step %parallel_loop3A_143  : i32 {
      %parallel_loop3A_602 = arith.constant 16 : i32
      %parallel_loop3A_603 = arith.muli %parallel_loop3A_601, %parallel_loop3A_602 : i32
      %parallel_loop3A_604 = vector.broadcast %parallel_loop3A_603 : i32 to vector<16xi32>
      %parallel_loop3A_605 = arith.addi %parallel_loop3A_604, %iota3A : vector<16xi32>
      %parallel_loop3A_606 = vector.broadcast %select_n3A_108 : i32 to vector<16xi32>
      %parallel_loop3A_607 = tpu.vector_load_idx %arg10[%parallel_loop3A_606, %parallel_loop3A_605] : memref<8x512xf32, #tpu.memory_space<vmem>>[vector<16xi32>, vector<16xi32>], vector<16xf32>,
      %parallel_loop3A_608 = tpu.vector_load_idx %arg11[%parallel_loop3A_606, %parallel_loop3A_605] : memref<8x512xf32, #tpu.memory_space<vmem>>[vector<16xi32>, vector<16xi32>], vector<16xf32>,
      %parallel_loop3A_609 = arith.constant 16 : i32
      %parallel_loop3A_610 = arith.muli %parallel_loop3A_601, %parallel_loop3A_609 : i32
      %parallel_loop3A_611 = arith.constant 5.000000e-01 : f32
      %parallel_loop3A_612 = vector.broadcast %parallel_loop3A_611 : f32 to vector<16xf32>
      %parallel_loop3A_613 = arith.mulf %parallel_loop3A_607, %parallel_loop3A_612 : vector<16xf32>
      %parallel_loop3A_614 = arith.fptosi %parallel_loop3A_613 : vector<16xf32> to vector<16xi32>
      %parallel_loop3A_615 = arith.addf %parallel_loop3A_607, %parallel_loop3A_608 : vector<16xf32>
      %parallel_loop3A_616 = arith.constant 1.000000e-03 : f32
      %parallel_loop3A_617 = vector.broadcast %parallel_loop3A_616 : f32 to vector<16xf32>
      %parallel_loop3A_618 = arith.addf %parallel_loop3A_615, %parallel_loop3A_617 : vector<16xf32>
      %parallel_loop3A_619 = arith.constant 5.000000e-01 : f32
      %parallel_loop3A_620 = vector.broadcast %parallel_loop3A_619 : f32 to vector<16xf32>
      %parallel_loop3A_621 = arith.mulf %parallel_loop3A_618, %parallel_loop3A_620 : vector<16xf32>
      %parallel_loop3A_622 = arith.fptosi %parallel_loop3A_621 : vector<16xf32> to vector<16xi32>
      %parallel_loop3A_623 = arith.sitofp %parallel_loop3A_622 : vector<16xi32> to vector<16xf32>
      %parallel_loop3A_624 = arith.cmpf ogt, %parallel_loop3A_621, %parallel_loop3A_623 : vector<16xf32>
      %parallel_loop3A_625 = arith.extui %parallel_loop3A_624 : vector<16xi1> to vector<16xi32>
      %parallel_loop3A_626 = arith.addi %parallel_loop3A_622, %parallel_loop3A_625 : vector<16xi32>
      %parallel_loop3A_627 = arith.constant 1023 : i32
      %parallel_loop3A_628 = vector.broadcast %parallel_loop3A_627 : i32 to vector<16xi32>
      %parallel_loop3A_629 = arith.minsi %parallel_loop3A_614, %parallel_loop3A_628 : vector<16xi32>
      %parallel_loop3A_630 = arith.constant 1023 : i32
      %parallel_loop3A_631 = vector.broadcast %parallel_loop3A_630 : i32 to vector<16xi32>
      %parallel_loop3A_632 = arith.minsi %parallel_loop3A_626, %parallel_loop3A_631 : vector<16xi32>
      %parallel_loop3A_633 = arith.subi %parallel_loop3A_632, %parallel_loop3A_629 : vector<16xi32>
      %parallel_loop3A_634 = arith.sitofp %parallel_loop3A_633 : vector<16xi32> to vector<16xf32>
      %parallel_loop3A_635 = arith.index_cast %parallel_loop3A_610 : i32 to index
      %parallel_loop3A_636 = tpu.vector_load %arg12[%parallel_loop3A_635] {strides = array<i32>} : memref<512xi32, #tpu.memory_space<vmem>>, vector<16xi32>,
      tpu.vector_store %arg12[%parallel_loop3A_635], %parallel_loop3A_629 {strides = array<i32>} : memref<512xi32, #tpu.memory_space<vmem>>, vector<16xi32>,
      %parallel_loop3A_637 = arith.index_cast %parallel_loop3A_610 : i32 to index
      %parallel_loop3A_638 = tpu.vector_load %arg13[%parallel_loop3A_637] {strides = array<i32>} : memref<512xi32, #tpu.memory_space<vmem>>, vector<16xi32>,
      tpu.vector_store %arg13[%parallel_loop3A_637], %parallel_loop3A_632 {strides = array<i32>} : memref<512xi32, #tpu.memory_space<vmem>>, vector<16xi32>,
      %parallel_loop3A_639 = arith.constant 1.000000e+00 : f32
      %parallel_loop3A_640 = vector.broadcast %parallel_loop3A_639 : f32 to vector<16xf32>
      %parallel_loop3A_641 = arith.maximumf %parallel_loop3A_634, %parallel_loop3A_640 : vector<16xf32>
      %parallel_loop3A_642 = arith.constant 1.000000e+00 : f32
      %parallel_loop3A_643 = vector.broadcast %parallel_loop3A_642 : f32 to vector<16xf32>
      %parallel_loop3A_644 = arith.divf %parallel_loop3A_643, %parallel_loop3A_641 : vector<16xf32>
      %parallel_loop3A_645 = arith.index_cast %parallel_loop3A_610 : i32 to index
      %parallel_loop3A_646 = tpu.vector_load %arg14[%parallel_loop3A_645] {strides = array<i32>} : memref<512xf32, #tpu.memory_space<vmem>>, vector<16xf32>,
      tpu.vector_store %arg14[%parallel_loop3A_645], %parallel_loop3A_644 {strides = array<i32>} : memref<512xf32, #tpu.memory_space<vmem>>, vector<16xf32>,
    } {sc.loop_unroll_factor = 2 : i64, sc.parallel_access}
    %dma_wait3A_144 = arith.constant 0 : i32
    %dma_wait3A_145 = arith.constant 0 : i32
    %dma_wait3A_146 = tpu.memref_slice %arg8[%dma_wait3A_144, %dma_wait3A_145] : memref<2048x33xf32, #tpu.memory_space<vmem>> -> memref<1024x32xf32, #tpu.memory_space<vmem>>
    %dma_wait3A_147 = arith.constant 0 : i32
    %dma_wait3A_148 = tpu.memref_slice %arg3[%select_n3A_108, %dma_wait3A_147, %mul3A_126] : memref<8x1024x128xf32, #tpu.memory_space<hbm>> -> memref<1x1024x32xf32, #tpu.memory_space<hbm>>
    %dma_wait3A_149 = tpu.memref_squeeze %dma_wait3A_148 : memref<1x1024x32xf32, #tpu.memory_space<hbm>> -> memref<1024x32xf32, #tpu.memory_space<hbm>>
    %dma_wait3A_150 = arith.constant 0 : i32
    %dma_wait3A_151 = arith.constant 0 : i32
    %dma_wait3A_152 = tpu.memref_slice %arg8[%dma_wait3A_150, %dma_wait3A_151] : memref<2048x33xf32, #tpu.memory_space<vmem>> -> memref<1024x32xf32, #tpu.memory_space<vmem>>
    %dma_wait3A_153 = arith.constant 0 : i32
    %dma_wait3A_154 = tpu.memref_slice %arg3[%select_n3A_108, %dma_wait3A_153, %mul3A_126] : memref<8x1024x128xf32, #tpu.memory_space<hbm>> -> memref<1x1024x32xf32, #tpu.memory_space<hbm>>
    %dma_wait3A_155 = tpu.memref_squeeze %dma_wait3A_154 : memref<1x1024x32xf32, #tpu.memory_space<hbm>> -> memref<1024x32xf32, #tpu.memory_space<hbm>>
    tpu.wait_dma2 semaphore(%arg15 : memref<!tpu.dma_semaphore, #tpu.memory_space<semaphore_mem>>) src(%dma_wait3A_155 : memref<1024x32xf32, #tpu.memory_space<hbm>>) dst(%dma_wait3A_152 : memref<1024x32xf32, #tpu.memory_space<vmem>>)
    %parallel_loop3A_156 = arith.constant 0 : i32
    %parallel_loop3A_157 = arith.constant 1024 : i32
    %parallel_loop3A_158 = arith.constant 1 : i32
    %parallel_loop3A_159:2 = scf.for %parallel_loop3A_601 = %parallel_loop3A_156 to %parallel_loop3A_157 step %parallel_loop3A_158 iter_args(%parallel_loop3A_602 = %broadcast_in_dim3A_2, %parallel_loop3A_603 = %broadcast_in_dim3A_2) -> (vector<16xf32>, vector<16xf32>)  : i32 {
      %parallel_loop3A_604 = vector.broadcast %parallel_loop3A_601 : i32 to vector<16xi32>
      %parallel_loop3A_605 = tpu.vector_load_idx %arg8[%parallel_loop3A_604, %iota3A] : memref<2048x33xf32, #tpu.memory_space<vmem>>[vector<16xi32>, vector<16xi32>], vector<16xf32>,
      tpu.vector_store_idx %arg8[%parallel_loop3A_604, %iota3A], %parallel_loop3A_602 : memref<2048x33xf32, #tpu.memory_space<vmem>>[vector<16xi32>, vector<16xi32>], vector<16xf32>,
      %parallel_loop3A_606 = tpu.vector_load_idx %arg8[%parallel_loop3A_604, %add3A_1] : memref<2048x33xf32, #tpu.memory_space<vmem>>[vector<16xi32>, vector<16xi32>], vector<16xf32>,
      tpu.vector_store_idx %arg8[%parallel_loop3A_604, %add3A_1], %parallel_loop3A_603 : memref<2048x33xf32, #tpu.memory_space<vmem>>[vector<16xi32>, vector<16xi32>], vector<16xf32>,
      %parallel_loop3A_607 = arith.addf %parallel_loop3A_602, %parallel_loop3A_605 : vector<16xf32>
      %parallel_loop3A_608 = arith.addf %parallel_loop3A_603, %parallel_loop3A_606 : vector<16xf32>
      scf.yield %parallel_loop3A_607, %parallel_loop3A_608 : vector<16xf32>, vector<16xf32>
    } {sc.loop_unroll_factor = 8 : i64, sc.parallel_access}
    %mul3A_160 = arith.constant 2 : i32
    %mul3A_161 = arith.muli %arg1, %mul3A_160 : i32
    %add3A_162 = arith.addi %mul3A_161, %arg0 : i32
    %jit3A_163 = arith.constant 4 : i32
    %div3A_164 = arith.divsi %add3A_162, %jit3A_163 : i32
    %sign3A_165 = arith.constant 0 : i32
    %sign3A_166 = arith.cmpi sgt, %add3A_162, %sign3A_165 : i32
    %sign3A_167 = arith.extui %sign3A_166 : i1 to i32
    %sign3A_168 = arith.constant 0 : i32
    %sign3A_169 = arith.cmpi slt, %add3A_162, %sign3A_168 : i32
    %sign3A_170 = arith.extui %sign3A_169 : i1 to i32
    %sign3A_171 = arith.subi %sign3A_167, %sign3A_170 : i32
    %sign3A_172 = arith.constant 0 : i32
    %sign3A_173 = arith.cmpi sgt, %jit3A_163, %sign3A_172 : i32
    %sign3A_174 = arith.extui %sign3A_173 : i1 to i32
    %sign3A_175 = arith.constant 0 : i32
    %sign3A_176 = arith.cmpi slt, %jit3A_163, %sign3A_175 : i32
    %sign3A_177 = arith.extui %sign3A_176 : i1 to i32
    %sign3A_178 = arith.subi %sign3A_174, %sign3A_177 : i32
    %ne3A_179 = arith.cmpi ne, %sign3A_171, %sign3A_178 : i32
    %rem3A_180 = arith.remsi %add3A_162, %jit3A_163 : i32
    %ne3A_181 = arith.constant 0 : i32
    %ne3A_182 = arith.cmpi ne, %rem3A_180, %ne3A_181 : i32
    %and3A_183 = arith.andi %ne3A_179, %ne3A_182 : i1
    %sub3A_184 = arith.constant 1 : i32
    %sub3A_185 = arith.subi %div3A_164, %sub3A_184 : i32
    %select_n3A_186 = arith.select %and3A_183, %sub3A_185, %div3A_164 : i32
    %jit3A_187 = arith.constant 4 : i32
    %eq3A_188 = arith.constant 0 : i32
    %eq3A_189 = arith.cmpi eq, %jit3A_187, %eq3A_188 : i32
    %jit3A_190 = arith.constant 1 : i32
    %select_n3A_191 = arith.select %eq3A_189, %jit3A_190, %jit3A_187 : i32
    %rem3A_192 = arith.remsi %add3A_162, %select_n3A_191 : i32
    %ne3A_193 = arith.constant 0 : i32
    %ne3A_194 = arith.cmpi ne, %rem3A_192, %ne3A_193 : i32
    %lt3A_195 = arith.constant 0 : i32
    %lt3A_196 = arith.cmpi slt, %rem3A_192, %lt3A_195 : i32
    %lt3A_197 = arith.constant 0 : i32
    %lt3A_198 = arith.cmpi slt, %select_n3A_191, %lt3A_197 : i32
    %ne3A_199 = arith.xori %lt3A_196, %lt3A_198 : i1
    %and3A_200 = arith.andi %ne3A_199, %ne3A_194 : i1
    %add3A_201 = arith.addi %rem3A_192, %select_n3A_191 : i32
    %select_n3A_202 = arith.select %and3A_200, %add3A_201, %rem3A_192 : i32
    %mul3A_203 = arith.constant 32 : i32
    %mul3A_204 = arith.muli %select_n3A_202, %mul3A_203 : i32
    %add3A_205 = arith.constant 0 : i32
    %add3A_206 = arith.addi %add3A_205, %mul3A_204 : i32
    %dma_wait3A_207 = arith.constant 0 : i32
    %dma_wait3A_208 = arith.constant 0 : i32
    %dma_wait3A_209 = tpu.memref_slice %arg9[%dma_wait3A_207, %dma_wait3A_208] : memref<512x33xf32, #tpu.memory_space<vmem>> -> memref<512x32xf32, #tpu.memory_space<vmem>>
    %dma_wait3A_210 = arith.constant 0 : i32
    %dma_wait3A_211 = tpu.memref_slice %arg7[%select_n3A_186, %dma_wait3A_210, %add3A_206] : memref<8x512x512xf32, #tpu.memory_space<hbm>> -> memref<1x512x32xf32, #tpu.memory_space<hbm>>
    %dma_wait3A_212 = tpu.memref_squeeze %dma_wait3A_211 : memref<1x512x32xf32, #tpu.memory_space<hbm>> -> memref<512x32xf32, #tpu.memory_space<hbm>>
    %dma_wait3A_213 = arith.constant 0 : i32
    %dma_wait3A_214 = tpu.memref_slice %arg7[%select_n3A_186, %dma_wait3A_213, %add3A_206] : memref<8x512x512xf32, #tpu.memory_space<hbm>> -> memref<1x512x32xf32, #tpu.memory_space<hbm>>
    %dma_wait3A_215 = tpu.memref_squeeze %dma_wait3A_214 : memref<1x512x32xf32, #tpu.memory_space<hbm>> -> memref<512x32xf32, #tpu.memory_space<hbm>>
    %dma_wait3A_216 = arith.constant 0 : i32
    %dma_wait3A_217 = arith.constant 0 : i32
    %dma_wait3A_218 = tpu.memref_slice %arg9[%dma_wait3A_216, %dma_wait3A_217] : memref<512x33xf32, #tpu.memory_space<vmem>> -> memref<512x32xf32, #tpu.memory_space<vmem>>
    tpu.wait_dma2 semaphore(%arg16 : memref<!tpu.dma_semaphore, #tpu.memory_space<semaphore_mem>>) src(%dma_wait3A_218 : memref<512x32xf32, #tpu.memory_space<vmem>>) dst(%dma_wait3A_215 : memref<512x32xf32, #tpu.memory_space<hbm>>)
    %parallel_loop3A_219 = arith.constant 0 : i32
    %parallel_loop3A_220 = arith.constant 512 : i32
    %parallel_loop3A_221 = arith.constant 1 : i32
    scf.for %parallel_loop3A_601 = %parallel_loop3A_219 to %parallel_loop3A_220 step %parallel_loop3A_221  : i32 {
      %parallel_loop3A_602 = arith.constant 16 : i32
      %parallel_loop3A_603 = arith.remsi %parallel_loop3A_601, %parallel_loop3A_602 : i32
      %parallel_loop3A_604 = arith.subi %parallel_loop3A_601, %parallel_loop3A_603 : i32
      %parallel_loop3A_605 = arith.index_cast %parallel_loop3A_604 : i32 to index
      %parallel_loop3A_606 = tpu.vector_load %arg12[%parallel_loop3A_605] {strides = array<i32>} : memref<512xi32, #tpu.memory_space<vmem>>, vector<16xi32>,
      %parallel_loop3A_607 = arith.index_cast %parallel_loop3A_604 : i32 to index
      %parallel_loop3A_608 = tpu.vector_load %arg13[%parallel_loop3A_607] {strides = array<i32>} : memref<512xi32, #tpu.memory_space<vmem>>, vector<16xi32>,
      %parallel_loop3A_609 = arith.index_cast %parallel_loop3A_604 : i32 to index
      %parallel_loop3A_610 = tpu.vector_load %arg14[%parallel_loop3A_609] {strides = array<i32>} : memref<512xf32, #tpu.memory_space<vmem>>, vector<16xf32>,
      %parallel_loop3A_611 = vector.broadcast %parallel_loop3A_604 : i32 to vector<16xi32>
      %parallel_loop3A_612 = arith.addi %parallel_loop3A_611, %iota3A : vector<16xi32>
      %parallel_loop3A_613 = vector.broadcast %parallel_loop3A_603 : i32 to vector<16xi32>
      %parallel_loop3A_614 = arith.constant 16 : i32
      %parallel_loop3A_615 = vector.broadcast %parallel_loop3A_614 : i32 to vector<16xi32>
      %parallel_loop3A_616 = arith.addi %parallel_loop3A_613, %parallel_loop3A_615 : vector<16xi32>
      %parallel_loop3A_617 = tpu.vector_load_idx %arg8[%parallel_loop3A_608, %parallel_loop3A_613] : memref<2048x33xf32, #tpu.memory_space<vmem>>[vector<16xi32>, vector<16xi32>], vector<16xf32>,
      %parallel_loop3A_618 = tpu.vector_load_idx %arg8[%parallel_loop3A_606, %parallel_loop3A_613] : memref<2048x33xf32, #tpu.memory_space<vmem>>[vector<16xi32>, vector<16xi32>], vector<16xf32>,
      %parallel_loop3A_619 = arith.subf %parallel_loop3A_617, %parallel_loop3A_618 : vector<16xf32>
      %parallel_loop3A_620 = arith.mulf %parallel_loop3A_619, %parallel_loop3A_610 : vector<16xf32>
      tpu.vector_store_idx %arg9[%parallel_loop3A_612, %parallel_loop3A_613], %parallel_loop3A_620 : memref<512x33xf32, #tpu.memory_space<vmem>>[vector<16xi32>, vector<16xi32>], vector<16xf32>,
      %parallel_loop3A_621 = tpu.vector_load_idx %arg8[%parallel_loop3A_608, %parallel_loop3A_616] : memref<2048x33xf32, #tpu.memory_space<vmem>>[vector<16xi32>, vector<16xi32>], vector<16xf32>,
      %parallel_loop3A_622 = tpu.vector_load_idx %arg8[%parallel_loop3A_606, %parallel_loop3A_616] : memref<2048x33xf32, #tpu.memory_space<vmem>>[vector<16xi32>, vector<16xi32>], vector<16xf32>,
      %parallel_loop3A_623 = arith.subf %parallel_loop3A_621, %parallel_loop3A_622 : vector<16xf32>
      %parallel_loop3A_624 = arith.mulf %parallel_loop3A_623, %parallel_loop3A_610 : vector<16xf32>
      tpu.vector_store_idx %arg9[%parallel_loop3A_612, %parallel_loop3A_616], %parallel_loop3A_624 : memref<512x33xf32, #tpu.memory_space<vmem>>[vector<16xi32>, vector<16xi32>], vector<16xf32>,
    } {sc.loop_unroll_factor = 2 : i64, sc.parallel_access}
    %dma_start3A_222 = arith.constant 0 : i32
    %dma_start3A_223 = arith.constant 0 : i32
    %dma_start3A_224 = tpu.memref_slice %arg9[%dma_start3A_222, %dma_start3A_223] : memref<512x33xf32, #tpu.memory_space<vmem>> -> memref<512x32xf32, #tpu.memory_space<vmem>>
    %dma_start3A_225 = arith.constant 0 : i32
    %dma_start3A_226 = tpu.memref_slice %arg7[%select_n3A_108, %dma_start3A_225, %add3A_128] : memref<8x512x512xf32, #tpu.memory_space<hbm>> -> memref<1x512x32xf32, #tpu.memory_space<hbm>>
    %dma_start3A_227 = tpu.memref_squeeze %dma_start3A_226 : memref<1x512x32xf32, #tpu.memory_space<hbm>> -> memref<512x32xf32, #tpu.memory_space<hbm>>
    %dma_start3A_228 = arith.constant 0 : i32
    %dma_start3A_229 = tpu.memref_slice %arg7[%select_n3A_108, %dma_start3A_228, %add3A_128] : memref<8x512x512xf32, #tpu.memory_space<hbm>> -> memref<1x512x32xf32, #tpu.memory_space<hbm>>
    %dma_start3A_230 = tpu.memref_squeeze %dma_start3A_229 : memref<1x512x32xf32, #tpu.memory_space<hbm>> -> memref<512x32xf32, #tpu.memory_space<hbm>>
    %dma_start3A_231 = arith.constant 0 : i32
    %dma_start3A_232 = arith.constant 0 : i32
    %dma_start3A_233 = tpu.memref_slice %arg9[%dma_start3A_231, %dma_start3A_232] : memref<512x33xf32, #tpu.memory_space<vmem>> -> memref<512x32xf32, #tpu.memory_space<vmem>>
    tpu.enqueue_dma source(%dma_start3A_233 : memref<512x32xf32, #tpu.memory_space<vmem>>) target(%dma_start3A_230 : memref<512x32xf32, #tpu.memory_space<hbm>>) target_semaphore(%arg16 : memref<!tpu.dma_semaphore, #tpu.memory_space<semaphore_mem>>)
    %mul3A_234 = arith.constant 2 : i32
    %mul3A_235 = arith.muli %arg1, %mul3A_234 : i32
    %add3A_236 = arith.addi %mul3A_235, %arg0 : i32
    %jit3A_237 = arith.constant 8 : i32
    %div3A_238 = arith.divsi %add3A_236, %jit3A_237 : i32
    %sign3A_239 = arith.constant 0 : i32
    %sign3A_240 = arith.cmpi sgt, %add3A_236, %sign3A_239 : i32
    %sign3A_241 = arith.extui %sign3A_240 : i1 to i32
    %sign3A_242 = arith.constant 0 : i32
    %sign3A_243 = arith.cmpi slt, %add3A_236, %sign3A_242 : i32
    %sign3A_244 = arith.extui %sign3A_243 : i1 to i32
    %sign3A_245 = arith.subi %sign3A_241, %sign3A_244 : i32
    %sign3A_246 = arith.constant 0 : i32
    %sign3A_247 = arith.cmpi sgt, %jit3A_237, %sign3A_246 : i32
    %sign3A_248 = arith.extui %sign3A_247 : i1 to i32
    %sign3A_249 = arith.constant 0 : i32
    %sign3A_250 = arith.cmpi slt, %jit3A_237, %sign3A_249 : i32
    %sign3A_251 = arith.extui %sign3A_250 : i1 to i32
    %sign3A_252 = arith.subi %sign3A_248, %sign3A_251 : i32
    %ne3A_253 = arith.cmpi ne, %sign3A_245, %sign3A_252 : i32
    %rem3A_254 = arith.remsi %add3A_236, %jit3A_237 : i32
    %ne3A_255 = arith.constant 0 : i32
    %ne3A_256 = arith.cmpi ne, %rem3A_254, %ne3A_255 : i32
    %and3A_257 = arith.andi %ne3A_253, %ne3A_256 : i1
    %sub3A_258 = arith.constant 1 : i32
    %sub3A_259 = arith.subi %div3A_238, %sub3A_258 : i32
    %select_n3A_260 = arith.select %and3A_257, %sub3A_259, %div3A_238 : i32
    %jit3A_261 = arith.constant 8 : i32
    %eq3A_262 = arith.constant 0 : i32
    %eq3A_263 = arith.cmpi eq, %jit3A_261, %eq3A_262 : i32
    %jit3A_264 = arith.constant 1 : i32
    %select_n3A_265 = arith.select %eq3A_263, %jit3A_264, %jit3A_261 : i32
    %rem3A_266 = arith.remsi %add3A_236, %select_n3A_265 : i32
    %ne3A_267 = arith.constant 0 : i32
    %ne3A_268 = arith.cmpi ne, %rem3A_266, %ne3A_267 : i32
    %lt3A_269 = arith.constant 0 : i32
    %lt3A_270 = arith.cmpi slt, %rem3A_266, %lt3A_269 : i32
    %lt3A_271 = arith.constant 0 : i32
    %lt3A_272 = arith.cmpi slt, %select_n3A_265, %lt3A_271 : i32
    %ne3A_273 = arith.xori %lt3A_270, %lt3A_272 : i1
    %and3A_274 = arith.andi %ne3A_273, %ne3A_268 : i1
    %add3A_275 = arith.addi %rem3A_266, %select_n3A_265 : i32
    %select_n3A_276 = arith.select %and3A_274, %add3A_275, %rem3A_266 : i32
    %mul3A_277 = arith.constant 32 : i32
    %mul3A_278 = arith.muli %select_n3A_276, %mul3A_277 : i32
    %add3A_279 = arith.constant 256 : i32
    %add3A_280 = arith.addi %add3A_279, %mul3A_278 : i32
    %dma_start3A_281 = arith.constant 0 : i32
    %dma_start3A_282 = arith.constant 0 : i32
    %dma_start3A_283 = tpu.memref_slice %arg8[%dma_start3A_281, %dma_start3A_282] : memref<2048x33xf32, #tpu.memory_space<vmem>> -> memref<512x32xf32, #tpu.memory_space<vmem>>
    %dma_start3A_284 = arith.constant 0 : i32
    %dma_start3A_285 = tpu.memref_slice %arg4[%select_n3A_260, %dma_start3A_284, %mul3A_278] : memref<8x512x256xf32, #tpu.memory_space<hbm>> -> memref<1x512x32xf32, #tpu.memory_space<hbm>>
    %dma_start3A_286 = tpu.memref_squeeze %dma_start3A_285 : memref<1x512x32xf32, #tpu.memory_space<hbm>> -> memref<512x32xf32, #tpu.memory_space<hbm>>
    %dma_start3A_287 = arith.constant 0 : i32
    %dma_start3A_288 = arith.constant 0 : i32
    %dma_start3A_289 = tpu.memref_slice %arg8[%dma_start3A_287, %dma_start3A_288] : memref<2048x33xf32, #tpu.memory_space<vmem>> -> memref<512x32xf32, #tpu.memory_space<vmem>>
    %dma_start3A_290 = arith.constant 0 : i32
    %dma_start3A_291 = tpu.memref_slice %arg4[%select_n3A_260, %dma_start3A_290, %mul3A_278] : memref<8x512x256xf32, #tpu.memory_space<hbm>> -> memref<1x512x32xf32, #tpu.memory_space<hbm>>
    %dma_start3A_292 = tpu.memref_squeeze %dma_start3A_291 : memref<1x512x32xf32, #tpu.memory_space<hbm>> -> memref<512x32xf32, #tpu.memory_space<hbm>>
    tpu.enqueue_dma source(%dma_start3A_292 : memref<512x32xf32, #tpu.memory_space<hbm>>) target(%dma_start3A_289 : memref<512x32xf32, #tpu.memory_space<vmem>>) target_semaphore(%arg15 : memref<!tpu.dma_semaphore, #tpu.memory_space<semaphore_mem>>)
    %parallel_loop3A_293 = arith.constant 0 : i32
    %parallel_loop3A_294 = arith.constant 32 : i32
    %parallel_loop3A_295 = arith.constant 1 : i32
    scf.for %parallel_loop3A_601 = %parallel_loop3A_293 to %parallel_loop3A_294 step %parallel_loop3A_295  : i32 {
      %parallel_loop3A_602 = arith.constant 16 : i32
      %parallel_loop3A_603 = arith.muli %parallel_loop3A_601, %parallel_loop3A_602 : i32
      %parallel_loop3A_604 = vector.broadcast %parallel_loop3A_603 : i32 to vector<16xi32>
      %parallel_loop3A_605 = arith.addi %parallel_loop3A_604, %iota3A : vector<16xi32>
      %parallel_loop3A_606 = vector.broadcast %select_n3A_260 : i32 to vector<16xi32>
      %parallel_loop3A_607 = tpu.vector_load_idx %arg10[%parallel_loop3A_606, %parallel_loop3A_605] : memref<8x512xf32, #tpu.memory_space<vmem>>[vector<16xi32>, vector<16xi32>], vector<16xf32>,
      %parallel_loop3A_608 = tpu.vector_load_idx %arg11[%parallel_loop3A_606, %parallel_loop3A_605] : memref<8x512xf32, #tpu.memory_space<vmem>>[vector<16xi32>, vector<16xi32>], vector<16xf32>,
      %parallel_loop3A_609 = arith.constant 16 : i32
      %parallel_loop3A_610 = arith.muli %parallel_loop3A_601, %parallel_loop3A_609 : i32
      %parallel_loop3A_611 = arith.constant 2.500000e-01 : f32
      %parallel_loop3A_612 = vector.broadcast %parallel_loop3A_611 : f32 to vector<16xf32>
      %parallel_loop3A_613 = arith.mulf %parallel_loop3A_607, %parallel_loop3A_612 : vector<16xf32>
      %parallel_loop3A_614 = arith.fptosi %parallel_loop3A_613 : vector<16xf32> to vector<16xi32>
      %parallel_loop3A_615 = arith.addf %parallel_loop3A_607, %parallel_loop3A_608 : vector<16xf32>
      %parallel_loop3A_616 = arith.constant 1.000000e-03 : f32
      %parallel_loop3A_617 = vector.broadcast %parallel_loop3A_616 : f32 to vector<16xf32>
      %parallel_loop3A_618 = arith.addf %parallel_loop3A_615, %parallel_loop3A_617 : vector<16xf32>
      %parallel_loop3A_619 = arith.constant 2.500000e-01 : f32
      %parallel_loop3A_620 = vector.broadcast %parallel_loop3A_619 : f32 to vector<16xf32>
      %parallel_loop3A_621 = arith.mulf %parallel_loop3A_618, %parallel_loop3A_620 : vector<16xf32>
      %parallel_loop3A_622 = arith.fptosi %parallel_loop3A_621 : vector<16xf32> to vector<16xi32>
      %parallel_loop3A_623 = arith.sitofp %parallel_loop3A_622 : vector<16xi32> to vector<16xf32>
      %parallel_loop3A_624 = arith.cmpf ogt, %parallel_loop3A_621, %parallel_loop3A_623 : vector<16xf32>
      %parallel_loop3A_625 = arith.extui %parallel_loop3A_624 : vector<16xi1> to vector<16xi32>
      %parallel_loop3A_626 = arith.addi %parallel_loop3A_622, %parallel_loop3A_625 : vector<16xi32>
      %parallel_loop3A_627 = arith.constant 511 : i32
      %parallel_loop3A_628 = vector.broadcast %parallel_loop3A_627 : i32 to vector<16xi32>
      %parallel_loop3A_629 = arith.minsi %parallel_loop3A_614, %parallel_loop3A_628 : vector<16xi32>
      %parallel_loop3A_630 = arith.constant 511 : i32
      %parallel_loop3A_631 = vector.broadcast %parallel_loop3A_630 : i32 to vector<16xi32>
      %parallel_loop3A_632 = arith.minsi %parallel_loop3A_626, %parallel_loop3A_631 : vector<16xi32>
      %parallel_loop3A_633 = arith.subi %parallel_loop3A_632, %parallel_loop3A_629 : vector<16xi32>
      %parallel_loop3A_634 = arith.sitofp %parallel_loop3A_633 : vector<16xi32> to vector<16xf32>
      %parallel_loop3A_635 = arith.index_cast %parallel_loop3A_610 : i32 to index
      %parallel_loop3A_636 = tpu.vector_load %arg12[%parallel_loop3A_635] {strides = array<i32>} : memref<512xi32, #tpu.memory_space<vmem>>, vector<16xi32>,
      tpu.vector_store %arg12[%parallel_loop3A_635], %parallel_loop3A_629 {strides = array<i32>} : memref<512xi32, #tpu.memory_space<vmem>>, vector<16xi32>,
      %parallel_loop3A_637 = arith.index_cast %parallel_loop3A_610 : i32 to index
      %parallel_loop3A_638 = tpu.vector_load %arg13[%parallel_loop3A_637] {strides = array<i32>} : memref<512xi32, #tpu.memory_space<vmem>>, vector<16xi32>,
      tpu.vector_store %arg13[%parallel_loop3A_637], %parallel_loop3A_632 {strides = array<i32>} : memref<512xi32, #tpu.memory_space<vmem>>, vector<16xi32>,
      %parallel_loop3A_639 = arith.constant 1.000000e+00 : f32
      %parallel_loop3A_640 = vector.broadcast %parallel_loop3A_639 : f32 to vector<16xf32>
      %parallel_loop3A_641 = arith.maximumf %parallel_loop3A_634, %parallel_loop3A_640 : vector<16xf32>
      %parallel_loop3A_642 = arith.constant 1.000000e+00 : f32
      %parallel_loop3A_643 = vector.broadcast %parallel_loop3A_642 : f32 to vector<16xf32>
      %parallel_loop3A_644 = arith.divf %parallel_loop3A_643, %parallel_loop3A_641 : vector<16xf32>
      %parallel_loop3A_645 = arith.index_cast %parallel_loop3A_610 : i32 to index
      %parallel_loop3A_646 = tpu.vector_load %arg14[%parallel_loop3A_645] {strides = array<i32>} : memref<512xf32, #tpu.memory_space<vmem>>, vector<16xf32>,
      tpu.vector_store %arg14[%parallel_loop3A_645], %parallel_loop3A_644 {strides = array<i32>} : memref<512xf32, #tpu.memory_space<vmem>>, vector<16xf32>,
    } {sc.loop_unroll_factor = 2 : i64, sc.parallel_access}
    %dma_wait3A_296 = arith.constant 0 : i32
    %dma_wait3A_297 = arith.constant 0 : i32
    %dma_wait3A_298 = tpu.memref_slice %arg8[%dma_wait3A_296, %dma_wait3A_297] : memref<2048x33xf32, #tpu.memory_space<vmem>> -> memref<512x32xf32, #tpu.memory_space<vmem>>
    %dma_wait3A_299 = arith.constant 0 : i32
    %dma_wait3A_300 = tpu.memref_slice %arg4[%select_n3A_260, %dma_wait3A_299, %mul3A_278] : memref<8x512x256xf32, #tpu.memory_space<hbm>> -> memref<1x512x32xf32, #tpu.memory_space<hbm>>
    %dma_wait3A_301 = tpu.memref_squeeze %dma_wait3A_300 : memref<1x512x32xf32, #tpu.memory_space<hbm>> -> memref<512x32xf32, #tpu.memory_space<hbm>>
    %dma_wait3A_302 = arith.constant 0 : i32
    %dma_wait3A_303 = arith.constant 0 : i32
    %dma_wait3A_304 = tpu.memref_slice %arg8[%dma_wait3A_302, %dma_wait3A_303] : memref<2048x33xf32, #tpu.memory_space<vmem>> -> memref<512x32xf32, #tpu.memory_space<vmem>>
    %dma_wait3A_305 = arith.constant 0 : i32
    %dma_wait3A_306 = tpu.memref_slice %arg4[%select_n3A_260, %dma_wait3A_305, %mul3A_278] : memref<8x512x256xf32, #tpu.memory_space<hbm>> -> memref<1x512x32xf32, #tpu.memory_space<hbm>>
    %dma_wait3A_307 = tpu.memref_squeeze %dma_wait3A_306 : memref<1x512x32xf32, #tpu.memory_space<hbm>> -> memref<512x32xf32, #tpu.memory_space<hbm>>
    tpu.wait_dma2 semaphore(%arg15 : memref<!tpu.dma_semaphore, #tpu.memory_space<semaphore_mem>>) src(%dma_wait3A_307 : memref<512x32xf32, #tpu.memory_space<hbm>>) dst(%dma_wait3A_304 : memref<512x32xf32, #tpu.memory_space<vmem>>)
    %parallel_loop3A_308 = arith.constant 0 : i32
    %parallel_loop3A_309 = arith.constant 512 : i32
    %parallel_loop3A_310 = arith.constant 1 : i32
    %parallel_loop3A_311:2 = scf.for %parallel_loop3A_601 = %parallel_loop3A_308 to %parallel_loop3A_309 step %parallel_loop3A_310 iter_args(%parallel_loop3A_602 = %broadcast_in_dim3A_2, %parallel_loop3A_603 = %broadcast_in_dim3A_2) -> (vector<16xf32>, vector<16xf32>)  : i32 {
      %parallel_loop3A_604 = vector.broadcast %parallel_loop3A_601 : i32 to vector<16xi32>
      %parallel_loop3A_605 = tpu.vector_load_idx %arg8[%parallel_loop3A_604, %iota3A] : memref<2048x33xf32, #tpu.memory_space<vmem>>[vector<16xi32>, vector<16xi32>], vector<16xf32>,
      tpu.vector_store_idx %arg8[%parallel_loop3A_604, %iota3A], %parallel_loop3A_602 : memref<2048x33xf32, #tpu.memory_space<vmem>>[vector<16xi32>, vector<16xi32>], vector<16xf32>,
      %parallel_loop3A_606 = tpu.vector_load_idx %arg8[%parallel_loop3A_604, %add3A_1] : memref<2048x33xf32, #tpu.memory_space<vmem>>[vector<16xi32>, vector<16xi32>], vector<16xf32>,
      tpu.vector_store_idx %arg8[%parallel_loop3A_604, %add3A_1], %parallel_loop3A_603 : memref<2048x33xf32, #tpu.memory_space<vmem>>[vector<16xi32>, vector<16xi32>], vector<16xf32>,
      %parallel_loop3A_607 = arith.addf %parallel_loop3A_602, %parallel_loop3A_605 : vector<16xf32>
      %parallel_loop3A_608 = arith.addf %parallel_loop3A_603, %parallel_loop3A_606 : vector<16xf32>
      scf.yield %parallel_loop3A_607, %parallel_loop3A_608 : vector<16xf32>, vector<16xf32>
    } {sc.loop_unroll_factor = 8 : i64, sc.parallel_access}
    %mul3A_312 = arith.constant 2 : i32
    %mul3A_313 = arith.muli %arg1, %mul3A_312 : i32
    %add3A_314 = arith.addi %mul3A_313, %arg0 : i32
    %jit3A_315 = arith.constant 4 : i32
    %div3A_316 = arith.divsi %add3A_314, %jit3A_315 : i32
    %sign3A_317 = arith.constant 0 : i32
    %sign3A_318 = arith.cmpi sgt, %add3A_314, %sign3A_317 : i32
    %sign3A_319 = arith.extui %sign3A_318 : i1 to i32
    %sign3A_320 = arith.constant 0 : i32
    %sign3A_321 = arith.cmpi slt, %add3A_314, %sign3A_320 : i32
    %sign3A_322 = arith.extui %sign3A_321 : i1 to i32
    %sign3A_323 = arith.subi %sign3A_319, %sign3A_322 : i32
    %sign3A_324 = arith.constant 0 : i32
    %sign3A_325 = arith.cmpi sgt, %jit3A_315, %sign3A_324 : i32
    %sign3A_326 = arith.extui %sign3A_325 : i1 to i32
    %sign3A_327 = arith.constant 0 : i32
    %sign3A_328 = arith.cmpi slt, %jit3A_315, %sign3A_327 : i32
    %sign3A_329 = arith.extui %sign3A_328 : i1 to i32
    %sign3A_330 = arith.subi %sign3A_326, %sign3A_329 : i32
    %ne3A_331 = arith.cmpi ne, %sign3A_323, %sign3A_330 : i32
    %rem3A_332 = arith.remsi %add3A_314, %jit3A_315 : i32
    %ne3A_333 = arith.constant 0 : i32
    %ne3A_334 = arith.cmpi ne, %rem3A_332, %ne3A_333 : i32
    %and3A_335 = arith.andi %ne3A_331, %ne3A_334 : i1
    %sub3A_336 = arith.constant 1 : i32
    %sub3A_337 = arith.subi %div3A_316, %sub3A_336 : i32
    %select_n3A_338 = arith.select %and3A_335, %sub3A_337, %div3A_316 : i32
    %jit3A_339 = arith.constant 4 : i32
    %eq3A_340 = arith.constant 0 : i32
    %eq3A_341 = arith.cmpi eq, %jit3A_339, %eq3A_340 : i32
    %jit3A_342 = arith.constant 1 : i32
    %select_n3A_343 = arith.select %eq3A_341, %jit3A_342, %jit3A_339 : i32
    %rem3A_344 = arith.remsi %add3A_314, %select_n3A_343 : i32
    %ne3A_345 = arith.constant 0 : i32
    %ne3A_346 = arith.cmpi ne, %rem3A_344, %ne3A_345 : i32
    %lt3A_347 = arith.constant 0 : i32
    %lt3A_348 = arith.cmpi slt, %rem3A_344, %lt3A_347 : i32
    %lt3A_349 = arith.constant 0 : i32
    %lt3A_350 = arith.cmpi slt, %select_n3A_343, %lt3A_349 : i32
    %ne3A_351 = arith.xori %lt3A_348, %lt3A_350 : i1
    %and3A_352 = arith.andi %ne3A_351, %ne3A_346 : i1
    %add3A_353 = arith.addi %rem3A_344, %select_n3A_343 : i32
    %select_n3A_354 = arith.select %and3A_352, %add3A_353, %rem3A_344 : i32
    %mul3A_355 = arith.constant 32 : i32
    %mul3A_356 = arith.muli %select_n3A_354, %mul3A_355 : i32
    %add3A_357 = arith.constant 128 : i32
    %add3A_358 = arith.addi %add3A_357, %mul3A_356 : i32
    %dma_wait3A_359 = arith.constant 0 : i32
    %dma_wait3A_360 = arith.constant 0 : i32
    %dma_wait3A_361 = tpu.memref_slice %arg9[%dma_wait3A_359, %dma_wait3A_360] : memref<512x33xf32, #tpu.memory_space<vmem>> -> memref<512x32xf32, #tpu.memory_space<vmem>>
    %dma_wait3A_362 = arith.constant 0 : i32
    %dma_wait3A_363 = tpu.memref_slice %arg7[%select_n3A_338, %dma_wait3A_362, %add3A_358] : memref<8x512x512xf32, #tpu.memory_space<hbm>> -> memref<1x512x32xf32, #tpu.memory_space<hbm>>
    %dma_wait3A_364 = tpu.memref_squeeze %dma_wait3A_363 : memref<1x512x32xf32, #tpu.memory_space<hbm>> -> memref<512x32xf32, #tpu.memory_space<hbm>>
    %dma_wait3A_365 = arith.constant 0 : i32
    %dma_wait3A_366 = tpu.memref_slice %arg7[%select_n3A_338, %dma_wait3A_365, %add3A_358] : memref<8x512x512xf32, #tpu.memory_space<hbm>> -> memref<1x512x32xf32, #tpu.memory_space<hbm>>
    %dma_wait3A_367 = tpu.memref_squeeze %dma_wait3A_366 : memref<1x512x32xf32, #tpu.memory_space<hbm>> -> memref<512x32xf32, #tpu.memory_space<hbm>>
    %dma_wait3A_368 = arith.constant 0 : i32
    %dma_wait3A_369 = arith.constant 0 : i32
    %dma_wait3A_370 = tpu.memref_slice %arg9[%dma_wait3A_368, %dma_wait3A_369] : memref<512x33xf32, #tpu.memory_space<vmem>> -> memref<512x32xf32, #tpu.memory_space<vmem>>
    tpu.wait_dma2 semaphore(%arg16 : memref<!tpu.dma_semaphore, #tpu.memory_space<semaphore_mem>>) src(%dma_wait3A_370 : memref<512x32xf32, #tpu.memory_space<vmem>>) dst(%dma_wait3A_367 : memref<512x32xf32, #tpu.memory_space<hbm>>)
    %parallel_loop3A_371 = arith.constant 0 : i32
    %parallel_loop3A_372 = arith.constant 512 : i32
    %parallel_loop3A_373 = arith.constant 1 : i32
    scf.for %parallel_loop3A_601 = %parallel_loop3A_371 to %parallel_loop3A_372 step %parallel_loop3A_373  : i32 {
      %parallel_loop3A_602 = arith.constant 16 : i32
      %parallel_loop3A_603 = arith.remsi %parallel_loop3A_601, %parallel_loop3A_602 : i32
      %parallel_loop3A_604 = arith.subi %parallel_loop3A_601, %parallel_loop3A_603 : i32
      %parallel_loop3A_605 = arith.index_cast %parallel_loop3A_604 : i32 to index
      %parallel_loop3A_606 = tpu.vector_load %arg12[%parallel_loop3A_605] {strides = array<i32>} : memref<512xi32, #tpu.memory_space<vmem>>, vector<16xi32>,
      %parallel_loop3A_607 = arith.index_cast %parallel_loop3A_604 : i32 to index
      %parallel_loop3A_608 = tpu.vector_load %arg13[%parallel_loop3A_607] {strides = array<i32>} : memref<512xi32, #tpu.memory_space<vmem>>, vector<16xi32>,
      %parallel_loop3A_609 = arith.index_cast %parallel_loop3A_604 : i32 to index
      %parallel_loop3A_610 = tpu.vector_load %arg14[%parallel_loop3A_609] {strides = array<i32>} : memref<512xf32, #tpu.memory_space<vmem>>, vector<16xf32>,
      %parallel_loop3A_611 = vector.broadcast %parallel_loop3A_604 : i32 to vector<16xi32>
      %parallel_loop3A_612 = arith.addi %parallel_loop3A_611, %iota3A : vector<16xi32>
      %parallel_loop3A_613 = vector.broadcast %parallel_loop3A_603 : i32 to vector<16xi32>
      %parallel_loop3A_614 = arith.constant 16 : i32
      %parallel_loop3A_615 = vector.broadcast %parallel_loop3A_614 : i32 to vector<16xi32>
      %parallel_loop3A_616 = arith.addi %parallel_loop3A_613, %parallel_loop3A_615 : vector<16xi32>
      %parallel_loop3A_617 = tpu.vector_load_idx %arg8[%parallel_loop3A_608, %parallel_loop3A_613] : memref<2048x33xf32, #tpu.memory_space<vmem>>[vector<16xi32>, vector<16xi32>], vector<16xf32>,
      %parallel_loop3A_618 = tpu.vector_load_idx %arg8[%parallel_loop3A_606, %parallel_loop3A_613] : memref<2048x33xf32, #tpu.memory_space<vmem>>[vector<16xi32>, vector<16xi32>], vector<16xf32>,
      %parallel_loop3A_619 = arith.subf %parallel_loop3A_617, %parallel_loop3A_618 : vector<16xf32>
      %parallel_loop3A_620 = arith.mulf %parallel_loop3A_619, %parallel_loop3A_610 : vector<16xf32>
      tpu.vector_store_idx %arg9[%parallel_loop3A_612, %parallel_loop3A_613], %parallel_loop3A_620 : memref<512x33xf32, #tpu.memory_space<vmem>>[vector<16xi32>, vector<16xi32>], vector<16xf32>,
      %parallel_loop3A_621 = tpu.vector_load_idx %arg8[%parallel_loop3A_608, %parallel_loop3A_616] : memref<2048x33xf32, #tpu.memory_space<vmem>>[vector<16xi32>, vector<16xi32>], vector<16xf32>,
      %parallel_loop3A_622 = tpu.vector_load_idx %arg8[%parallel_loop3A_606, %parallel_loop3A_616] : memref<2048x33xf32, #tpu.memory_space<vmem>>[vector<16xi32>, vector<16xi32>], vector<16xf32>,
      %parallel_loop3A_623 = arith.subf %parallel_loop3A_621, %parallel_loop3A_622 : vector<16xf32>
      %parallel_loop3A_624 = arith.mulf %parallel_loop3A_623, %parallel_loop3A_610 : vector<16xf32>
      tpu.vector_store_idx %arg9[%parallel_loop3A_612, %parallel_loop3A_616], %parallel_loop3A_624 : memref<512x33xf32, #tpu.memory_space<vmem>>[vector<16xi32>, vector<16xi32>], vector<16xf32>,
    } {sc.loop_unroll_factor = 2 : i64, sc.parallel_access}
    %dma_start3A_374 = arith.constant 0 : i32
    %dma_start3A_375 = arith.constant 0 : i32
    %dma_start3A_376 = tpu.memref_slice %arg9[%dma_start3A_374, %dma_start3A_375] : memref<512x33xf32, #tpu.memory_space<vmem>> -> memref<512x32xf32, #tpu.memory_space<vmem>>
    %dma_start3A_377 = arith.constant 0 : i32
    %dma_start3A_378 = tpu.memref_slice %arg7[%select_n3A_260, %dma_start3A_377, %add3A_280] : memref<8x512x512xf32, #tpu.memory_space<hbm>> -> memref<1x512x32xf32, #tpu.memory_space<hbm>>
    %dma_start3A_379 = tpu.memref_squeeze %dma_start3A_378 : memref<1x512x32xf32, #tpu.memory_space<hbm>> -> memref<512x32xf32, #tpu.memory_space<hbm>>
    %dma_start3A_380 = arith.constant 0 : i32
    %dma_start3A_381 = tpu.memref_slice %arg7[%select_n3A_260, %dma_start3A_380, %add3A_280] : memref<8x512x512xf32, #tpu.memory_space<hbm>> -> memref<1x512x32xf32, #tpu.memory_space<hbm>>
    %dma_start3A_382 = tpu.memref_squeeze %dma_start3A_381 : memref<1x512x32xf32, #tpu.memory_space<hbm>> -> memref<512x32xf32, #tpu.memory_space<hbm>>
    %dma_start3A_383 = arith.constant 0 : i32
    %dma_start3A_384 = arith.constant 0 : i32
    %dma_start3A_385 = tpu.memref_slice %arg9[%dma_start3A_383, %dma_start3A_384] : memref<512x33xf32, #tpu.memory_space<vmem>> -> memref<512x32xf32, #tpu.memory_space<vmem>>
    tpu.enqueue_dma source(%dma_start3A_385 : memref<512x32xf32, #tpu.memory_space<vmem>>) target(%dma_start3A_382 : memref<512x32xf32, #tpu.memory_space<hbm>>) target_semaphore(%arg16 : memref<!tpu.dma_semaphore, #tpu.memory_space<semaphore_mem>>)
    %mul3A_386 = arith.constant 2 : i32
    %mul3A_387 = arith.muli %arg1, %mul3A_386 : i32
    %add3A_388 = arith.addi %mul3A_387, %arg0 : i32
    %jit3A_389 = arith.constant 8 : i32
    %div3A_390 = arith.divsi %add3A_388, %jit3A_389 : i32
    %sign3A_391 = arith.constant 0 : i32
    %sign3A_392 = arith.cmpi sgt, %add3A_388, %sign3A_391 : i32
    %sign3A_393 = arith.extui %sign3A_392 : i1 to i32
    %sign3A_394 = arith.constant 0 : i32
    %sign3A_395 = arith.cmpi slt, %add3A_388, %sign3A_394 : i32
    %sign3A_396 = arith.extui %sign3A_395 : i1 to i32
    %sign3A_397 = arith.subi %sign3A_393, %sign3A_396 : i32
    %sign3A_398 = arith.constant 0 : i32
    %sign3A_399 = arith.cmpi sgt, %jit3A_389, %sign3A_398 : i32
    %sign3A_400 = arith.extui %sign3A_399 : i1 to i32
    %sign3A_401 = arith.constant 0 : i32
    %sign3A_402 = arith.cmpi slt, %jit3A_389, %sign3A_401 : i32
    %sign3A_403 = arith.extui %sign3A_402 : i1 to i32
    %sign3A_404 = arith.subi %sign3A_400, %sign3A_403 : i32
    %ne3A_405 = arith.cmpi ne, %sign3A_397, %sign3A_404 : i32
    %rem3A_406 = arith.remsi %add3A_388, %jit3A_389 : i32
    %ne3A_407 = arith.constant 0 : i32
    %ne3A_408 = arith.cmpi ne, %rem3A_406, %ne3A_407 : i32
    %and3A_409 = arith.andi %ne3A_405, %ne3A_408 : i1
    %sub3A_410 = arith.constant 1 : i32
    %sub3A_411 = arith.subi %div3A_390, %sub3A_410 : i32
    %select_n3A_412 = arith.select %and3A_409, %sub3A_411, %div3A_390 : i32
    %add3A_413 = arith.constant 4 : i32
    %add3A_414 = arith.addi %add3A_413, %select_n3A_412 : i32
    %jit3A_415 = arith.constant 8 : i32
    %eq3A_416 = arith.constant 0 : i32
    %eq3A_417 = arith.cmpi eq, %jit3A_415, %eq3A_416 : i32
    %jit3A_418 = arith.constant 1 : i32
    %select_n3A_419 = arith.select %eq3A_417, %jit3A_418, %jit3A_415 : i32
    %rem3A_420 = arith.remsi %add3A_388, %select_n3A_419 : i32
    %ne3A_421 = arith.constant 0 : i32
    %ne3A_422 = arith.cmpi ne, %rem3A_420, %ne3A_421 : i32
    %lt3A_423 = arith.constant 0 : i32
    %lt3A_424 = arith.cmpi slt, %rem3A_420, %lt3A_423 : i32
    %lt3A_425 = arith.constant 0 : i32
    %lt3A_426 = arith.cmpi slt, %select_n3A_419, %lt3A_425 : i32
    %ne3A_427 = arith.xori %lt3A_424, %lt3A_426 : i1
    %and3A_428 = arith.andi %ne3A_427, %ne3A_422 : i1
    %add3A_429 = arith.addi %rem3A_420, %select_n3A_419 : i32
    %select_n3A_430 = arith.select %and3A_428, %add3A_429, %rem3A_420 : i32
    %mul3A_431 = arith.constant 32 : i32
    %mul3A_432 = arith.muli %select_n3A_430, %mul3A_431 : i32
    %add3A_433 = arith.constant 256 : i32
    %add3A_434 = arith.addi %add3A_433, %mul3A_432 : i32
    %dma_start3A_435 = arith.constant 0 : i32
    %dma_start3A_436 = arith.constant 0 : i32
    %dma_start3A_437 = tpu.memref_slice %arg8[%dma_start3A_435, %dma_start3A_436] : memref<2048x33xf32, #tpu.memory_space<vmem>> -> memref<512x32xf32, #tpu.memory_space<vmem>>
    %dma_start3A_438 = arith.constant 0 : i32
    %dma_start3A_439 = tpu.memref_slice %arg4[%add3A_414, %dma_start3A_438, %mul3A_432] : memref<8x512x256xf32, #tpu.memory_space<hbm>> -> memref<1x512x32xf32, #tpu.memory_space<hbm>>
    %dma_start3A_440 = tpu.memref_squeeze %dma_start3A_439 : memref<1x512x32xf32, #tpu.memory_space<hbm>> -> memref<512x32xf32, #tpu.memory_space<hbm>>
    %dma_start3A_441 = arith.constant 0 : i32
    %dma_start3A_442 = arith.constant 0 : i32
    %dma_start3A_443 = tpu.memref_slice %arg8[%dma_start3A_441, %dma_start3A_442] : memref<2048x33xf32, #tpu.memory_space<vmem>> -> memref<512x32xf32, #tpu.memory_space<vmem>>
    %dma_start3A_444 = arith.constant 0 : i32
    %dma_start3A_445 = tpu.memref_slice %arg4[%add3A_414, %dma_start3A_444, %mul3A_432] : memref<8x512x256xf32, #tpu.memory_space<hbm>> -> memref<1x512x32xf32, #tpu.memory_space<hbm>>
    %dma_start3A_446 = tpu.memref_squeeze %dma_start3A_445 : memref<1x512x32xf32, #tpu.memory_space<hbm>> -> memref<512x32xf32, #tpu.memory_space<hbm>>
    tpu.enqueue_dma source(%dma_start3A_446 : memref<512x32xf32, #tpu.memory_space<hbm>>) target(%dma_start3A_443 : memref<512x32xf32, #tpu.memory_space<vmem>>) target_semaphore(%arg15 : memref<!tpu.dma_semaphore, #tpu.memory_space<semaphore_mem>>)
    %parallel_loop3A_447 = arith.constant 0 : i32
    %parallel_loop3A_448 = arith.constant 32 : i32
    %parallel_loop3A_449 = arith.constant 1 : i32
    scf.for %parallel_loop3A_601 = %parallel_loop3A_447 to %parallel_loop3A_448 step %parallel_loop3A_449  : i32 {
      %parallel_loop3A_602 = arith.constant 16 : i32
      %parallel_loop3A_603 = arith.muli %parallel_loop3A_601, %parallel_loop3A_602 : i32
      %parallel_loop3A_604 = vector.broadcast %parallel_loop3A_603 : i32 to vector<16xi32>
      %parallel_loop3A_605 = arith.addi %parallel_loop3A_604, %iota3A : vector<16xi32>
      %parallel_loop3A_606 = vector.broadcast %add3A_414 : i32 to vector<16xi32>
      %parallel_loop3A_607 = tpu.vector_load_idx %arg10[%parallel_loop3A_606, %parallel_loop3A_605] : memref<8x512xf32, #tpu.memory_space<vmem>>[vector<16xi32>, vector<16xi32>], vector<16xf32>,
      %parallel_loop3A_608 = tpu.vector_load_idx %arg11[%parallel_loop3A_606, %parallel_loop3A_605] : memref<8x512xf32, #tpu.memory_space<vmem>>[vector<16xi32>, vector<16xi32>], vector<16xf32>,
      %parallel_loop3A_609 = arith.constant 16 : i32
      %parallel_loop3A_610 = arith.muli %parallel_loop3A_601, %parallel_loop3A_609 : i32
      %parallel_loop3A_611 = arith.constant 2.500000e-01 : f32
      %parallel_loop3A_612 = vector.broadcast %parallel_loop3A_611 : f32 to vector<16xf32>
      %parallel_loop3A_613 = arith.mulf %parallel_loop3A_607, %parallel_loop3A_612 : vector<16xf32>
      %parallel_loop3A_614 = arith.fptosi %parallel_loop3A_613 : vector<16xf32> to vector<16xi32>
      %parallel_loop3A_615 = arith.addf %parallel_loop3A_607, %parallel_loop3A_608 : vector<16xf32>
      %parallel_loop3A_616 = arith.constant 1.000000e-03 : f32
      %parallel_loop3A_617 = vector.broadcast %parallel_loop3A_616 : f32 to vector<16xf32>
      %parallel_loop3A_618 = arith.addf %parallel_loop3A_615, %parallel_loop3A_617 : vector<16xf32>
      %parallel_loop3A_619 = arith.constant 2.500000e-01 : f32
      %parallel_loop3A_620 = vector.broadcast %parallel_loop3A_619 : f32 to vector<16xf32>
      %parallel_loop3A_621 = arith.mulf %parallel_loop3A_618, %parallel_loop3A_620 : vector<16xf32>
      %parallel_loop3A_622 = arith.fptosi %parallel_loop3A_621 : vector<16xf32> to vector<16xi32>
      %parallel_loop3A_623 = arith.sitofp %parallel_loop3A_622 : vector<16xi32> to vector<16xf32>
      %parallel_loop3A_624 = arith.cmpf ogt, %parallel_loop3A_621, %parallel_loop3A_623 : vector<16xf32>
      %parallel_loop3A_625 = arith.extui %parallel_loop3A_624 : vector<16xi1> to vector<16xi32>
      %parallel_loop3A_626 = arith.addi %parallel_loop3A_622, %parallel_loop3A_625 : vector<16xi32>
      %parallel_loop3A_627 = arith.constant 511 : i32
      %parallel_loop3A_628 = vector.broadcast %parallel_loop3A_627 : i32 to vector<16xi32>
      %parallel_loop3A_629 = arith.minsi %parallel_loop3A_614, %parallel_loop3A_628 : vector<16xi32>
      %parallel_loop3A_630 = arith.constant 511 : i32
      %parallel_loop3A_631 = vector.broadcast %parallel_loop3A_630 : i32 to vector<16xi32>
      %parallel_loop3A_632 = arith.minsi %parallel_loop3A_626, %parallel_loop3A_631 : vector<16xi32>
      %parallel_loop3A_633 = arith.subi %parallel_loop3A_632, %parallel_loop3A_629 : vector<16xi32>
      %parallel_loop3A_634 = arith.sitofp %parallel_loop3A_633 : vector<16xi32> to vector<16xf32>
      %parallel_loop3A_635 = arith.index_cast %parallel_loop3A_610 : i32 to index
      %parallel_loop3A_636 = tpu.vector_load %arg12[%parallel_loop3A_635] {strides = array<i32>} : memref<512xi32, #tpu.memory_space<vmem>>, vector<16xi32>,
      tpu.vector_store %arg12[%parallel_loop3A_635], %parallel_loop3A_629 {strides = array<i32>} : memref<512xi32, #tpu.memory_space<vmem>>, vector<16xi32>,
      %parallel_loop3A_637 = arith.index_cast %parallel_loop3A_610 : i32 to index
      %parallel_loop3A_638 = tpu.vector_load %arg13[%parallel_loop3A_637] {strides = array<i32>} : memref<512xi32, #tpu.memory_space<vmem>>, vector<16xi32>,
      tpu.vector_store %arg13[%parallel_loop3A_637], %parallel_loop3A_632 {strides = array<i32>} : memref<512xi32, #tpu.memory_space<vmem>>, vector<16xi32>,
      %parallel_loop3A_639 = arith.constant 1.000000e+00 : f32
      %parallel_loop3A_640 = vector.broadcast %parallel_loop3A_639 : f32 to vector<16xf32>
      %parallel_loop3A_641 = arith.maximumf %parallel_loop3A_634, %parallel_loop3A_640 : vector<16xf32>
      %parallel_loop3A_642 = arith.constant 1.000000e+00 : f32
      %parallel_loop3A_643 = vector.broadcast %parallel_loop3A_642 : f32 to vector<16xf32>
      %parallel_loop3A_644 = arith.divf %parallel_loop3A_643, %parallel_loop3A_641 : vector<16xf32>
      %parallel_loop3A_645 = arith.index_cast %parallel_loop3A_610 : i32 to index
      %parallel_loop3A_646 = tpu.vector_load %arg14[%parallel_loop3A_645] {strides = array<i32>} : memref<512xf32, #tpu.memory_space<vmem>>, vector<16xf32>,
      tpu.vector_store %arg14[%parallel_loop3A_645], %parallel_loop3A_644 {strides = array<i32>} : memref<512xf32, #tpu.memory_space<vmem>>, vector<16xf32>,
    } {sc.loop_unroll_factor = 2 : i64, sc.parallel_access}
    %dma_wait3A_450 = arith.constant 0 : i32
    %dma_wait3A_451 = arith.constant 0 : i32
    %dma_wait3A_452 = tpu.memref_slice %arg8[%dma_wait3A_450, %dma_wait3A_451] : memref<2048x33xf32, #tpu.memory_space<vmem>> -> memref<512x32xf32, #tpu.memory_space<vmem>>
    %dma_wait3A_453 = arith.constant 0 : i32
    %dma_wait3A_454 = tpu.memref_slice %arg4[%add3A_414, %dma_wait3A_453, %mul3A_432] : memref<8x512x256xf32, #tpu.memory_space<hbm>> -> memref<1x512x32xf32, #tpu.memory_space<hbm>>
    %dma_wait3A_455 = tpu.memref_squeeze %dma_wait3A_454 : memref<1x512x32xf32, #tpu.memory_space<hbm>> -> memref<512x32xf32, #tpu.memory_space<hbm>>
    %dma_wait3A_456 = arith.constant 0 : i32
    %dma_wait3A_457 = arith.constant 0 : i32
    %dma_wait3A_458 = tpu.memref_slice %arg8[%dma_wait3A_456, %dma_wait3A_457] : memref<2048x33xf32, #tpu.memory_space<vmem>> -> memref<512x32xf32, #tpu.memory_space<vmem>>
    %dma_wait3A_459 = arith.constant 0 : i32
    %dma_wait3A_460 = tpu.memref_slice %arg4[%add3A_414, %dma_wait3A_459, %mul3A_432] : memref<8x512x256xf32, #tpu.memory_space<hbm>> -> memref<1x512x32xf32, #tpu.memory_space<hbm>>
    %dma_wait3A_461 = tpu.memref_squeeze %dma_wait3A_460 : memref<1x512x32xf32, #tpu.memory_space<hbm>> -> memref<512x32xf32, #tpu.memory_space<hbm>>
    tpu.wait_dma2 semaphore(%arg15 : memref<!tpu.dma_semaphore, #tpu.memory_space<semaphore_mem>>) src(%dma_wait3A_461 : memref<512x32xf32, #tpu.memory_space<hbm>>) dst(%dma_wait3A_458 : memref<512x32xf32, #tpu.memory_space<vmem>>)
    %parallel_loop3A_462 = arith.constant 0 : i32
    %parallel_loop3A_463 = arith.constant 512 : i32
    %parallel_loop3A_464 = arith.constant 1 : i32
    %parallel_loop3A_465:2 = scf.for %parallel_loop3A_601 = %parallel_loop3A_462 to %parallel_loop3A_463 step %parallel_loop3A_464 iter_args(%parallel_loop3A_602 = %broadcast_in_dim3A_2, %parallel_loop3A_603 = %broadcast_in_dim3A_2) -> (vector<16xf32>, vector<16xf32>)  : i32 {
      %parallel_loop3A_604 = vector.broadcast %parallel_loop3A_601 : i32 to vector<16xi32>
      %parallel_loop3A_605 = tpu.vector_load_idx %arg8[%parallel_loop3A_604, %iota3A] : memref<2048x33xf32, #tpu.memory_space<vmem>>[vector<16xi32>, vector<16xi32>], vector<16xf32>,
      tpu.vector_store_idx %arg8[%parallel_loop3A_604, %iota3A], %parallel_loop3A_602 : memref<2048x33xf32, #tpu.memory_space<vmem>>[vector<16xi32>, vector<16xi32>], vector<16xf32>,
      %parallel_loop3A_606 = tpu.vector_load_idx %arg8[%parallel_loop3A_604, %add3A_1] : memref<2048x33xf32, #tpu.memory_space<vmem>>[vector<16xi32>, vector<16xi32>], vector<16xf32>,
      tpu.vector_store_idx %arg8[%parallel_loop3A_604, %add3A_1], %parallel_loop3A_603 : memref<2048x33xf32, #tpu.memory_space<vmem>>[vector<16xi32>, vector<16xi32>], vector<16xf32>,
      %parallel_loop3A_607 = arith.addf %parallel_loop3A_602, %parallel_loop3A_605 : vector<16xf32>
      %parallel_loop3A_608 = arith.addf %parallel_loop3A_603, %parallel_loop3A_606 : vector<16xf32>
      scf.yield %parallel_loop3A_607, %parallel_loop3A_608 : vector<16xf32>, vector<16xf32>
    } {sc.loop_unroll_factor = 8 : i64, sc.parallel_access}
    %mul3A_466 = arith.constant 2 : i32
    %mul3A_467 = arith.muli %arg1, %mul3A_466 : i32
    %add3A_468 = arith.addi %mul3A_467, %arg0 : i32
    %jit3A_469 = arith.constant 8 : i32
    %div3A_470 = arith.divsi %add3A_468, %jit3A_469 : i32
    %sign3A_471 = arith.constant 0 : i32
    %sign3A_472 = arith.cmpi sgt, %add3A_468, %sign3A_471 : i32
    %sign3A_473 = arith.extui %sign3A_472 : i1 to i32
    %sign3A_474 = arith.constant 0 : i32
    %sign3A_475 = arith.cmpi slt, %add3A_468, %sign3A_474 : i32
    %sign3A_476 = arith.extui %sign3A_475 : i1 to i32
    %sign3A_477 = arith.subi %sign3A_473, %sign3A_476 : i32
    %sign3A_478 = arith.constant 0 : i32
    %sign3A_479 = arith.cmpi sgt, %jit3A_469, %sign3A_478 : i32
    %sign3A_480 = arith.extui %sign3A_479 : i1 to i32
    %sign3A_481 = arith.constant 0 : i32
    %sign3A_482 = arith.cmpi slt, %jit3A_469, %sign3A_481 : i32
    %sign3A_483 = arith.extui %sign3A_482 : i1 to i32
    %sign3A_484 = arith.subi %sign3A_480, %sign3A_483 : i32
    %ne3A_485 = arith.cmpi ne, %sign3A_477, %sign3A_484 : i32
    %rem3A_486 = arith.remsi %add3A_468, %jit3A_469 : i32
    %ne3A_487 = arith.constant 0 : i32
    %ne3A_488 = arith.cmpi ne, %rem3A_486, %ne3A_487 : i32
    %and3A_489 = arith.andi %ne3A_485, %ne3A_488 : i1
    %sub3A_490 = arith.constant 1 : i32
    %sub3A_491 = arith.subi %div3A_470, %sub3A_490 : i32
    %select_n3A_492 = arith.select %and3A_489, %sub3A_491, %div3A_470 : i32
    %jit3A_493 = arith.constant 8 : i32
    %eq3A_494 = arith.constant 0 : i32
    %eq3A_495 = arith.cmpi eq, %jit3A_493, %eq3A_494 : i32
    %jit3A_496 = arith.constant 1 : i32
    %select_n3A_497 = arith.select %eq3A_495, %jit3A_496, %jit3A_493 : i32
    %rem3A_498 = arith.remsi %add3A_468, %select_n3A_497 : i32
    %ne3A_499 = arith.constant 0 : i32
    %ne3A_500 = arith.cmpi ne, %rem3A_498, %ne3A_499 : i32
    %lt3A_501 = arith.constant 0 : i32
    %lt3A_502 = arith.cmpi slt, %rem3A_498, %lt3A_501 : i32
    %lt3A_503 = arith.constant 0 : i32
    %lt3A_504 = arith.cmpi slt, %select_n3A_497, %lt3A_503 : i32
    %ne3A_505 = arith.xori %lt3A_502, %lt3A_504 : i1
    %and3A_506 = arith.andi %ne3A_505, %ne3A_500 : i1
    %add3A_507 = arith.addi %rem3A_498, %select_n3A_497 : i32
    %select_n3A_508 = arith.select %and3A_506, %add3A_507, %rem3A_498 : i32
    %mul3A_509 = arith.constant 32 : i32
    %mul3A_510 = arith.muli %select_n3A_508, %mul3A_509 : i32
    %add3A_511 = arith.constant 256 : i32
    %add3A_512 = arith.addi %add3A_511, %mul3A_510 : i32
    %dma_wait3A_513 = arith.constant 0 : i32
    %dma_wait3A_514 = arith.constant 0 : i32
    %dma_wait3A_515 = tpu.memref_slice %arg9[%dma_wait3A_513, %dma_wait3A_514] : memref<512x33xf32, #tpu.memory_space<vmem>> -> memref<512x32xf32, #tpu.memory_space<vmem>>
    %dma_wait3A_516 = arith.constant 0 : i32
    %dma_wait3A_517 = tpu.memref_slice %arg7[%select_n3A_492, %dma_wait3A_516, %add3A_512] : memref<8x512x512xf32, #tpu.memory_space<hbm>> -> memref<1x512x32xf32, #tpu.memory_space<hbm>>
    %dma_wait3A_518 = tpu.memref_squeeze %dma_wait3A_517 : memref<1x512x32xf32, #tpu.memory_space<hbm>> -> memref<512x32xf32, #tpu.memory_space<hbm>>
    %dma_wait3A_519 = arith.constant 0 : i32
    %dma_wait3A_520 = tpu.memref_slice %arg7[%select_n3A_492, %dma_wait3A_519, %add3A_512] : memref<8x512x512xf32, #tpu.memory_space<hbm>> -> memref<1x512x32xf32, #tpu.memory_space<hbm>>
    %dma_wait3A_521 = tpu.memref_squeeze %dma_wait3A_520 : memref<1x512x32xf32, #tpu.memory_space<hbm>> -> memref<512x32xf32, #tpu.memory_space<hbm>>
    %dma_wait3A_522 = arith.constant 0 : i32
    %dma_wait3A_523 = arith.constant 0 : i32
    %dma_wait3A_524 = tpu.memref_slice %arg9[%dma_wait3A_522, %dma_wait3A_523] : memref<512x33xf32, #tpu.memory_space<vmem>> -> memref<512x32xf32, #tpu.memory_space<vmem>>
    tpu.wait_dma2 semaphore(%arg16 : memref<!tpu.dma_semaphore, #tpu.memory_space<semaphore_mem>>) src(%dma_wait3A_524 : memref<512x32xf32, #tpu.memory_space<vmem>>) dst(%dma_wait3A_521 : memref<512x32xf32, #tpu.memory_space<hbm>>)
    %parallel_loop3A_525 = arith.constant 0 : i32
    %parallel_loop3A_526 = arith.constant 512 : i32
    %parallel_loop3A_527 = arith.constant 1 : i32
    scf.for %parallel_loop3A_601 = %parallel_loop3A_525 to %parallel_loop3A_526 step %parallel_loop3A_527  : i32 {
      %parallel_loop3A_602 = arith.constant 16 : i32
      %parallel_loop3A_603 = arith.remsi %parallel_loop3A_601, %parallel_loop3A_602 : i32
      %parallel_loop3A_604 = arith.subi %parallel_loop3A_601, %parallel_loop3A_603 : i32
      %parallel_loop3A_605 = arith.index_cast %parallel_loop3A_604 : i32 to index
      %parallel_loop3A_606 = tpu.vector_load %arg12[%parallel_loop3A_605] {strides = array<i32>} : memref<512xi32, #tpu.memory_space<vmem>>, vector<16xi32>,
      %parallel_loop3A_607 = arith.index_cast %parallel_loop3A_604 : i32 to index
      %parallel_loop3A_608 = tpu.vector_load %arg13[%parallel_loop3A_607] {strides = array<i32>} : memref<512xi32, #tpu.memory_space<vmem>>, vector<16xi32>,
      %parallel_loop3A_609 = arith.index_cast %parallel_loop3A_604 : i32 to index
      %parallel_loop3A_610 = tpu.vector_load %arg14[%parallel_loop3A_609] {strides = array<i32>} : memref<512xf32, #tpu.memory_space<vmem>>, vector<16xf32>,
      %parallel_loop3A_611 = vector.broadcast %parallel_loop3A_604 : i32 to vector<16xi32>
      %parallel_loop3A_612 = arith.addi %parallel_loop3A_611, %iota3A : vector<16xi32>
      %parallel_loop3A_613 = vector.broadcast %parallel_loop3A_603 : i32 to vector<16xi32>
      %parallel_loop3A_614 = arith.constant 16 : i32
      %parallel_loop3A_615 = vector.broadcast %parallel_loop3A_614 : i32 to vector<16xi32>
      %parallel_loop3A_616 = arith.addi %parallel_loop3A_613, %parallel_loop3A_615 : vector<16xi32>
      %parallel_loop3A_617 = tpu.vector_load_idx %arg8[%parallel_loop3A_608, %parallel_loop3A_613] : memref<2048x33xf32, #tpu.memory_space<vmem>>[vector<16xi32>, vector<16xi32>], vector<16xf32>,
      %parallel_loop3A_618 = tpu.vector_load_idx %arg8[%parallel_loop3A_606, %parallel_loop3A_613] : memref<2048x33xf32, #tpu.memory_space<vmem>>[vector<16xi32>, vector<16xi32>], vector<16xf32>,
      %parallel_loop3A_619 = arith.subf %parallel_loop3A_617, %parallel_loop3A_618 : vector<16xf32>
      %parallel_loop3A_620 = arith.mulf %parallel_loop3A_619, %parallel_loop3A_610 : vector<16xf32>
      tpu.vector_store_idx %arg9[%parallel_loop3A_612, %parallel_loop3A_613], %parallel_loop3A_620 : memref<512x33xf32, #tpu.memory_space<vmem>>[vector<16xi32>, vector<16xi32>], vector<16xf32>,
      %parallel_loop3A_621 = tpu.vector_load_idx %arg8[%parallel_loop3A_608, %parallel_loop3A_616] : memref<2048x33xf32, #tpu.memory_space<vmem>>[vector<16xi32>, vector<16xi32>], vector<16xf32>,
      %parallel_loop3A_622 = tpu.vector_load_idx %arg8[%parallel_loop3A_606, %parallel_loop3A_616] : memref<2048x33xf32, #tpu.memory_space<vmem>>[vector<16xi32>, vector<16xi32>], vector<16xf32>,
      %parallel_loop3A_623 = arith.subf %parallel_loop3A_621, %parallel_loop3A_622 : vector<16xf32>
      %parallel_loop3A_624 = arith.mulf %parallel_loop3A_623, %parallel_loop3A_610 : vector<16xf32>
      tpu.vector_store_idx %arg9[%parallel_loop3A_612, %parallel_loop3A_616], %parallel_loop3A_624 : memref<512x33xf32, #tpu.memory_space<vmem>>[vector<16xi32>, vector<16xi32>], vector<16xf32>,
    } {sc.loop_unroll_factor = 2 : i64, sc.parallel_access}
    %dma_start3A_528 = arith.constant 0 : i32
    %dma_start3A_529 = arith.constant 0 : i32
    %dma_start3A_530 = tpu.memref_slice %arg9[%dma_start3A_528, %dma_start3A_529] : memref<512x33xf32, #tpu.memory_space<vmem>> -> memref<512x32xf32, #tpu.memory_space<vmem>>
    %dma_start3A_531 = arith.constant 0 : i32
    %dma_start3A_532 = tpu.memref_slice %arg7[%add3A_414, %dma_start3A_531, %add3A_434] : memref<8x512x512xf32, #tpu.memory_space<hbm>> -> memref<1x512x32xf32, #tpu.memory_space<hbm>>
    %dma_start3A_533 = tpu.memref_squeeze %dma_start3A_532 : memref<1x512x32xf32, #tpu.memory_space<hbm>> -> memref<512x32xf32, #tpu.memory_space<hbm>>
    %dma_start3A_534 = arith.constant 0 : i32
    %dma_start3A_535 = tpu.memref_slice %arg7[%add3A_414, %dma_start3A_534, %add3A_434] : memref<8x512x512xf32, #tpu.memory_space<hbm>> -> memref<1x512x32xf32, #tpu.memory_space<hbm>>
    %dma_start3A_536 = tpu.memref_squeeze %dma_start3A_535 : memref<1x512x32xf32, #tpu.memory_space<hbm>> -> memref<512x32xf32, #tpu.memory_space<hbm>>
    %dma_start3A_537 = arith.constant 0 : i32
    %dma_start3A_538 = arith.constant 0 : i32
    %dma_start3A_539 = tpu.memref_slice %arg9[%dma_start3A_537, %dma_start3A_538] : memref<512x33xf32, #tpu.memory_space<vmem>> -> memref<512x32xf32, #tpu.memory_space<vmem>>
    tpu.enqueue_dma source(%dma_start3A_539 : memref<512x32xf32, #tpu.memory_space<vmem>>) target(%dma_start3A_536 : memref<512x32xf32, #tpu.memory_space<hbm>>) target_semaphore(%arg16 : memref<!tpu.dma_semaphore, #tpu.memory_space<semaphore_mem>>)
    %mul3A_540 = arith.constant 2 : i32
    %mul3A_541 = arith.muli %arg1, %mul3A_540 : i32
    %add3A_542 = arith.addi %mul3A_541, %arg0 : i32
    %jit3A_543 = arith.constant 8 : i32
    %div3A_544 = arith.divsi %add3A_542, %jit3A_543 : i32
    %sign3A_545 = arith.constant 0 : i32
    %sign3A_546 = arith.cmpi sgt, %add3A_542, %sign3A_545 : i32
    %sign3A_547 = arith.extui %sign3A_546 : i1 to i32
    %sign3A_548 = arith.constant 0 : i32
    %sign3A_549 = arith.cmpi slt, %add3A_542, %sign3A_548 : i32
    %sign3A_550 = arith.extui %sign3A_549 : i1 to i32
    %sign3A_551 = arith.subi %sign3A_547, %sign3A_550 : i32
    %sign3A_552 = arith.constant 0 : i32
    %sign3A_553 = arith.cmpi sgt, %jit3A_543, %sign3A_552 : i32
    %sign3A_554 = arith.extui %sign3A_553 : i1 to i32
    %sign3A_555 = arith.constant 0 : i32
    %sign3A_556 = arith.cmpi slt, %jit3A_543, %sign3A_555 : i32
    %sign3A_557 = arith.extui %sign3A_556 : i1 to i32
    %sign3A_558 = arith.subi %sign3A_554, %sign3A_557 : i32
    %ne3A_559 = arith.cmpi ne, %sign3A_551, %sign3A_558 : i32
    %rem3A_560 = arith.remsi %add3A_542, %jit3A_543 : i32
    %ne3A_561 = arith.constant 0 : i32
    %ne3A_562 = arith.cmpi ne, %rem3A_560, %ne3A_561 : i32
    %and3A_563 = arith.andi %ne3A_559, %ne3A_562 : i1
    %sub3A_564 = arith.constant 1 : i32
    %sub3A_565 = arith.subi %div3A_544, %sub3A_564 : i32
    %select_n3A_566 = arith.select %and3A_563, %sub3A_565, %div3A_544 : i32
    %add3A_567 = arith.constant 4 : i32
    %add3A_568 = arith.addi %add3A_567, %select_n3A_566 : i32
    %jit3A_569 = arith.constant 8 : i32
    %eq3A_570 = arith.constant 0 : i32
    %eq3A_571 = arith.cmpi eq, %jit3A_569, %eq3A_570 : i32
    %jit3A_572 = arith.constant 1 : i32
    %select_n3A_573 = arith.select %eq3A_571, %jit3A_572, %jit3A_569 : i32
    %rem3A_574 = arith.remsi %add3A_542, %select_n3A_573 : i32
    %ne3A_575 = arith.constant 0 : i32
    %ne3A_576 = arith.cmpi ne, %rem3A_574, %ne3A_575 : i32
    %lt3A_577 = arith.constant 0 : i32
    %lt3A_578 = arith.cmpi slt, %rem3A_574, %lt3A_577 : i32
    %lt3A_579 = arith.constant 0 : i32
    %lt3A_580 = arith.cmpi slt, %select_n3A_573, %lt3A_579 : i32
    %ne3A_581 = arith.xori %lt3A_578, %lt3A_580 : i1
    %and3A_582 = arith.andi %ne3A_581, %ne3A_576 : i1
    %add3A_583 = arith.addi %rem3A_574, %select_n3A_573 : i32
    %select_n3A_584 = arith.select %and3A_582, %add3A_583, %rem3A_574 : i32
    %mul3A_585 = arith.constant 32 : i32
    %mul3A_586 = arith.muli %select_n3A_584, %mul3A_585 : i32
    %add3A_587 = arith.constant 256 : i32
    %add3A_588 = arith.addi %add3A_587, %mul3A_586 : i32
    %dma_wait3A_589 = arith.constant 0 : i32
    %dma_wait3A_590 = arith.constant 0 : i32
    %dma_wait3A_591 = tpu.memref_slice %arg9[%dma_wait3A_589, %dma_wait3A_590] : memref<512x33xf32, #tpu.memory_space<vmem>> -> memref<512x32xf32, #tpu.memory_space<vmem>>
    %dma_wait3A_592 = arith.constant 0 : i32
    %dma_wait3A_593 = tpu.memref_slice %arg7[%add3A_568, %dma_wait3A_592, %add3A_588] : memref<8x512x512xf32, #tpu.memory_space<hbm>> -> memref<1x512x32xf32, #tpu.memory_space<hbm>>
    %dma_wait3A_594 = tpu.memref_squeeze %dma_wait3A_593 : memref<1x512x32xf32, #tpu.memory_space<hbm>> -> memref<512x32xf32, #tpu.memory_space<hbm>>
    %dma_wait3A_595 = arith.constant 0 : i32
    %dma_wait3A_596 = tpu.memref_slice %arg7[%add3A_568, %dma_wait3A_595, %add3A_588] : memref<8x512x512xf32, #tpu.memory_space<hbm>> -> memref<1x512x32xf32, #tpu.memory_space<hbm>>
    %dma_wait3A_597 = tpu.memref_squeeze %dma_wait3A_596 : memref<1x512x32xf32, #tpu.memory_space<hbm>> -> memref<512x32xf32, #tpu.memory_space<hbm>>
    %dma_wait3A_598 = arith.constant 0 : i32
    %dma_wait3A_599 = arith.constant 0 : i32
    %dma_wait3A_600 = tpu.memref_slice %arg9[%dma_wait3A_598, %dma_wait3A_599] : memref<512x33xf32, #tpu.memory_space<vmem>> -> memref<512x32xf32, #tpu.memory_space<vmem>>
    tpu.wait_dma2 semaphore(%arg16 : memref<!tpu.dma_semaphore, #tpu.memory_space<semaphore_mem>>) src(%dma_wait3A_600 : memref<512x32xf32, #tpu.memory_space<vmem>>) dst(%dma_wait3A_597 : memref<512x32xf32, #tpu.memory_space<hbm>>)
    return
  }
}

</mosaic_0001>

<sc_bundles>
// kernel: kernel.3.cloned.1.call-start
scs
__scs_entry_jumppad:
0x0: {  	(pc) =	sbr.rel $0x88, $3  }
0x1: {  	(tag) =	ssettag $0x0;
	lr =	simm.s32 $0x1  }
0x2: {  	[smem:$0x3F9C] =	sst lr;
	_ =	strace $0xD0000000  }
0x3: {  	_ = 	snop  }
0x4: {  	_ = 	snop  }
0x5: {  	_ = 	snop  }
0x6: {  	_ = 	snop  }
0x7: {  	_ = 	snop  }
__scs_overlays_trampoline_lowered:
0x8: {  	[smem:$0x3FAB] =	sst s0  }
0x9: {  	[smem:$0x3FAC] =	sst s1  }
0xa: {  	[smem:$0x3FAD] =	sst s2  }
0xb: {  	[smem:$0x3FAE] =	sst s3  }
0xc: {  	[smem:$0x3FAF] =	sst s4  }
0xd: {  	[smem:$0x3FB0] =	sst s5  }
0xe: {  	[smem:$0x3FB1] =	sst s6  }
0xf: {  	[smem:$0x3FB2] =	sst s7  }
0x10: {  	[smem:$0x3FB3] =	sst s8  }
0x11: {  	[smem:$0x3FB4] =	sst s9;
	s0 =	simm.s32 @!p0 $0x0  }
0x12: {  	s1 =	sld [smem:$0x3F9A];
	s0 =	simm.s32 @p0 $0x1  }
0x13: {  	[smem:$0x3FB5] =	sst s0;
	s0 =	simm.s32 @!p1 $0x0  }
0x14: {  	s2 =	sld [smem:$0x3F99];
	s0 =	simm.s32 @p1 $0x1  }
0x15: {  	[smem:$0x3FB6] =	sst s0;
	s0 =	simm.s32 @!p2 $0x0  }
0x16: {  	s3 =	sld [smem:$0x3FDB];
	s0 =	simm.s32 @p2 $0x1  }
0x17: {  	s4 =	simm.s32 $0x1BF5;
	[smem:$0x3FB8] =	sst s0  }
0x18: {  	s0 =	sld [smem:$0x3F9B];
	_ =	swait.ge [sflag:s4], $0x0  }
0x19: {  	s7 =	sld [smem:$0x3F9C]  }
0x1a: {  	s8 =	sadd.s32 $0xFFFFE003, lr  }
0x1b: {  	s9 =	sadd.s32 $0xFFFFFEF7, lr;
	s5 =	simm.s32 $0xFFFFFFFF;
	p2 =	slt.u32 s8, $0xFFFFF086  }
0x1c: {  	p1 =	slt.u32 s9, $0xF7A;
	s5 =	simm.s32 @!p2 $0x0  }
0x1d: {  	s5 =	simm.s32 @p1 $0x1;
	p0 =	seq.s32 s7, s2  }
0x1e: {  	s7 =	smul.u32 @!p0 $0xF7A, s2;
	p2 =	seq.s32 @!p0 s5, $0x0  }
0x1f: {  	s9 =	smul.u32 $0xF7A, s1;
	s8 =	simm.s32 @!p0 $0x1BF5;
	p2 =	por !p2, p0  }
0x20: {  	[sflag:s8] =	ssyncset.s32 @!p0 $0xFFFFF086;
	s6 =	sadd.s32 @!p0 s3, s7;
	s7 =	simm.s32 @!p0 $0x108  }
0x21: {  	s3 =	sadd.s32 s3, s9;
	s6 =	sadd.s32 @!p0 $0x88, s6;
	s7 =	simm.s32 @p2 $0x1082  }
0x22: {  	[simem:s7], [sflag:s8] =	dma.local @!p0 [hbm:s6], $0xF7A  }
0x23: {  	s9 =	sor.u32 $0xD0000000, s2;
	s6 =	simm.s32 $0x108;
	_ =	swait.ge @!p0 [sflag:s8], $0x0  }
0x24: {  	s3 =	sadd.s32 $0x88, s3;
	s6 =	simm.s32 @!p1 $0x1082;
	[sflag:s4] =	ssyncset.s32 $0xFFFFF086  }
0x25: {  	[simem:s6], [sflag:s4] =	dma.local [hbm:s3], $0xF7A  }
0x26: {  	[smem:$0x3F9C] =	sst s1;
	(tag) =	ssettag s2;
	_ =	strace s9  }
0x27: {  	s1 =	sld [smem:$0x3FAC]  }
0x28: {  	s2 =	sld [smem:$0x3FAD]  }
0x29: {  	s4 =	sld [smem:$0x3FAF]  }
0x2a: {  	p0 =	seq.s32 s5, $0x0;
	s5 =	sld [smem:$0x3FB0]  }
0x2b: {  	s6 =	sld [smem:$0x3FB1]  }
0x2c: {  	s7 =	sld [smem:$0x3FB2]  }
0x2d: {  	s3 =	simm.s32 $0x108;
	s8 =	sld [smem:$0x3FB3]  }
0x2e: {  	s3 =	simm.s32 @!p0 $0x1082;
	s9 =	sld [smem:$0x3FB4]  }
0x2f: {  	lr =	sadd.s32 s0, s3;
	s0 =	sld [smem:$0x3FAB]  }
0x30: {  	s3 =	sld [smem:$0x3FAE]  }
0x31: {  	[smem:$0x3FB7] =	sst s10  }
0x32: {  	s10 =	sld [smem:$0x3FB5];
	_ =	sdelay $0x3  }
0x33: {  	p0 =	seq.s32 s10, $0x1;
	s10 =	sld [smem:$0x3FB7];
	_ =	sdelay $0x3  }
0x34: {  	[smem:$0x3FB7] =	sst s10  }
0x35: {  	s10 =	sld [smem:$0x3FB6];
	_ =	sdelay $0x3  }
0x36: {  	p1 =	seq.s32 s10, $0x1;
	s10 =	sld [smem:$0x3FB7];
	_ =	sdelay $0x3  }
0x37: {  	[smem:$0x3FB7] =	sst s10  }
0x38: {  	s10 =	sld [smem:$0x3FB8]  }
0x39: {  	_ = 	snop;
	(pc) =	sbr.ind lr, $3  }
0x3a: {  	_ = 	snop  }
0x3b: {  	_ = 	snop  }
0x3c: {  	p2 =	seq.s32 s10, $0x1;
	s10 =	sld [smem:$0x3FB7]  }
0x3d: {  	_ =	shalt  }
0x3e: {  	_ =	shalt  }
0x3f: {  	_ =	shalt  }
0x40: {  	_ =	shalt  }
0x41: {  	_ =	shalt  }
0x42: {  	_ =	shalt  }
0x43: {  	_ =	shalt  }
0x44: {  	_ =	shalt  }
0x45: {  	_ =	shalt  }
0x46: {  	_ =	shalt  }
0x47: {  	_ =	shalt  }
0x48: {  	_ =	shalt  }
0x49: {  	_ =	shalt  }
0x4a: {  	_ =	shalt  }
0x4b: {  	_ =	shalt  }
0x4c: {  	_ =	shalt  }
0x4d: {  	_ =	shalt  }
0x4e: {  	_ =	shalt  }
0x4f: {  	_ =	shalt  }
0x50: {  	_ =	shalt  }
0x51: {  	_ =	shalt  }
0x52: {  	_ =	shalt  }
0x53: {  	_ =	shalt  }
0x54: {  	_ =	shalt  }
0x55: {  	_ =	shalt  }
0x56: {  	_ =	shalt  }
0x57: {  	_ =	shalt  }
0x58: {  	_ =	shalt  }
0x59: {  	_ =	shalt  }
0x5a: {  	_ =	shalt  }
0x5b: {  	_ =	shalt  }
0x5c: {  	_ =	shalt  }
0x5d: {  	_ =	shalt  }
0x5e: {  	_ =	shalt  }
0x5f: {  	_ =	shalt  }
0x60: {  	_ =	shalt  }
0x61: {  	_ =	shalt  }
0x62: {  	_ =	shalt  }
0x63: {  	_ =	shalt  }
0x64: {  	_ =	shalt  }
0x65: {  	_ =	shalt  }
0x66: {  	_ =	shalt  }
0x67: {  	_ =	shalt  }
0x68: {  	_ =	shalt  }
0x69: {  	_ =	shalt  }
0x6a: {  	_ =	shalt  }
0x6b: {  	_ =	shalt  }
0x6c: {  	_ =	shalt  }
0x6d: {  	_ =	shalt  }
0x6e: {  	_ =	shalt  }
0x6f: {  	_ =	shalt  }
0x70: {  	_ =	shalt  }
0x71: {  	_ =	shalt  }
0x72: {  	_ =	shalt  }
0x73: {  	_ =	shalt  }
0x74: {  	_ =	shalt  }
0x75: {  	_ =	shalt  }
0x76: {  	_ =	shalt  }
0x77: {  	_ =	shalt  }
0x78: {  	_ =	shalt  }
0x79: {  	_ =	shalt  }
0x7a: {  	_ =	shalt  }
0x7b: {  	_ =	shalt  }
0x7c: {  	_ =	shalt  }
0x7d: {  	_ =	shalt  }
0x7e: {  	_ =	shalt  }
0x7f: {  	_ =	shalt  }
0x80: {  	_ =	shalt  }
0x81: {  	_ =	shalt  }
0x82: {  	_ =	shalt  }
0x83: {  	_ =	shalt  }
0x84: {  	_ =	shalt  }
0x85: {  	_ =	shalt  }
0x86: {  	_ =	shalt  }
0x87: {  	_ =	shalt  }
.Lfunc_end0:
.L_simem_size_0:
called_computation_lowered:
.L_overlay_start_0:
0x88: {  	s2 =	sld [smem:$0x3FD9]  }
0x89: {  	s3 =	sld [smem:$0x3FFE];
	_ =	sdelay $0x1  }
0x8a: {  	s1 =	srdreg.scid  }
0x8b: {  	s0 =	sand.u32 $0x1, s1  }
0x8c: {  	s17 =	sshll.u32 s0, $0xA;
	s2 =	sadd.s32 s3, s2  }
0x8d: {  	s2 =	sadd.s32 s2, s17  }
0x8e: {  	[smem:$0x3FC3] =	sst s2  }
0x8f: {  	_ = 	snop  }
0x90: {  	s2 =	sld [smem:$0x3FC9]  }
0x91: {  	s18 =	sld [smem:$0x3FC8]  }
0x92: {  	s4 =	sld [smem:$0x3FD0];
	(tm) =	ssettm $0x1  }
0x93: {  	s5 =	sld [smem:$0x3FFB];
	_ =	sdelay $0x3  }
0x94: {  	_ =	strace s5  }
0x95: {  	s5 =	sld [smem:$0x3FFC];
	_ =	sdelay $0x3  }
0x96: {  	_ =	strace s5  }
0x97: {  	s5 =	sld [smem:$0x3FFD];
	_ =	sdelay $0x3  }
0x98: {  	_ =	strace s5  }
0x99: {  	_ =	strace $0x8FFFFFFF  }
0x9a: {  	s19 =	sld [smem:$0x3FDB];
	_ =	sdelay $0x1  }
0x9b: {  	s6 =	simm.s32 $_scs_section_size  }
0x9c: {  	s7 =	simm.s32 $_size__tile_overlayer_lowered;
	s8 =	simm.s32 $_tile_overlayer_lowered  }
0x9d: {  	s22 =	simm.s32 $0x1BFF;
	s21 =	sshll.u32 s8, $0x1;
	s5 =	sadd.s32 s6, s19  }
0x9e: {  	s9 =	simm.s32 $0x0;
	s20 =	sshll.u32 s7, $0x1;
	s7 =	sadd.s32 s21, s5  }
0x9f: {  	[timem:s9], [sflag:s22] =	dma.local [hbm:s7], s20  }
0xa0: {  	_ =	swait.ge [sflag:s22], s20  }
0xa1: {  	s6 =	ssub.s32 $0x0, s20;
	[sflag:s22] =	ssyncset.done $0x0  }
0xa2: {  	[sflag:s22] =	ssyncadd.s32 s6;
	_ =	sdelay $0x1  }
0xa3: {  	s23 =	simm.s32 $0x1B8B  }
0xa4: {  	_ =	swait.ge [sflag:s23], $0x1  }
0xa5: {  	[sflag:s23] =	ssyncset.done $0x0  }
0xa6: {  	s25 =	simm.s32 $0x1B8E;
	s24 =	sld [smem:$0x3FFE];
	[sflag:s23] =	ssyncadd.s32 $0xFFFFFFFF  }
0xa7: {  	s26 =	simm.s32 $execute0_lowered;
	[smem:$0x3FD2] =	sst s25  }
0xa8: {  	s7 =	sshll.u32 s26, $0x1;
	_ =	strace $0x80000046;
	[dreg:$0x1] =	wrdreg $0xFFFFFFFF  }
0xa9: {  	s28 =	simm.s32 $_size_execute0_lowered;
	s5 =	sadd.s32 s5, s7;
	[dreg:$0x0] =	wrdreg $0x0  }
0xaa: {  	s7 =	sshll.u32 s28, $0x1;
	[dreg:$0x2] =	wrdreg s5  }
0xab: {  	[dreg:$0x3] =	wrdreg s7  }
0xac: {  	[dreg:$0x4] =	wrdreg $0xC0  }
0xad: {  	_ =	task [dreg:s9], $0x5FFFF  }
0xae: {  	[dreg:$0x1] =	wrdreg $0xFFFFFFFF  }
0xaf: {  	[dreg:$0x0] =	wrdreg $0x60  }
0xb0: {  	[dreg:$0x2] =	wrdreg s2  }
0xb1: {  	[dreg:$0x3] =	wrdreg s18  }
0xb2: {  	[dreg:$0x4] =	wrdreg s4  }
0xb3: {  	[dreg:$0x5] =	wrdreg s24  }
0xb4: {  	[dreg:$0x6] =	wrdreg $0x9  }
0xb5: {  	_ =	task.clear_ibuf [dreg:s9], $0x7FFFF;
	_ =	strace $0x90000046  }
0xb6: {  	s29 =	simm.s32 $0x9;
	_ =	strace $0x80000048  }
0xb7: {  	_ =	swait.ge [sflag:s29], $0x1  }
0xb8: {  	[sflag:s29] =	ssyncadd.s32 $0xFFFFFFFF  }
0xb9: {  	_ =	strace $0x90000048  }
0xba: {  	_ =	sfence  }
0xbb: {  	s30 =	sld [smem:$0x0];
	_ =	sdelay $0x2  }
0xbc: {  	s31 =	sshll.u32 s1, $0xD;
	s1 =	sshrl.u32 s1, $0x2  }
0xbd: {  	s3 =	sand.u32 $0x4000, s31;
	s1 =	sadd.s32 s1, s30  }
0xbe: {  	s0 =	sor.u32 s3, s0;
	s1 =	sshll.u32 s1, $0x11  }
0xbf: {  	s0 =	sor.u32 s1, s0  }
0xc0: {  	s0 =	sadd.s32 $0x8F2B, s0  }
0xc1: {  	[sflag:s0] =	ssyncadd.remote.s32 $0x1  }
0xc2: {  	_ =	sfence.sel $0xFFFF  }
0xc3: {  	[dreg:$0x0] =	wrdreg $0xFFFFFFFF;
	(pc) =	sbr.abs _section_cstart, $3  }
0xc4: {  	[dreg:$0x1] =	wrdreg $0xFFFFFFFF  }
0xc5: {  	_ =	task.clear_ibuf [dreg:s9], $0x2FFFF;
	_ =	strace $0x9FFFFFFF  }
0xc6: {  	(tm) =	ssettm $0x7FFFFFFF  }
0xc7: {  	_ =	shalt  }
tec
execute0_lowered:
.L_overlay_start_1:
0x0: {  	(tag) =	ssettag $0x1  }
0x1: {  	s5 =	rddreg [dreg:$0x0]  }
0x2: {  	s8 =	rddreg [dreg:$0x1]  }
0x3: {  	s13 =	rddreg [dreg:$0x2]  }
0x4: {  	s6 =	rddreg [dreg:$0x3];
	s3 =	srdreg.scid  }
0x5: {  	s2 =	simm.s32 $0x0;
	s0 =	stileid.u32;
	s20 =	simm.s32 $0x1  }
0x6: {  	s21 =	simm.s32 $0x14000;
	s22 =	simm.s32 $0x2;
	s7 =	sand.u32 $0x1, s3  }
0x7: {  	[smem:$0x7FF] =	sst s2;
	s23 =	sshll.u32 s0, $0x6;
	s9 =	sshrl.u32 s0, $0x1  }
0x8: {  	s3 =	sadd.s32 $0x400, s6;
	s15 =	sadd.s32 $0x800, s6;
	s14 =	sshrl.u32 s0, $0x2  }
0x9: {  	s4 =	sshll.u32 s7, $0x5;
	_ =	strace $0x80000047;
	s12 =	sshll.u32 s9, $0x12  }
0xa: {  	s7 =	ssub.s32 $0x2, s7;
	s25 =	sshll.u32 s9, $0x11;
	s26 =	sshll.u32 s14, $0x11  }
0xb: {  	s29 =	sshll.u32 s14, $0x12;
	s19 =	sor.u32 $0x4, s14;
	s10 =	sor.u32 s4, s23  }
0xc: {  	s4 =	sadd.s32 $0x600, s6;
	s24 =	sshrl.u32 s7, $0x1;
	s6 =	sshll.u32 s9, $0x9  }
0xd: {  	s30 =	sshll.u32 s19, $0x11;
	s31 =	sshll.u32 s19, $0x12;
	s23 =	simm.s32 $0x0  }
0xe: {  	s11 =	sand.u32 $0x60, s10;
	s16 =	ssub.s32 s7, s24;
	s17 =	sand.u32 $0xE0, s10  }
0xf: {  	s12 =	sor.u32 s12, s11;
	s28 =	sor.u32 s25, s11;
	s10 =	sor.u32 s26, s17  }
0x10: {  	s18 =	sor.u32 $0x100, s17;
	s11 =	sshll.u32 s14, $0x9;
	s14 =	sor.u32 s17, s30  }
0x11: {  	s16 =	smax.u32 s16, $0x1;
	s12 =	sshrl.u32 s12, $0x3;
	s9 =	sshrl.u32 s28, $0x3  }
0x12: {  	s10 =	sshrl.u32 s10, $0x3;
	s14 =	sshrl.u32 s14, $0x3;
	s17 =	sor.u32 s31, s18  }
0x13: {  	s5 =	sadd.s32 s5, s12;
	s7 =	sadd.s32 s15, s12;
	s8 =	sadd.s32 s8, s9  }
0x14: {  	s10 =	sadd.s32 s13, s10;
	s12 =	sor.u32 s29, s18;
	s13 =	sadd.s32 s13, s14  }
0x15: {  	s14 =	sshll.u32 s19, $0x9;
	s17 =	sshrl.u32 s17, $0x3;
	s18 =	simm.s32 $0x3  }
0x16: {  	v0 =	vlaneseq.u32;
	s19 =	simm.s32 $0x1A000;
	s9 =	sadd.s32 $0x10, s7;
	s12 =	sshrl.u32 s12, $0x3  }
0x17: {  	v1 =	vimm.s32 $0x0;
	v2 =	vor.u32 $0x10, v0;
	v3 =	vmul.u32 $0x28, v0;
	s12 =	sadd.s32 s15, s12;
	s15 =	sadd.s32 s15, s17;
	s17 =	simm.s32 $0x19000  }
.LBB2_1:
0x18: {  	[tilespmem:s17], [sflag:$0x3] =	stream.linear.gather [hbm4b:s3+s2], $0x1000, $0x38;
	[tilespmem:$0x1B600] =	vst v63  }
0x19: {  	_ =	swait.ge [sflag:s18], $0x1000  }
0x1a: {  	[sflag:s18] =	ssyncset.done $0x0  }
0x1b: {  	[sflag:s18] =	ssyncadd.s32 $0xFFFFF000  }
0x1c: {  	[tilespmem:s19], [sflag:$0x3] =	stream.linear.gather [hbm4b:s4+s2], $0x1000, $0x38;
	[tilespmem:$0x1B600] =	vst v63  }
0x1d: {  	_ =	swait.ge [sflag:s18], $0x1000  }
0x1e: {  	[sflag:s18] =	ssyncset.done $0x0  }
0x1f: {  	s24 =	simm.s32 $0x0;
	s25 =	simm.s32 $0x0;
	[sflag:s18] =	ssyncadd.s32 $0xFFFFF000  }
.LBB2_2:
0x20: {  	p0 =	sne.s32 s25, $0x7FF0  }
.Ltmp0:
0x21: {  	_ = 	snop;
	(pc) =	sbr.rel @p0 .LBB2_2-.Ltmp0, $4  }
0x22: {  	_ = 	snop  }
0x23: {  	s26 =	sadd.s32 s25, s5  }
0x24: {  	[tilespmem:s24], [sflag:$0x1] =	stream.linear.gather [hbm4b:s26+s2], $0x20, $0x38;
	[tilespmem:$0x1B600] =	vst v63  }
0x25: {  	s25 =	sadd.s32 $0x10, s25;
	s24 =	sadd.s32 $0x28, s24  }
0x26: {  	s24 =	simm.s32 $0x0  }
0x27: {  	s24 =	sor.u32 s6, s24  }
0x28: {  	s25 =	simm.s32 $0x10;
	v4 =	vor.u32 s24, v0  }
0x29: {  	s24 =	sor.u32 s6, s25  }
0x2a: {  	s26 =	simm.s32 $0x20;
	v6 =	vor.u32 s24, v0  }
0x2b: {  	s24 =	sor.u32 s6, s26  }
0x2c: {  	v7 =	vor.u32 s24, v0  }
0x2d: {  	v5 =	vld.idx.msk [tilespmem:v4+s17+$0x0], $0xffff  }
0x2e: {  	v4 =	vld.idx.msk [tilespmem:v4+s19+$0x0], $0xffff  }
0x2f: {  	v8 =	vld.idx.msk [tilespmem:v6+s19+$0x0], $0xffff  }
0x30: {  	v6 =	vld.idx.msk [tilespmem:v6+s17+$0x0], $0xffff  }
0x31: {  	v9 =	vld.idx.msk [tilespmem:v7+s17+$0x0], $0xffff  }
0x32: {  	v7 =	vld.idx.msk [tilespmem:v7+s19+$0x0], $0xffff  }
0x33: {  	v4 =	vadd.f32 v4, v5;
	_ =	sdelay $0x1  }
0x34: {  	v5 =	vtrunc.f32 v5;
	v4 =	vadd.f32 $1.000000050e-03, v4  }
0x35: {  	s0 =	simm.s32 $0x30;
	s25 =	simm.s32 $0x50;
	v5 =	vcvt.f32.s32 v5;
	v8 =	vadd.f32 v8, v6;
	v6 =	vtrunc.f32 v6  }
0x36: {  	s25 =	sor.u32 s6, s25;
	s24 =	sor.u32 s6, s0;
	v12 =	vtrunc.f32 v9;
	v7 =	vadd.f32 v7, v9;
	v10 =	vtrunc.f32 v4  }
0x37: {  	v9 =	vor.u32 s25, v0;
	vm0 =	vgt.f32 v4, v10;
	v4 =	vor.u32 s24, v0  }
0x38: {  	s1 =	simm.s32 $0x40;
	v6 =	vcvt.f32.s32 v6;
	v8 =	vadd.f32 $1.000000050e-03, v8;
	v11 =	vcvt.f32.s32 v10  }
0x39: {  	v12 =	vcvt.f32.s32 v12;
	v7 =	vadd.f32 $1.000000050e-03, v7;
	s24 =	sor.u32 s6, s1;
	v10 =	vsel vm0, $0x1, v1  }
0x3a: {  	v13 =	vtrunc.f32 v8;
	v10 =	vadd.s32 v11, v10;
	v11 =	vor.u32 s24, v0  }
0x3b: {  	vm0 =	vlt.s32 v5, $0x7FF;
	v15 =	vcvt.f32.s32 v13;
	vm1 =	vgt.f32 v8, v13  }
0x3c: {  	v8 =	vtrunc.f32 v7;
	v5 =	vnsel vm0, $0x7FF, v5;
	vm0 =	vlt.s32 v10, $0x7FF;
	v14 =	vld.idx.msk [tilespmem:v4+s19+$0x0], $0xffff  }
0x3d: {  	v17 =	vcvt.f32.s32 v8;
	v10 =	vnsel vm0, $0x7FF, v10;
	vm0 =	vlt.s32 v12, $0x7FF;
	v4 =	vld.idx.msk [tilespmem:v4+s17+$0x0], $0xffff  }
0x3e: {  	v13 =	vnsel vm0, $0x7FF, v12;
	v12 =	vsel vm1, $0x1, v1;
	vm0 =	vgt.f32 v7, v8  }
0x3f: {  	vm1 =	vlt.s32 v6, $0x7FF;
	v7 =	vadd.s32 v15, v12;
	v12 =	vsub.s32 v10, v5;
	v16 =	vld.idx.msk [tilespmem:v11+s17+$0x0], $0xffff  }
0x40: {  	v8 =	vld.idx.msk [tilespmem:v11+s19+$0x0], $0xffff;
	v11 =	vsel vm0, $0x1, v1;
	vm0 =	vlt.s32 v7, $0x7FF;
	v12 =	vcvt.s32.f32 v12  }
0x41: {  	v6 =	vnsel vm1, $0x7FF, v6;
	v11 =	vadd.s32 v17, v11;
	v7 =	vnsel vm0, $0x7FF, v7  }
0x42: {  	s26 =	simm.s32 $0x70;
	vm0 =	vlt.s32 v11, $0x7FF;
	v12 =	vmax.f32 v12, $1.000000000e+00;
	v14 =	vadd.f32 v14, v4  }
0x43: {  	s24 =	sor.u32 s6, s26;
	v15 =	vtrunc.f32 v4;
	v17 =	vnsel vm0, $0x7FF, v11;
	v11 =	vsub.s32 v7, v6  }
0x44: {  	s0 =	simm.s32 $0x60;
	v4 =	vor.u32 s24, v0;
	(erf) = vrcp.f32 v12;
	v11 =	vcvt.s32.f32 v11  }
0x45: {  	s24 =	sor.u32 s6, s0;
	v8 =	vadd.f32 v8, v16;
	v16 =	vtrunc.f32 v16;
	v14 =	vadd.f32 $1.000000050e-03, v14  }
0x46: {  	s1 =	simm.s32 $0x1B010;
	v18 =	vor.u32 s24, v0;
	v12 =	vcvt.f32.s32 v16;
	v11 =	vmax.f32 v11, $1.000000000e+00  }
0x47: {  	s26 =	simm.s32 $0x1B210;
	[tilespmem:s1+$0xFFFFFFF0] =	vst v5;
	v63 =	vadd.f32 $1.000000050e-03, v8;
	v5 =	vtrunc.f32 v14;
	(erf) = vrcp.f32 v11  }
0x48: {  	s28 =	simm.s32 $0x1B030;
	[tilespmem:s26+$0xFFFFFFF0] =	vst v10;
	v8 =	vld.idx.msk [tilespmem:v9+s19+$0x0], $0xffff;
	vm0 =	vlt.s32 v12, $0x7FF;
	v10 =	vcvt.f32.s32 v5;
	vm1 =	vgt.f32 v14, v5  }
0x49: {  	[tilespmem:s28+$0xFFFFFFF0] =	vst v13;
	v9 =	vld.idx.msk [tilespmem:v9+s17+$0x0], $0xffff;
	v11 =	vtrunc.f32 v63;
	v5 =	vnsel vm0, $0x7FF, v12;
	v12 =	vsel vm1, $0x1, v1  }
0x4a: {  	[tilespmem:s1+$0x0] =	vst v6;
	v6 =	vcvt.f32.s32 v11;
	vm0 =	vgt.f32 v63, v11;
	v10 =	vadd.s32 v10, v12  }
0x4b: {  	[tilespmem:s26+$0x0] =	vst v7;
	s26 =	simm.s32 $0x1B230;
	v7 =	vld.idx.msk [tilespmem:v18+s17+$0x0], $0xffff;
	v12 =	vcvt.f32.s32 v15;
	v11 =	vsel vm0, $0x1, v1;
	vm0 =	vlt.s32 v10, $0x7FF  }
0x4c: {  	s29 =	simm.s32 $0x1B410;
	[tilespmem:s26+$0xFFFFFFF0] =	vst v17;
	s24 =	simm.s32 $0x1B050;
	v13 =	vsub.s32 v17, v13;
	v11 =	vadd.s32 v6, v11;
	v6 =	vnsel vm0, $0x7FF, v10;
	v10 =	vld.idx.msk [tilespmem:v18+s19+$0x0], $0xffff  }
0x4d: {  	s30 =	simm.s32 $0x6;
	s31 =	simm.s32 $0x90;
	s25 =	simm.s32 $0x1B430;
	v13 =	vcvt.s32.f32 v13;
	[tilespmem:s24+$0xFFFFFFF0] =	vst v5;
	vm1 =	vlt.s32 v12, $0x7FF;
	vm0 =	vlt.s32 v11, $0x7FF  }
.LBB2_4:
0x4e: {  	s0 =	sadd.s32 $0xFFFFFFF0, s31;
	s1 =	sor.u32 s6, s31;
	s30 =	sadd.s32 $0x2, s30;
	v14 =	vtrunc.f32 v9;
	v8 =	vadd.f32 v8, v9;
	v16 =	vnsel vm1, $0x7FF, v12  }
0x4f: {  	s0 =	sor.u32 s6, s0;
	v12 =	vor.u32 s1, v0;
	p0 =	slt.u32 s30, $0x1E;
	v13 =	vmax.f32 v13, $1.000000000e+00;
	v15 =	vsub.s32 v6, v16;
	[tilespmem:s28+$0x0] =	vst v16;
	v9 =	vpop (erf);
	s28 =	smov.u32 s24  }
0x50: {  	v17 =	vtrunc.f32 v7;
	v16 =	vor.u32 s0, v0;
	v15 =	vcvt.s32.f32 v15;
	[tilespmem:s29+$0xFFFFFFF0] =	vst v9;
	v9 =	vpop (erf)  }
0x51: {  	v18 =	vnsel vm0, $0x7FF, v11;
	v7 =	vadd.f32 v10, v7;
	v10 =	vadd.f32 $1.000000050e-03, v8;
	[tilespmem:s29+$0x0] =	vst v9;
	s29 =	smov.u32 s25  }
0x52: {  	v11 =	vcvt.f32.s32 v17;
	[tilespmem:s26+$0x0] =	vst v6;
	v6 =	vmax.f32 v15, $1.000000000e+00;
	s26 =	sadd.s32 $0x20, s26;
	(erf) = vrcp.f32 v13  }
0x53: {  	v13 =	vadd.f32 $1.000000050e-03, v7;
	v7 =	vtrunc.f32 v10;
	v8 =	vld.idx.msk [tilespmem:v4+s19+$0x0], $0xffff;
	[tilespmem:s26+$0xFFFFFFF0] =	vst v18;
	(erf) = vrcp.f32 v6  }
0x54: {  	vm0 =	vlt.s32 v11, $0x7FF;
	v6 =	vcvt.f32.s32 v7;
	vm1 =	vgt.f32 v10, v7;
	v9 =	vld.idx.msk [tilespmem:v4+s17+$0x0], $0xffff;
	v4 =	vmovc v12  }
.Ltmp1:
0x55: {  	s24 =	sadd.s32 $0x20, s24;
	v15 =	vnsel vm0, $0x7FF, v11;
	v12 =	vtrunc.f32 v13;
	v11 =	vsel vm1, $0x1, v1;
	v7 =	vld.idx.msk [tilespmem:v16+s17+$0x0], $0xffff;
	(pc) =	sbr.rel @p0 .LBB2_4-.Ltmp1, $4  }
0x56: {  	vm0 =	vgt.f32 v13, v12;
	v6 =	vadd.s32 v6, v11;
	v10 =	vld.idx.msk [tilespmem:v16+s19+$0x0], $0xffff;
	v16 =	vcvt.f32.s32 v12;
	[tilespmem:s24+$0xFFFFFFF0] =	vst v15  }
0x57: {  	v11 =	vsel vm0, $0x1, v1;
	v12 =	vcvt.f32.s32 v14;
	vm0 =	vlt.s32 v6, $0x7FF  }
0x58: {  	v13 =	vsub.s32 v18, v5;
	v5 =	vmovc v15;
	v6 =	vnsel vm0, $0x7FF, v6;
	v11 =	vadd.s32 v16, v11  }
0x59: {  	s31 =	sadd.s32 $0x20, s31;
	s25 =	sadd.s32 $0x20, s25;
	v13 =	vcvt.s32.f32 v13;
	vm1 =	vlt.s32 v12, $0x7FF;
	vm0 =	vlt.s32 v11, $0x7FF  }
0x5a: {  	_ = 	snop  }
0x5b: {  	v12 =	vnsel vm1, $0x7FF, v12  }
0x5c: {  	v8 =	vadd.f32 v8, v9;
	v9 =	vtrunc.f32 v9;
	v15 =	vtrunc.f32 v7  }
0x5d: {  	v11 =	vnsel vm0, $0x7FF, v11;
	v14 =	vsub.s32 v6, v12;
	v13 =	vmax.f32 v13, $1.000000000e+00  }
0x5e: {  	v7 =	vadd.f32 v10, v7;
	v10 =	vld.idx.msk [tilespmem:v4+s19+$0x0], $0xffff;
	v15 =	vcvt.f32.s32 v15;
	v9 =	vcvt.f32.s32 v9  }
0x5f: {  	v4 =	vld.idx.msk [tilespmem:v4+s17+$0x0], $0xffff;
	v5 =	vsub.s32 v11, v5;
	v14 =	vcvt.s32.f32 v14;
	v8 =	vadd.f32 $1.000000050e-03, v8  }
0x60: {  	(erf) = vrcp.f32 v13;
	v5 =	vcvt.s32.f32 v5;
	v7 =	vadd.f32 $1.000000050e-03, v7  }
0x61: {  	vm7 =	vlt.s32 v15, $0x7FF;
	vm12 =	vlt.s32 v9, $0x7FF;
	v14 =	vmax.f32 v14, $1.000000000e+00  }
0x62: {  	v13 =	vtrunc.f32 v8;
	v9 =	vnsel vm12, $0x7FF, v9;
	v5 =	vmax.f32 v5, $1.000000000e+00  }
0x63: {  	(erf) = vrcp.f32 v14;
	v14 =	vcvt.f32.s32 v13;
	vm8 =	vgt.f32 v8, v13  }
0x64: {  	v8 =	vtrunc.f32 v7;
	v13 =	vnsel vm7, $0x7FF, v15;
	v10 =	vadd.f32 v10, v4  }
0x65: {  	v15 =	vsel vm8, $0x1, v1;
	v16 =	vcvt.f32.s32 v8;
	vm9 =	vgt.f32 v7, v8  }
0x66: {  	[tilespmem:s28+$0x0] =	vst v12;
	v12 =	vpop (erf);
	v4 =	vtrunc.f32 v4;
	(erf) = vrcp.f32 v5;
	v10 =	vadd.f32 $1.000000050e-03, v10  }
0x67: {  	v7 =	vadd.s32 v14, v15;
	v8 =	vsel vm9, $0x1, v1;
	v4 =	vcvt.f32.s32 v4  }
0x68: {  	vm10 =	vlt.s32 v7, $0x7FF;
	v8 =	vadd.s32 v16, v8;
	v14 =	vtrunc.f32 v10  }
0x69: {  	v7 =	vnsel vm10, $0x7FF, v7;
	v16 =	vcvt.f32.s32 v14;
	vm13 =	vgt.f32 v10, v14  }
0x6a: {  	vm11 =	vlt.s32 v8, $0x7FF;
	vm15 =	vlt.s32 v4, $0x7FF;
	v14 =	vsel vm13, $0x1, v1  }
0x6b: {  	v15 =	vsub.s32 v7, v9;
	v8 =	vnsel vm11, $0x7FF, v8;
	v14 =	vadd.s32 v16, v14  }
0x6c: {  	v10 =	vcvt.s32.f32 v15;
	v15 =	vsub.s32 v8, v13;
	vm14 =	vlt.s32 v14, $0x7FF  }
0x6d: {  	[tilespmem:s29+$0xFFFFFFF0] =	vst v12;
	v12 =	vpop (erf);
	v4 =	vnsel vm15, $0x7FF, v4;
	v5 =	vcvt.s32.f32 v15;
	v14 =	vnsel vm14, $0x7FF, v14  }
0x6e: {  	[tilespmem:s29+$0x0] =	vst v12;
	v12 =	vsub.s32 v14, v4  }
0x6f: {  	s0 =	sadd.s32 $0x20, s26;
	[tilespmem:s26+$0x0] =	vst v6;
	v10 =	vmax.f32 v10, $1.000000000e+00;
	v5 =	vmax.f32 v5, $1.000000000e+00;
	v6 =	vcvt.s32.f32 v12  }
0x70: {  	[tilespmem:s0+$0xFFFFFFF0] =	vst v11;
	(erf) = vrcp.f32 v10  }
0x71: {  	s1 =	sadd.s32 $0x20, s24;
	[tilespmem:s24+$0x0] =	vst v9;
	(erf) = vrcp.f32 v5;
	v6 =	vmax.f32 v6, $1.000000000e+00  }
0x72: {  	[tilespmem:s1+$0xFFFFFFF0] =	vst v13;
	v5 =	vpop (erf);
	(erf) = vrcp.f32 v6  }
0x73: {  	[tilespmem:s0+$0x0] =	vst v7;
	s0 =	sadd.s32 $0x20, s0  }
0x74: {  	[tilespmem:s0+$0xFFFFFFF0] =	vst v8  }
0x75: {  	s30 =	simm.s32 $0x1;
	s24 =	simm.s32 $0x0;
	[tilespmem:s1+$0x0] =	vst v4  }
0x76: {  	v7 =	vmov s30;
	s30 =	simm.s32 $0x4;
	[tilespmem:s25+$0xFFFFFFF0] =	vst v5;
	v5 =	vmov s24  }
0x77: {  	v10 =	vmov s30;
	[tilespmem:s0+$0x0] =	vst v14;
	v5 =	vmul.u32 $0x28, v5;
	v6 =	vpop (erf)  }
0x78: {  	s31 =	sadd.s32 $0x20, s25;
	s26 =	simm.s32 $0x3;
	v10 =	vmul.u32 $0x28, v10;
	[tilespmem:s25+$0x0] =	vst v6;
	v6 =	vpop (erf)  }
0x79: {  	v9 =	vmov s26;
	v5 =	vbroadcast v5, $0x0;
	s25 =	simm.s32 $0x2;
	v8 =	vpop (erf);
	[tilespmem:s31+$0xFFFFFFF0] =	vst v6;
	v6 =	vmul.u32 $0x28, v7  }
0x7a: {  	s28 =	sadd.s32 $0x20, s31;
	v13 =	vimm.f32 $0.0e+00;
	v14 =	vbroadcast v10, $0x0;
	v4 =	vmov s25;
	[tilespmem:s31+$0x0] =	vst v8;
	v8 =	vpop (erf)  }
0x7b: {  	s1 =	simm.s32 $0x6;
	v12 =	vor.u32 v0, v5;
	v7 =	vmul.u32 $0x28, v4;
	s31 =	simm.s32 $0x5;
	v6 =	vbroadcast v6, $0x0;
	[tilespmem:s28+$0xFFFFFFF0] =	vst v8;
	v8 =	vpop (erf)  }
0x7c: {  	v10 =	vmov s1;
	v11 =	vmov s31;
	[tilespmem:s28+$0x0] =	vst v8;
	v8 =	vmul.u32 $0x28, v9  }
0x7d: {  	s26 =	simm.s32 $0x7;
	v15 =	vadd.s32 v0, v6;
	v9 =	vbroadcast v7, $0x0;
	v7 =	vmul.u32 $0x28, v11;
	_ =	swait.ge [sflag:s20], $0x10000  }
0x7e: {  	s30 =	simm.s32 $0xA;
	[sflag:s20] =	ssyncset.done $0x0;
	v11 =	vbroadcast v8, $0x0;
	v8 =	vmul.u32 $0x28, v10;
	v10 =	vmov s26  }
0x7f: {  	v25 =	vmov s30;
	s1 =	simm.s32 $0xB;
	v17 =	vor.u32 v0, v9;
	[sflag:s20] =	ssyncadd.s32 $0xFFFF0000;
	v10 =	vmul.u32 $0x28, v10  }
0x80: {  	v28 =	vmov s1;
	v18 =	vor.u32 v2, v5;
	s31 =	simm.s32 $0x8;
	v19 =	vld.idx.msk [tilespmem:v12+s24+$0x0], $0xffff;
	v5 =	vbroadcast v8, $0x0  }
0x81: {  	v24 =	vor.u32 v0, v14;
	v27 =	vmov s31;
	v21 =	vbroadcast v10, $0x0  }
0x82: {  	s28 =	simm.s32 $0x9;
	v20 =	vadd.s32 v0, v11;
	v22 =	vld.idx.msk [tilespmem:v15+s24+$0x0], $0xffff;
	v30 =	vor.u32 v0, v5;
	v8 =	vadd.s32 v2, v5  }
0x83: {  	v10 =	vadd.s32 v0, v21;
	v5 =	vadd.s32 v2, v21;
	v21 =	vmov s28  }
0x84: {  	v32 =	vadd.s32 v2, v6;
	v16 =	vbroadcast v7, $0x0;
	v23 =	vld.idx.msk [tilespmem:v17+s24+$0x0], $0xffff;
	v21 =	vmul.u32 $0x28, v21  }
0x85: {  	v6 =	vadd.s32 v2, v9;
	v9 =	vor.u32 v2, v14;
	v19 =	vadd.f32 v19, v13  }
0x86: {  	v7 =	vadd.s32 v2, v16;
	v16 =	vadd.s32 v0, v16;
	v26 =	vld.idx.msk [tilespmem:v24+s24+$0x0], $0xffff;
	v35 =	vbroadcast v21, $0x0  }
0x87: {  	s26 =	simm.s32 $0xC;
	v14 =	vld.idx.msk [tilespmem:v20+s24+$0x0], $0xffff;
	v21 =	vmul.u32 $0x28, v28;
	[tilespmem:v15+s24+$0x0] =	vst.idx.msk $0xffff, v19;
	v15 =	vadd.f32 v22, v19;
	v22 =	vmul.u32 $0x28, v27  }
0x88: {  	v25 =	vmul.u32 $0x28, v25;
	v11 =	vadd.s32 v2, v11;
	v19 =	vld.idx.msk [tilespmem:v30+s24+$0x0], $0xffff;
	v27 =	vmov s26  }
0x89: {  	s28 =	simm.s32 $0xD;
	v37 =	vld.idx.msk [tilespmem:v32+s24+$0x0], $0xffff;
	v29 =	vbroadcast v21, $0x0;
	[tilespmem:v17+s24+$0x0] =	vst.idx.msk $0xffff, v15;
	v15 =	vadd.f32 v23, v15;
	v23 =	vbroadcast v22, $0x0  }
0x8a: {  	v39 =	vbroadcast v25, $0x0;
	[tilespmem:v12+s24+$0x0] =	vst.idx.msk $0xffff, v13;
	v27 =	vmul.u32 $0x28, v27;
	v40 =	vld.idx.msk [tilespmem:v10+s24+$0x0], $0xffff;
	v22 =	vmov s28  }
0x8b: {  	s30 =	simm.s32 $0xE;
	v17 =	vld.idx.msk [tilespmem:v16+s24+$0x0], $0xffff;
	v25 =	vmul.u32 $0x28, v22;
	v21 =	vadd.s32 v0, v29;
	v22 =	vor.u32 v0, v23  }
0x8c: {  	s31 =	simm.s32 $0xF;
	v12 =	vor.u32 v2, v23;
	v14 =	vadd.f32 v14, v15;
	[tilespmem:v20+s24+$0x0] =	vst.idx.msk $0xffff, v15;
	v20 =	vld.idx.msk [tilespmem:v18+s24+$0x0], $0xffff;
	v15 =	vmov s30  }
0x8d: {  	v38 =	vld.idx.msk [tilespmem:v6+s24+$0x0], $0xffff;
	v23 =	vadd.s32 v0, v35;
	v28 =	vmul.u32 $0x28, v15;
	v15 =	vmov s31  }
0x8e: {  	v41 =	vbroadcast v25, $0x0;
	v25 =	vld.idx.msk [tilespmem:v11+s24+$0x0], $0xffff;
	[tilespmem:v24+s24+$0x0] =	vst.idx.msk $0xffff, v14;
	v14 =	vadd.f32 v26, v14;
	v31 =	vmul.u32 $0x28, v15  }
0x8f: {  	v27 =	vbroadcast v27, $0x0;
	[tilespmem:v18+s24+$0x0] =	vst.idx.msk $0xffff, v13;
	v24 =	vor.u32 v0, v39;
	v26 =	vld.idx.msk [tilespmem:v9+s24+$0x0], $0xffff;
	v33 =	vbroadcast v28, $0x0  }
0x90: {  	v15 =	vadd.s32 v2, v41;
	v18 =	vadd.s32 v0, v41;
	[tilespmem:v16+s24+$0x0] =	vst.idx.msk $0xffff, v14;
	v42 =	vbroadcast v31, $0x0  }
0x91: {  	v16 =	vadd.f32 v17, v14;
	v34 =	vld.idx.msk [tilespmem:v22+s24+$0x0], $0xffff;
	v28 =	vor.u32 v0, v33;
	v17 =	vadd.f32 v20, v13  }
0x92: {  	v14 =	vadd.s32 v2, v33;
	v33 =	vld.idx.msk [tilespmem:v23+s24+$0x0], $0xffff;
	v20 =	vor.u32 v0, v27;
	v13 =	vadd.s32 v2, v35  }
0x93: {  	v31 =	vld.idx.msk [tilespmem:v7+s24+$0x0], $0xffff;
	v36 =	vadd.f32 v19, v16;
	[tilespmem:v32+s24+$0x0] =	vst.idx.msk $0xffff, v17;
	v17 =	vadd.f32 v37, v17  }
0x94: {  	[tilespmem:v30+s24+$0x0] =	vst.idx.msk $0xffff, v16;
	v35 =	vadd.s32 v0, v42;
	v16 =	vadd.s32 v2, v39;
	v30 =	vld.idx.msk [tilespmem:v21+s24+$0x0], $0xffff  }
0x95: {  	s29 =	simm.s32 $0x10;
	v19 =	vadd.s32 v2, v42;
	v32 =	vld.idx.msk [tilespmem:v24+s24+$0x0], $0xffff;
	v37 =	vadd.f32 v40, v36;
	v38 =	vadd.f32 v38, v17  }
.LBB2_6:
0x96: {  	s0 =	sadd.s32 $0x1, s29;
	v29 =	vadd.s32 v2, v29  }
0x97: {  	s1 =	sadd.s32 $0x2, s29;
	v27 =	vor.u32 v2, v27;
	v39 =	vld.idx.msk [tilespmem:v8+s24+$0x0], $0xffff;
	[tilespmem:v10+s24+$0x0] =	vst.idx.msk $0xffff, v36;
	v36 =	vmov v28;
	v10 =	vmov v35;
	s28 =	smov.u32 s29;
	s26 =	sadd.s32 $0x8, s29  }
0x98: {  	p0 =	slt.u32 s29, $0x7F8;
	v35 =	vmov s0;
	v40 =	vmov s1;
	s0 =	sadd.s32 $0x3, s28;
	[tilespmem:v22+s24+$0x0] =	vst.idx.msk $0xffff, v37;
	v22 =	vadd.f32 v34, v37;
	v34 =	vld.idx.msk [tilespmem:v5+s24+$0x0], $0xffff  }
0x99: {  	v25 =	vadd.f32 v25, v38;
	v35 =	vmul.u32 $0x28, v35;
	v37 =	vmul.u32 $0x28, v40;
	v40 =	vld.idx.msk [tilespmem:v20+s24+$0x0], $0xffff;
	[tilespmem:v11+s24+$0x0] =	vst.idx.msk $0xffff, v38  }
0x9a: {  	v38 =	vmov s28;
	v41 =	vmov s0;
	v11 =	vmovc v29;
	[tilespmem:v23+s24+$0x0] =	vst.idx.msk $0xffff, v22;
	v22 =	vadd.f32 v33, v22;
	v42 =	vld.idx.msk [tilespmem:v28+s24+$0x0], $0xffff  }
0x9b: {  	s0 =	sadd.s32 $0x4, s28;
	v23 =	vmul.u32 $0x28, v38;
	v35 =	vbroadcast v35, $0x0;
	v38 =	vld.idx.msk [tilespmem:v13+s24+$0x0], $0xffff;
	[tilespmem:v9+s24+$0x0] =	vst.idx.msk $0xffff, v25;
	v25 =	vadd.f32 v26, v25  }
0x9c: {  	v28 =	vmov s0;
	s0 =	sadd.s32 $0x5, s28;
	v26 =	vmul.u32 $0x28, v41;
	v9 =	vmovc v27;
	[tilespmem:v24+s24+$0x0] =	vst.idx.msk $0xffff, v22;
	v24 =	vadd.f32 v32, v22;
	v32 =	vld.idx.msk [tilespmem:v18+s24+$0x0], $0xffff  }
0x9d: {  	v23 =	vbroadcast v23, $0x0;
	v22 =	vmov s0;
	v41 =	vld.idx.msk [tilespmem:v16+s24+$0x0], $0xffff;
	[tilespmem:v7+s24+$0x0] =	vst.idx.msk $0xffff, v25;
	v29 =	vadd.f32 v31, v25;
	v7 =	vmovc v15  }
0x9e: {  	v43 =	vbroadcast v37, $0x0;
	v15 =	vmul.u32 $0x28, v28;
	v28 =	vmul.u32 $0x28, v22;
	[tilespmem:v21+s24+$0x0] =	vst.idx.msk $0xffff, v24;
	v37 =	vld.idx.msk [tilespmem:v10+s24+$0x0], $0xffff  }
0x9f: {  	v22 =	vor.u32 v0, v23;
	v44 =	vor.u32 v2, v23;
	v21 =	vadd.f32 v30, v24;
	v25 =	vld.idx.msk [tilespmem:v11+s24+$0x0], $0xffff  }
0xa0: {  	s0 =	sadd.s32 $0x6, s28;
	v27 =	vbroadcast v15, $0x0;
	v30 =	vbroadcast v28, $0x0;
	v15 =	vadd.f32 v39, v29;
	v31 =	vld.idx.msk [tilespmem:v12+s24+$0x0], $0xffff;
	[tilespmem:v8+s24+$0x0] =	vst.idx.msk $0xffff, v29  }
0xa1: {  	v23 =	vadd.s32 v0, v35;
	v24 =	vmov s0;
	s0 =	sadd.s32 $0x7, s28;
	v29 =	vbroadcast v26, $0x0;
	v8 =	vmovc v14;
	[tilespmem:v20+s24+$0x0] =	vst.idx.msk $0xffff, v21  }
0xa2: {  	v14 =	vmul.u32 $0x28, v24;
	v28 =	vadd.f32 v40, v21;
	v20 =	vmov s0;
	v26 =	vld.idx.msk [tilespmem:v9+s24+$0x0], $0xffff;
	[tilespmem:v5+s24+$0x0] =	vst.idx.msk $0xffff, v15;
	v5 =	vmovc v19  }
0xa3: {  	v24 =	vor.u32 v0, v43;
	v19 =	vmul.u32 $0x28, v20;
	[tilespmem:v6+s24+$0x0] =	vst.idx.msk $0xffff, v17;
	v17 =	vadd.f32 v34, v15  }
0xa4: {  	v14 =	vbroadcast v14, $0x0;
	v15 =	vadd.s32 v2, v30;
	v6 =	vmov v16;
	v34 =	vld.idx.msk [tilespmem:v22+s24+$0x0], $0xffff;
	[tilespmem:v18+s24+$0x0] =	vst.idx.msk $0xffff, v28  }
0xa5: {  	v21 =	vadd.s32 v0, v29;
	v19 =	vbroadcast v19, $0x0;
	[tilespmem:v12+s24+$0x0] =	vst.idx.msk $0xffff, v17;
	v12 =	vadd.f32 v32, v28  }
.Ltmp2:
0xa6: {  	v28 =	vor.u32 v0, v14;
	v14 =	vadd.s32 v2, v14;
	v16 =	vadd.f32 v31, v17;
	v33 =	vld.idx.msk [tilespmem:v23+s24+$0x0], $0xffff;
	(pc) =	sbr.rel @p0 .LBB2_6-.Ltmp2, $4  }
0xa7: {  	v20 =	vor.u32 v0, v27;
	v31 =	vld.idx.msk [tilespmem:v7+s24+$0x0], $0xffff;
	[tilespmem:v36+s24+$0x0] =	vst.idx.msk $0xffff, v12;
	v36 =	vadd.f32 v42, v12  }
0xa8: {  	v17 =	vadd.f32 v38, v16;
	v32 =	vld.idx.msk [tilespmem:v24+s24+$0x0], $0xffff;
	[tilespmem:v13+s24+$0x0] =	vst.idx.msk $0xffff, v16;
	v13 =	vadd.s32 v2, v35  }
0xa9: {  	v18 =	vadd.s32 v0, v30;
	v35 =	vadd.s32 v0, v19;
	v37 =	vadd.f32 v37, v36;
	v12 =	vmovc v44  }
0xaa: {  	s29 =	smov.u32 s26;
	v16 =	vadd.s32 v2, v43;
	v19 =	vadd.s32 v2, v19;
	v38 =	vadd.f32 v41, v17;
	v30 =	vld.idx.msk [tilespmem:v21+s24+$0x0], $0xffff  }
0xab: {  	_ =	sdelay $0x2  }
0xac: {  	v25 =	vadd.f32 v25, v38  }
0xad: {  	v39 =	vld.idx.msk [tilespmem:v8+s24+$0x0], $0xffff  }
0xae: {  	[tilespmem:v10+s24+$0x0] =	vst.idx.msk $0xffff, v36;
	v10 =	vadd.f32 v26, v25  }
0xaf: {  	[tilespmem:v22+s24+$0x0] =	vst.idx.msk $0xffff, v37;
	v22 =	vadd.f32 v34, v37;
	v26 =	vld.idx.msk [tilespmem:v5+s24+$0x0], $0xffff  }
0xb0: {  	[tilespmem:v11+s24+$0x0] =	vst.idx.msk $0xffff, v38;
	v31 =	vadd.f32 v31, v10  }
0xb1: {  	v29 =	vadd.s32 v2, v29;
	v11 =	vld.idx.msk [tilespmem:v12+s24+$0x0], $0xffff;
	[tilespmem:v23+s24+$0x0] =	vst.idx.msk $0xffff, v22;
	v22 =	vadd.f32 v33, v22  }
0xb2: {  	v61 =	vld.idx.msk [tilespmem:v20+s24+$0x0], $0xffff;
	[tilespmem:v6+s24+$0x0] =	vst.idx.msk $0xffff, v17;
	v23 =	vadd.f32 v39, v31  }
0xb3: {  	v62 =	vld.idx.msk [tilespmem:v13+s24+$0x0], $0xffff;
	[tilespmem:v9+s24+$0x0] =	vst.idx.msk $0xffff, v25;
	v9 =	vadd.f32 v32, v22  }
0xb4: {  	v27 =	vor.u32 v2, v27;
	[tilespmem:v24+s24+$0x0] =	vst.idx.msk $0xffff, v22;
	v22 =	vld.idx.msk [tilespmem:v18+s24+$0x0], $0xffff;
	v24 =	vadd.f32 v26, v23  }
0xb5: {  	v25 =	vld.idx.msk [tilespmem:v16+s24+$0x0], $0xffff;
	[tilespmem:v21+s24+$0x0] =	vst.idx.msk $0xffff, v9  }
0xb6: {  	[tilespmem:v7+s24+$0x0] =	vst.idx.msk $0xffff, v10;
	v7 =	vadd.f32 v30, v9;
	v10 =	vld.idx.msk [tilespmem:v29+s24+$0x0], $0xffff;
	v9 =	vadd.f32 v11, v24  }
0xb7: {  	[tilespmem:v8+s24+$0x0] =	vst.idx.msk $0xffff, v31;
	v8 =	vld.idx.msk [tilespmem:v28+s24+$0x0], $0xffff  }
0xb8: {  	[tilespmem:v20+s24+$0x0] =	vst.idx.msk $0xffff, v7;
	v7 =	vadd.f32 v61, v7;
	v11 =	vadd.f32 v62, v9  }
0xb9: {  	v20 =	vld.idx.msk [tilespmem:v27+s24+$0x0], $0xffff;
	[tilespmem:v5+s24+$0x0] =	vst.idx.msk $0xffff, v23  }
0xba: {  	[tilespmem:v18+s24+$0x0] =	vst.idx.msk $0xffff, v7;
	v5 =	vadd.f32 v22, v7;
	v7 =	vadd.f32 v25, v11  }
0xbb: {  	v6 =	vld.idx.msk [tilespmem:v15+s24+$0x0], $0xffff;
	[tilespmem:v12+s24+$0x0] =	vst.idx.msk $0xffff, v24  }
0xbc: {  	[tilespmem:v28+s24+$0x0] =	vst.idx.msk $0xffff, v5;
	v5 =	vadd.f32 v8, v5;
	v10 =	vadd.f32 v10, v7  }
0xbd: {  	v8 =	vld.idx.msk [tilespmem:v14+s24+$0x0], $0xffff;
	[tilespmem:v13+s24+$0x0] =	vst.idx.msk $0xffff, v9  }
0xbe: {  	[tilespmem:v35+s24+$0x0] =	vst.idx.msk $0xffff, v5;
	v9 =	vadd.f32 v20, v10  }
0xbf: {  	[tilespmem:v16+s24+$0x0] =	vst.idx.msk $0xffff, v11  }
0xc0: {  	[tilespmem:v29+s24+$0x0] =	vst.idx.msk $0xffff, v7;
	v5 =	vadd.f32 v6, v9  }
0xc1: {  	[tilespmem:v27+s24+$0x0] =	vst.idx.msk $0xffff, v10  }
0xc2: {  	[tilespmem:v15+s24+$0x0] =	vst.idx.msk $0xffff, v9;
	v6 =	vadd.f32 v8, v5  }
0xc3: {  	[tilespmem:v14+s24+$0x0] =	vst.idx.msk $0xffff, v5  }
0xc4: {  	s0 =	sand.u32 $0x1F0, s24;
	[tilespmem:v19+s24+$0x0] =	vst.idx.msk $0xffff, v6  }
0xc5: {  	v5 =	vld [tilespmem:s0+$0x1B200]  }
0xc6: {  	v6 =	vld [tilespmem:s0+$0x1B000];
	_ =	sdelay $0x2  }
0xc7: {  	s1 =	simm.s32 $0x1  }
0xc8: {  	v7 =	vmov s1;
	v10 =	vmul.u32 $0x28, v5  }
0xc9: {  	v11 =	vand.u32 $0x8, v7;
	v6 =	vmul.u32 $0x28, v6  }
0xca: {  	v12 =	vand.u32 $0x7, v7;
	v5 =	vadd.s32 v11, v10  }
0xcb: {  	v7 =	vadd.s32 v11, v6;
	v5 =	vor.u32 v12, v5  }
0xcc: {  	v8 =	vmov s0;
	v7 =	vor.u32 v12, v7  }
0xcd: {  	v8 =	vmul.u32 $0x28, v8  }
0xce: {  	s30 =	sand.u32 $0x1F0, s25;
	v9 =	vmov s24  }
0xcf: {  	v16 =	vand.u32 $0x8, v9;
	v8 =	vbroadcast v8, $0x0;
	v15 =	vld [tilespmem:s30+$0x1B200]  }
0xd0: {  	v21 =	vand.u32 $0x6, v9;
	v20 =	vor.u32 $0x10, v16;
	v13 =	vld.idx.msk [tilespmem:v5+s2+$0x0], $0xffff;
	v5 =	vadd.s32 v16, v10  }
0xd1: {  	v24 =	vadd.s32 v3, v8;
	v7 =	vld.idx.msk [tilespmem:v7+s2+$0x0], $0xffff;
	v14 =	vor.u32 v21, v5;
	v5 =	vadd.s32 v16, v6  }
0xd2: {  	v18 =	vld [tilespmem:s30+$0x1B000];
	v19 =	vadd.s32 v11, v24;
	v17 =	vor.u32 v21, v5;
	v5 =	vadd.s32 v20, v10  }
0xd3: {  	v8 =	vadd.s32 v20, v6;
	v11 =	vor.u32 $0x10, v11;
	v9 =	vor.u32 v21, v5;
	v5 =	vld [tilespmem:s0+$0x1B400]  }
0xd4: {  	v19 =	vor.u32 v12, v19;
	v8 =	vor.u32 v21, v8;
	v10 =	vadd.s32 v11, v10  }
0xd5: {  	s31 =	simm.s32 $0x3;
	v6 =	vadd.s32 v11, v6;
	v16 =	vadd.s32 v16, v24;
	v10 =	vor.u32 v12, v10  }
0xd6: {  	v7 =	vsub.f32 v13, v7;
	v13 =	vmul.u32 $0x28, v15;
	v15 =	vmov s31  }
0xd7: {  	v26 =	vor.u32 v12, v6;
	v25 =	vld.idx.msk [tilespmem:v14+s2+$0x0], $0xffff;
	v14 =	vmul.u32 $0x28, v18;
	v18 =	vand.u32 $0x8, v15  }
0xd8: {  	v6 =	vand.u32 $0x7, v15;
	v22 =	vadd.s32 v18, v13;
	v7 =	vmul.f32 v7, v5  }
0xd9: {  	v16 =	vor.u32 v21, v16;
	v11 =	vadd.s32 v24, v11;
	v17 =	vld.idx.msk [tilespmem:v17+s2+$0x0], $0xffff;
	v27 =	vor.u32 v6, v22  }
0xda: {  	v24 =	vadd.s32 v20, v24;
	v22 =	vadd.s32 v18, v14;
	[tilespmem:v19+s21+$0x0] =	vst.idx.msk $0xffff, v7  }
0xdb: {  	v20 =	vor.u32 v12, v11;
	v15 =	vand.u32 $0x8, v4;
	v28 =	vor.u32 v6, v22;
	v29 =	vld.idx.msk [tilespmem:v10+s2+$0x0], $0xffff  }
0xdc: {  	v4 =	vand.u32 $0x6, v4;
	v23 =	vadd.s32 v15, v13;
	v19 =	vadd.s32 v15, v14;
	v30 =	vld.idx.msk [tilespmem:v26+s2+$0x0], $0xffff  }
0xdd: {  	s25 =	simm.s32 $0x4;
	v22 =	vor.u32 v4, v23;
	v23 =	vor.u32 v4, v19;
	v19 =	vmov s30  }
0xde: {  	s24 =	sand.u32 $0x1F0, s25;
	v7 =	vor.u32 $0x10, v15;
	v10 =	vsub.f32 v25, v17;
	v31 =	vmul.u32 $0x28, v19;
	v25 =	vld.idx.msk [tilespmem:v27+s2+$0x0], $0xffff  }
0xdf: {  	v12 =	vmov s25;
	v11 =	vor.u32 v21, v24;
	v26 =	vadd.s32 v7, v14;
	v27 =	vld [tilespmem:s24+$0x1B200]  }
0xe0: {  	v19 =	vor.u32 v4, v26;
	v63 =	vmul.f32 v10, v5;
	v26 =	vld.idx.msk [tilespmem:v28+s2+$0x0], $0xffff;
	v31 =	vbroadcast v31, $0x0  }
0xe1: {  	v21 =	vand.u32 $0x8, v12;
	v17 =	vadd.s32 v7, v13;
	v10 =	vld [tilespmem:s30+$0x1B400];
	v24 =	vsub.f32 v29, v30  }
0xe2: {  	s26 =	simm.s32 $0x6;
	v12 =	vand.u32 $0x6, v12;
	v17 =	vor.u32 v4, v17;
	v28 =	vld [tilespmem:s24+$0x1B000];
	[tilespmem:v16+s21+$0x0] =	vst.idx.msk $0xffff, v63;
	v16 =	vadd.s32 v3, v31  }
.LBB2_8:
0xe3: {  	p0 =	slt.u32 s26, $0x1FE;
	v29 =	vld.idx.msk [tilespmem:v22+s2+$0x0], $0xffff;
	v22 =	vadd.s32 v18, v16;
	v30 =	vor.u32 $0x10, v18;
	v18 =	vmul.f32 v24, v5  }
0xe4: {  	v24 =	vld.idx.msk [tilespmem:v23+s2+$0x0], $0xffff;
	v22 =	vor.u32 v6, v22;
	v13 =	vadd.s32 v30, v13;
	v14 =	vadd.s32 v30, v14  }
0xe5: {  	s0 =	sadd.s32 $0x1, s25;
	s25 =	smov.u32 s26;
	v23 =	vsub.f32 v25, v26;
	v25 =	vor.u32 v6, v13;
	v26 =	vld.idx.msk [tilespmem:v9+s2+$0x0], $0xffff;
	[tilespmem:v20+s21+$0x0] =	vst.idx.msk $0xffff, v18  }
0xe6: {  	v20 =	vmov s0;
	v9 =	vmovc v17;
	v13 =	vmul.u32 $0x28, v27;
	v27 =	vor.u32 v6, v14;
	v31 =	vld.idx.msk [tilespmem:v8+s2+$0x0], $0xffff;
	v8 =	vmovc v19  }
0xe7: {  	v18 =	vand.u32 $0x8, v20;
	v17 =	vmul.f32 v23, v10;
	v14 =	vmul.u32 $0x28, v28  }
0xe8: {  	v28 =	vand.u32 $0x7, v20;
	v19 =	vadd.s32 v21, v13;
	v20 =	vadd.s32 v18, v13  }
0xe9: {  	v32 =	vor.u32 $0x10, v21;
	v20 =	vor.u32 v28, v20;
	v23 =	vadd.s32 v18, v14;
	[tilespmem:v22+s21+$0x0] =	vst.idx.msk $0xffff, v17  }
0xea: {  	v22 =	vor.u32 v12, v19;
	v17 =	vadd.s32 v21, v14;
	v33 =	vor.u32 v28, v23;
	v34 =	vld.idx.msk [tilespmem:v25+s2+$0x0], $0xffff  }
0xeb: {  	v35 =	vadd.s32 v15, v16;
	v19 =	vsub.f32 v29, v24;
	v23 =	vor.u32 v12, v17;
	v24 =	vld.idx.msk [tilespmem:v27+s2+$0x0], $0xffff  }
0xec: {  	v15 =	vmovc v21;
	v29 =	vor.u32 v4, v35;
	v17 =	vadd.s32 v32, v13;
	v25 =	vadd.s32 v32, v14  }
0xed: {  	v21 =	vmov s24;
	v17 =	vor.u32 v12, v17;
	v35 =	vmul.f32 v19, v10  }
.Ltmp3:
0xee: {  	v21 =	vmul.u32 $0x28, v21;
	v19 =	vor.u32 v12, v25;
	v27 =	vsub.f32 v26, v31;
	v25 =	vld.idx.msk [tilespmem:v20+s2+$0x0], $0xffff;
	(pc) =	sbr.rel @p0 .LBB2_8-.Ltmp3, $4  }
0xef: {  	v31 =	vadd.s32 v7, v16;
	v16 =	vadd.s32 v16, v30;
	v7 =	vmov v32;
	v26 =	vld.idx.msk [tilespmem:v33+s2+$0x0], $0xffff  }
0xf0: {  	v30 =	vbroadcast v21, $0x0;
	v32 =	vmul.f32 v27, v5;
	v5 =	vmovc v10;
	v20 =	vor.u32 v6, v16;
	v6 =	vmovc v28;
	v10 =	vld [tilespmem:s24+$0x1B400];
	s24 =	sand.u32 $0x1F0, s26  }
0xf1: {  	v16 =	vmov s26;
	v24 =	vsub.f32 v34, v24;
	v27 =	vld [tilespmem:s24+$0x1B200];
	[tilespmem:v29+s21+$0x0] =	vst.idx.msk $0xffff, v35;
	v29 =	vor.u32 v4, v31;
	v4 =	vmovc v12  }
0xf2: {  	v21 =	vand.u32 $0x8, v16;
	s26 =	sadd.s32 $0x2, s26;
	v12 =	vand.u32 $0x6, v16;
	v16 =	vadd.s32 v3, v30;
	v28 =	vld [tilespmem:s24+$0x1B000];
	[tilespmem:v11+s21+$0x0] =	vst.idx.msk $0xffff, v32;
	v11 =	vmovc v29  }
0xf3: {  	_ =	sdelay $0x1  }
0xf4: {  	s0 =	sadd.s32 $0x1, s25  }
0xf5: {  	v29 =	vmov s0;
	v27 =	vmul.u32 $0x28, v27  }
0xf6: {  	v30 =	vand.u32 $0x8, v29;
	v28 =	vmul.u32 $0x28, v28  }
0xf7: {  	v29 =	vand.u32 $0x7, v29;
	v31 =	vadd.s32 v30, v27  }
0xf8: {  	v35 =	vadd.s32 v18, v16;
	v31 =	vor.u32 v29, v31;
	v32 =	vadd.s32 v30, v28  }
0xf9: {  	v22 =	vld.idx.msk [tilespmem:v22+s2+$0x0], $0xffff;
	v36 =	vmov s24;
	v33 =	vadd.s32 v21, v27;
	v32 =	vor.u32 v29, v32  }
0xfa: {  	v23 =	vld.idx.msk [tilespmem:v23+s2+$0x0], $0xffff;
	v15 =	vadd.s32 v15, v16;
	v33 =	vor.u32 v12, v33;
	v34 =	vadd.s32 v21, v28  }
0xfb: {  	v43 =	vor.u32 $0x10, v18;
	v48 =	vor.u32 $0x10, v21;
	v34 =	vor.u32 v12, v34  }
0xfc: {  	v46 =	vld [tilespmem:s24+$0x1B400];
	v35 =	vor.u32 v6, v35;
	v36 =	vmul.u32 $0x28, v36;
	v25 =	vsub.f32 v25, v26  }
0xfd: {  	v15 =	vor.u32 v4, v15;
	v13 =	vadd.s32 v43, v13;
	v14 =	vadd.s32 v43, v14;
	v31 =	vld.idx.msk [tilespmem:v31+s2+$0x0], $0xffff  }
0xfe: {  	v13 =	vor.u32 v6, v13;
	v14 =	vor.u32 v6, v14;
	v44 =	vbroadcast v36, $0x0;
	v32 =	vld.idx.msk [tilespmem:v32+s2+$0x0], $0xffff  }
0xff: {  	v25 =	vmul.f32 v25, v10;
	v49 =	vor.u32 $0x10, v30;
	v22 =	vsub.f32 v22, v23;
	v42 =	vld.idx.msk [tilespmem:v33+s2+$0x0], $0xffff  }
0x100: {  	v23 =	vadd.s32 v3, v44;
	v51 =	vadd.s32 v49, v27;
	v27 =	vadd.s32 v48, v27;
	v45 =	vld.idx.msk [tilespmem:v34+s2+$0x0], $0xffff  }
0x101: {  	[tilespmem:v35+s21+$0x0] =	vst.idx.msk $0xffff, v25;
	v47 =	vadd.s32 v30, v23;
	v52 =	vadd.s32 v49, v28  }
0x102: {  	v9 =	vld.idx.msk [tilespmem:v9+s2+$0x0], $0xffff;
	v53 =	vadd.s32 v21, v23;
	v28 =	vadd.s32 v48, v28;
	v50 =	vor.u32 v29, v47  }
0x103: {  	v8 =	vld.idx.msk [tilespmem:v8+s2+$0x0], $0xffff;
	v22 =	vmul.f32 v22, v10;
	v31 =	vsub.f32 v31, v32;
	v32 =	vor.u32 v29, v51  }
0x104: {  	v27 =	vor.u32 v12, v27;
	v13 =	vld.idx.msk [tilespmem:v13+s2+$0x0], $0xffff;
	v21 =	vor.u32 v12, v53;
	v33 =	vor.u32 v29, v52  }
0x105: {  	v14 =	vld.idx.msk [tilespmem:v14+s2+$0x0], $0xffff;
	[tilespmem:v15+s21+$0x0] =	vst.idx.msk $0xffff, v22;
	v26 =	vsub.f32 v42, v45;
	v31 =	vmul.f32 v31, v46  }
0x106: {  	v28 =	vor.u32 v12, v28;
	v17 =	vld.idx.msk [tilespmem:v17+s2+$0x0], $0xffff  }
0x107: {  	v19 =	vld.idx.msk [tilespmem:v19+s2+$0x0], $0xffff;
	v26 =	vmul.f32 v26, v46;
	[tilespmem:v50+s21+$0x0] =	vst.idx.msk $0xffff, v31  }
0x108: {  	v30 =	vld.idx.msk [tilespmem:v32+s2+$0x0], $0xffff  }
0x109: {  	[tilespmem:v21+s21+$0x0] =	vst.idx.msk $0xffff, v26;
	v31 =	vld.idx.msk [tilespmem:v33+s2+$0x0], $0xffff  }
0x10a: {  	v24 =	vmul.f32 v24, v5;
	v7 =	vadd.s32 v7, v16;
	v54 =	vld.idx.msk [tilespmem:v27+s2+$0x0], $0xffff  }
0x10b: {  	v18 =	vadd.s32 v16, v43;
	v4 =	vor.u32 v4, v7;
	v55 =	vld.idx.msk [tilespmem:v28+s2+$0x0], $0xffff  }
0x10c: {  	[tilespmem:v20+s21+$0x0] =	vst.idx.msk $0xffff, v24;
	v56 =	vor.u32 v6, v18;
	v8 =	vsub.f32 v9, v8  }
0x10d: {  	v58 =	vadd.s32 v23, v49;
	v60 =	vadd.s32 v48, v23;
	v57 =	vsub.f32 v13, v14  }
0x10e: {  	v5 =	vmul.f32 v8, v5;
	v8 =	vor.u32 v29, v58;
	v59 =	vsub.f32 v17, v19  }
0x10f: {  	v61 =	vor.u32 v12, v60;
	v7 =	vmul.f32 v57, v10;
	v62 =	vsub.f32 v30, v31  }
0x110: {  	[tilespmem:v11+s21+$0x0] =	vst.idx.msk $0xffff, v5;
	v5 =	vmul.f32 v59, v10;
	v9 =	vsub.f32 v54, v55  }
0x111: {  	[tilespmem:v56+s21+$0x0] =	vst.idx.msk $0xffff, v7;
	v63 =	vmul.f32 v62, v46  }
0x112: {  	[tilespmem:v4+s21+$0x0] =	vst.idx.msk $0xffff, v5;
	v4 =	vmul.f32 v9, v46  }
0x113: {  	s24 =	simm.s32 $0x14000;
	[tilespmem:v8+s21+$0x0] =	vst.idx.msk $0xffff, v63  }
0x114: {  	s25 =	simm.s32 $0x40;
	s28 =	sadd.s32 $0x0, s7;
	s26 =	simm.s32 $0x14028;
	[tilespmem:v61+s21+$0x0] =	vst.idx.msk $0xffff, v4  }
.LBB2_10:
0x115: {  	[hbm4b:s28+s2] =	stream.linear.scatter [tilespmem:s24], [sflag:$0x2], $0x20, $0x38;
	[tilespmem:$0x1B600] =	vst v63  }
0x116: {  	s0 =	smov.u32 s25;
	s24 =	smov.u32 s26;
	p0 =	sne.s32 s25, $0x7FC0  }
.Ltmp4:
0x117: {  	s25 =	sadd.s32 $0x40, s25;
	(pc) =	sbr.rel @p0 .LBB2_10-.Ltmp4, $2  }
0x118: {  	_ =	sdelay $0x2  }
0x119: {  	s26 =	sadd.s32 $0x28, s26;
	s28 =	sadd.s32 s0, s7  }
0x11a: {  	[hbm4b:s28+s2] =	stream.linear.scatter [tilespmem:s24], [sflag:$0x2], $0x20, $0x38;
	[tilespmem:$0x1B600] =	vst v63  }
0x11b: {  	s24 =	simm.s32 $0x0;
	s25 =	simm.s32 $0x0  }
.LBB2_12:
0x11c: {  	p0 =	sne.s32 s25, $0x3FF0  }
.Ltmp5:
0x11d: {  	_ = 	snop;
	(pc) =	sbr.rel @p0 .LBB2_12-.Ltmp5, $4  }
0x11e: {  	_ = 	snop  }
0x11f: {  	s0 =	sadd.s32 s25, s8  }
0x120: {  	[tilespmem:s24], [sflag:$0x1] =	stream.linear.gather [hbm4b:s0+s2], $0x20, $0x38;
	[tilespmem:$0x1B600] =	vst v63  }
0x121: {  	s25 =	sadd.s32 $0x10, s25;
	s24 =	sadd.s32 $0x28, s24  }
0x122: {  	s0 =	simm.s32 $0x0  }
0x123: {  	s0 =	sor.u32 s6, s0  }
0x124: {  	s1 =	simm.s32 $0x10;
	v4 =	vor.u32 s0, v0  }
0x125: {  	s1 =	sor.u32 s6, s1  }
0x126: {  	s24 =	simm.s32 $0x30;
	v5 =	vor.u32 s1, v0  }
0x127: {  	s0 =	sor.u32 s6, s24  }
0x128: {  	v8 =	vor.u32 s0, v0  }
0x129: {  	v6 =	vld.idx.msk [tilespmem:v4+s17+$0x0], $0xffff  }
0x12a: {  	v4 =	vld.idx.msk [tilespmem:v4+s19+$0x0], $0xffff  }
0x12b: {  	v7 =	vld.idx.msk [tilespmem:v5+s17+$0x0], $0xffff  }
0x12c: {  	v5 =	vld.idx.msk [tilespmem:v5+s19+$0x0], $0xffff  }
0x12d: {  	v11 =	vld.idx.msk [tilespmem:v8+s17+$0x0], $0xffff  }
0x12e: {  	v8 =	vld.idx.msk [tilespmem:v8+s19+$0x0], $0xffff  }
0x12f: {  	s25 =	simm.s32 $0x20  }
0x130: {  	s1 =	sor.u32 s6, s25;
	v4 =	vadd.f32 v4, v6  }
0x131: {  	v9 =	vor.u32 s1, v0  }
0x132: {  	v5 =	vadd.f32 v5, v7;
	v7 =	vmul.f32 $5.000000000e-01, v7;
	v4 =	vadd.f32 $1.000000050e-03, v4  }
0x133: {  	v6 =	vmul.f32 $5.000000000e-01, v6;
	v8 =	vadd.f32 v8, v11  }
0x134: {  	v5 =	vadd.f32 $1.000000050e-03, v5;
	v7 =	vtrunc.f32 v7;
	v4 =	vmul.f32 $5.000000000e-01, v4  }
0x135: {  	v6 =	vtrunc.f32 v6;
	v7 =	vcvt.f32.s32 v7  }
0x136: {  	v8 =	vadd.f32 $1.000000050e-03, v8;
	v5 =	vmul.f32 $5.000000000e-01, v5;
	v10 =	vtrunc.f32 v4  }
0x137: {  	vm8 =	vlt.s32 v7, $0x3FF;
	v12 =	vcvt.f32.s32 v10;
	vm0 =	vgt.f32 v4, v10;
	v10 =	vld.idx.msk [tilespmem:v9+s17+$0x0], $0xffff  }
0x138: {  	v13 =	vtrunc.f32 v5;
	v4 =	vcvt.f32.s32 v6;
	v9 =	vld.idx.msk [tilespmem:v9+s19+$0x0], $0xffff;
	v6 =	vsel vm0, $0x1, v1  }
0x139: {  	v8 =	vmul.f32 $5.000000000e-01, v8;
	vm7 =	vgt.f32 v5, v13;
	v6 =	vadd.s32 v12, v6  }
0x13a: {  	v12 =	vcvt.f32.s32 v13;
	vm1 =	vlt.s32 v4, $0x3FF;
	vm2 =	vlt.s32 v6, $0x3FF  }
0x13b: {  	v5 =	vsel vm7, $0x1, v1;
	v13 =	vnsel vm1, $0x3FF, v4;
	v14 =	vnsel vm2, $0x3FF, v6  }
0x13c: {  	s26 =	simm.s32 $0x50;
	s30 =	simm.s32 $0x40;
	v15 =	vnsel vm8, $0x3FF, v7;
	v4 =	vadd.s32 v12, v5;
	v5 =	vsub.s32 v14, v13  }
0x13d: {  	s31 =	sor.u32 s6, s30;
	s0 =	sor.u32 s6, s26;
	v6 =	vmul.f32 $5.000000000e-01, v11;
	v7 =	vadd.f32 v9, v10;
	v5 =	vcvt.s32.f32 v5  }
0x13e: {  	v12 =	vor.u32 s0, v0;
	v11 =	vor.u32 s31, v0;
	vm9 =	vlt.s32 v4, $0x3FF  }
0x13f: {  	v6 =	vtrunc.f32 v6;
	v7 =	vadd.f32 $1.000000050e-03, v7;
	v5 =	vmax.f32 v5, $1.000000000e+00  }
0x140: {  	v4 =	vnsel vm9, $0x3FF, v4;
	v6 =	vcvt.f32.s32 v6;
	(erf) = vrcp.f32 v5  }
0x141: {  	v10 =	vmul.f32 $5.000000000e-01, v10;
	v5 =	vsub.s32 v4, v15;
	v7 =	vmul.f32 $5.000000000e-01, v7  }
0x142: {  	v62 =	vtrunc.f32 v8;
	vm10 =	vlt.s32 v6, $0x3FF;
	v9 =	vcvt.s32.f32 v5  }
0x143: {  	v5 =	vnsel vm10, $0x3FF, v6;
	v6 =	vtrunc.f32 v10;
	v16 =	vtrunc.f32 v7  }
0x144: {  	v17 =	vmax.f32 v9, $1.000000000e+00;
	v9 =	vld.idx.msk [tilespmem:v12+s17+$0x0], $0xffff;
	v10 =	vcvt.f32.s32 v16;
	vm11 =	vgt.f32 v7, v16  }
0x145: {  	vm12 =	vgt.f32 v8, v62;
	v8 =	vld.idx.msk [tilespmem:v11+s17+$0x0], $0xffff;
	v6 =	vcvt.f32.s32 v6;
	v7 =	vsel vm11, $0x1, v1  }
0x146: {  	s24 =	simm.s32 $0x1B010;
	v18 =	vcvt.f32.s32 v62;
	v11 =	vld.idx.msk [tilespmem:v11+s19+$0x0], $0xffff;
	v10 =	vadd.s32 v10, v7  }
0x147: {  	[tilespmem:s24+$0x0] =	vst v15;
	v16 =	vsel vm12, $0x1, v1;
	v12 =	vld.idx.msk [tilespmem:v12+s19+$0x0], $0xffff;
	vm13 =	vlt.s32 v6, $0x3FF;
	vm14 =	vlt.s32 v10, $0x3FF  }
0x148: {  	s25 =	simm.s32 $0x1B210;
	[tilespmem:s24+$0xFFFFFFF0] =	vst v13;
	v7 =	vnsel vm13, $0x3FF, v6;
	v6 =	vnsel vm14, $0x3FF, v10;
	v10 =	vadd.s32 v18, v16  }
0x149: {  	s26 =	simm.s32 $0x1B410;
	[tilespmem:s25+$0xFFFFFFF0] =	vst v14;
	v13 =	vmul.f32 $5.000000000e-01, v9;
	v63 =	vsub.s32 v6, v7;
	vm15 =	vlt.s32 v10, $0x3FF;
	v14 =	vpop (erf)  }
0x14a: {  	s28 =	simm.s32 $0x4;
	s29 =	simm.s32 $0x70;
	v10 =	vnsel vm15, $0x3FF, v10;
	(erf) = vrcp.f32 v17;
	[tilespmem:s26+$0xFFFFFFF0] =	vst v14;
	v14 =	vcvt.s32.f32 v63  }
.LBB2_14:
0x14b: {  	s0 =	sadd.s32 $0xFFFFFFF0, s29;
	s1 =	sor.u32 s6, s29;
	v11 =	vadd.f32 v11, v8;
	v13 =	vtrunc.f32 v13;
	v15 =	vsub.s32 v10, v5;
	[tilespmem:s25+$0x0] =	vst v4;
	v4 =	vmovc v10  }
0x14c: {  	s28 =	sadd.s32 $0x2, s28;
	v9 =	vadd.f32 v12, v9;
	s0 =	sor.u32 s6, s0;
	v10 =	vor.u32 s1, v0;
	v12 =	vmax.f32 v14, $1.000000000e+00  }
0x14d: {  	p0 =	slt.u32 s28, $0x1E;
	v14 =	vor.u32 s0, v0;
	v11 =	vadd.f32 $1.000000050e-03, v11;
	(erf) = vrcp.f32 v12  }
0x14e: {  	v12 =	vcvt.f32.s32 v13;
	v9 =	vadd.f32 $1.000000050e-03, v9;
	v13 =	vcvt.s32.f32 v15  }
0x14f: {  	v11 =	vmul.f32 $5.000000000e-01, v11  }
0x150: {  	v15 =	vmul.f32 $5.000000000e-01, v8;
	v16 =	vmul.f32 $5.000000000e-01, v9;
	vm0 =	vlt.s32 v12, $0x3FF  }
0x151: {  	v19 =	vmax.f32 v13, $1.000000000e+00;
	v18 =	vnsel vm0, $0x3FF, v12;
	v9 =	vld.idx.msk [tilespmem:v10+s17+$0x0], $0xffff;
	v17 =	vtrunc.f32 v11  }
0x152: {  	v12 =	vtrunc.f32 v15;
	v8 =	vld.idx.msk [tilespmem:v14+s17+$0x0], $0xffff;
	v13 =	vcvt.f32.s32 v17;
	vm0 =	vgt.f32 v11, v17  }
0x153: {  	v17 =	vtrunc.f32 v16;
	v11 =	vld.idx.msk [tilespmem:v14+s19+$0x0], $0xffff;
	v14 =	vcvt.f32.s32 v12;
	v15 =	vsel vm0, $0x1, v1;
	v20 =	vpop (erf)  }
.Ltmp6:
0x154: {  	s24 =	sadd.s32 $0x20, s24;
	vm0 =	vgt.f32 v16, v17;
	v12 =	vld.idx.msk [tilespmem:v10+s19+$0x0], $0xffff;
	v21 =	vadd.s32 v13, v15;
	v13 =	vcvt.f32.s32 v17;
	[tilespmem:s26+$0x0] =	vst v20;
	(pc) =	sbr.rel @p0 .LBB2_14-.Ltmp6, $4  }
0x155: {  	s25 =	sadd.s32 $0x20, s25;
	v15 =	vsel vm0, $0x1, v1;
	vm1 =	vlt.s32 v14, $0x3FF;
	vm2 =	vlt.s32 v21, $0x3FF;
	[tilespmem:s24+$0xFFFFFFF0] =	vst v7  }
0x156: {  	s26 =	sadd.s32 $0x20, s26;
	v7 =	vnsel vm1, $0x3FF, v14;
	v15 =	vadd.s32 v13, v15;
	[tilespmem:s25+$0xFFFFFFF0] =	vst v6;
	v6 =	vnsel vm2, $0x3FF, v21;
	v10 =	vpop (erf)  }
0x157: {  	v13 =	vmul.f32 $5.000000000e-01, v9;
	v14 =	vsub.s32 v6, v7;
	vm0 =	vlt.s32 v15, $0x3FF;
	[tilespmem:s26+$0xFFFFFFF0] =	vst v10  }
0x158: {  	s29 =	sadd.s32 $0x20, s29;
	v14 =	vcvt.s32.f32 v14;
	v10 =	vnsel vm0, $0x3FF, v15;
	[tilespmem:s24+$0x0] =	vst v5;
	(erf) = vrcp.f32 v19;
	v5 =	vmovc v18  }
0x159: {  	v11 =	vadd.f32 v11, v8  }
0x15a: {  	v13 =	vtrunc.f32 v13  }
0x15b: {  	v9 =	vadd.f32 v12, v9;
	v12 =	vsub.s32 v10, v5;
	v11 =	vadd.f32 $1.000000050e-03, v11  }
0x15c: {  	v8 =	vmul.f32 $5.000000000e-01, v8;
	v14 =	vmax.f32 v14, $1.000000000e+00;
	v13 =	vcvt.f32.s32 v13  }
0x15d: {  	v12 =	vcvt.s32.f32 v12;
	v9 =	vadd.f32 $1.000000050e-03, v9;
	v11 =	vmul.f32 $5.000000000e-01, v11  }
0x15e: {  	(erf) = vrcp.f32 v14;
	v8 =	vtrunc.f32 v8  }
0x15f: {  	v9 =	vmul.f32 $5.000000000e-01, v9;
	v14 =	vtrunc.f32 v11  }
0x160: {  	v12 =	vmax.f32 v12, $1.000000000e+00;
	v15 =	vcvt.f32.s32 v14;
	vm1 =	vgt.f32 v11, v14  }
0x161: {  	v8 =	vcvt.f32.s32 v8;
	v14 =	vtrunc.f32 v9;
	v11 =	vsel vm1, $0x1, v1  }
0x162: {  	vm13 =	vgt.f32 v9, v14;
	v11 =	vadd.s32 v15, v11;
	v15 =	vcvt.f32.s32 v14  }
0x163: {  	vm0 =	vlt.s32 v13, $0x3FF;
	(erf) = vrcp.f32 v12;
	v9 =	vsel vm13, $0x1, v1  }
0x164: {  	vm2 =	vlt.s32 v8, $0x3FF;
	vm14 =	vlt.s32 v11, $0x3FF;
	v9 =	vadd.s32 v15, v9  }
0x165: {  	v8 =	vnsel vm2, $0x3FF, v8;
	v11 =	vnsel vm14, $0x3FF, v11;
	vm15 =	vlt.s32 v9, $0x3FF  }
0x166: {  	v12 =	vnsel vm0, $0x3FF, v13;
	v14 =	vsub.s32 v11, v8;
	v9 =	vnsel vm15, $0x3FF, v9  }
0x167: {  	[tilespmem:s25+$0x0] =	vst v4;
	s0 =	sadd.s32 $0x20, s24;
	v13 =	vcvt.s32.f32 v14;
	v14 =	vsub.s32 v9, v12  }
0x168: {  	[tilespmem:s0+$0xFFFFFFF0] =	vst v7;
	v14 =	vcvt.s32.f32 v14  }
0x169: {  	[tilespmem:s0+$0x0] =	vst v5;
	v4 =	vpop (erf);
	v13 =	vmax.f32 v13, $1.000000000e+00  }
0x16a: {  	s1 =	sadd.s32 $0x20, s25;
	[tilespmem:s26+$0x0] =	vst v4;
	(erf) = vrcp.f32 v13;
	v4 =	vmax.f32 v14, $1.000000000e+00  }
0x16b: {  	[tilespmem:s1+$0xFFFFFFF0] =	vst v6;
	v6 =	vpop (erf);
	(erf) = vrcp.f32 v4  }
0x16c: {  	s0 =	sadd.s32 $0x20, s0;
	[tilespmem:s1+$0x0] =	vst v10  }
0x16d: {  	s30 =	simm.s32 $0x1;
	[tilespmem:s0+$0x0] =	vst v12  }
0x16e: {  	s28 =	sadd.s32 $0x20, s26;
	s29 =	simm.s32 $0x0;
	v5 =	vmov s30;
	[tilespmem:s0+$0xFFFFFFF0] =	vst v8;
	v4 =	vpop (erf)  }
0x16f: {  	v5 =	vmul.u32 $0x28, v5;
	[tilespmem:s28+$0x0] =	vst v4;
	v4 =	vmov s29  }
0x170: {  	s31 =	simm.s32 $0x2;
	s1 =	sadd.s32 $0x20, s1;
	[tilespmem:s28+$0xFFFFFFF0] =	vst v6;
	v4 =	vmul.u32 $0x28, v4  }
0x171: {  	v5 =	vbroadcast v5, $0x0;
	[tilespmem:s1+$0xFFFFFFF0] =	vst v11;
	v6 =	vmov s31  }
0x172: {  	s25 =	simm.s32 $0x8;
	v6 =	vmul.u32 $0x28, v6;
	[tilespmem:s1+$0x0] =	vst v9;
	s1 =	simm.s32 $0x9;
	v4 =	vbroadcast v4, $0x0  }
0x173: {  	s24 =	sadd.s32 $0x20, s28;
	v26 =	vmov s25;
	v31 =	vadd.s32 v2, v5;
	v22 =	vmov s1;
	s28 =	simm.s32 $0x4;
	v7 =	vpop (erf)  }
0x174: {  	s26 =	simm.s32 $0x3;
	v13 =	vbroadcast v6, $0x0;
	v8 =	vmov s28;
	[tilespmem:s24+$0xFFFFFFF0] =	vst v7;
	v11 =	vor.u32 v0, v4;
	v9 =	vpop (erf)  }
0x175: {  	v14 =	vadd.s32 v0, v5;
	s29 =	simm.s32 $0x5;
	v8 =	vmul.u32 $0x28, v8;
	v7 =	vmov s26;
	[tilespmem:s24+$0x0] =	vst v9  }
0x176: {  	s30 =	simm.s32 $0x6;
	v16 =	vor.u32 v0, v13;
	v10 =	vmov s29;
	v7 =	vmul.u32 $0x28, v7;
	_ =	swait.ge [sflag:s20], $0x8000  }
0x177: {  	s31 =	simm.s32 $0x7;
	v6 =	vmul.u32 $0x28, v10;
	v8 =	vbroadcast v8, $0x0;
	v9 =	vmov s30;
	[sflag:s20] =	ssyncset.done $0x0  }
0x178: {  	v10 =	vbroadcast v7, $0x0;
	v7 =	vmul.u32 $0x28, v9;
	v9 =	vmov s31;
	[sflag:s20] =	ssyncadd.s32 $0xFFFF8000  }
0x179: {  	v12 =	vimm.f32 $0.0e+00;
	v22 =	vmul.u32 $0x28, v22;
	v9 =	vmul.u32 $0x28, v9;
	v18 =	vld.idx.msk [tilespmem:v11+s2+$0x0], $0xffff  }
0x17a: {  	v17 =	vor.u32 v2, v4;
	v23 =	vor.u32 v0, v8;
	v4 =	vbroadcast v7, $0x0  }
0x17b: {  	v15 =	vbroadcast v6, $0x0;
	v19 =	vadd.s32 v0, v10;
	v20 =	vbroadcast v9, $0x0;
	v21 =	vld.idx.msk [tilespmem:v14+s2+$0x0], $0xffff  }
0x17c: {  	v5 =	vadd.s32 v2, v13;
	v34 =	vbroadcast v22, $0x0;
	s28 =	simm.s32 $0xC;
	v29 =	vor.u32 v0, v4  }
0x17d: {  	v22 =	vmov s28;
	s26 =	simm.s32 $0xB;
	v6 =	vadd.s32 v2, v15;
	v13 =	vld.idx.msk [tilespmem:v16+s2+$0x0], $0xffff;
	v9 =	vadd.s32 v0, v20  }
0x17e: {  	v15 =	vadd.s32 v0, v15;
	v27 =	vmov s26;
	v18 =	vadd.f32 v18, v12  }
0x17f: {  	s24 =	simm.s32 $0xA;
	v27 =	vmul.u32 $0x28, v27;
	v25 =	vld.idx.msk [tilespmem:v23+s2+$0x0], $0xffff;
	v7 =	vadd.s32 v2, v4;
	v4 =	vadd.s32 v2, v20  }
0x180: {  	v24 =	vmov s24;
	v20 =	vld.idx.msk [tilespmem:v19+s2+$0x0], $0xffff;
	[tilespmem:v14+s2+$0x0] =	vst.idx.msk $0xffff, v18;
	v14 =	vadd.f32 v21, v18;
	v21 =	vmul.u32 $0x28, v26  }
0x181: {  	v8 =	vor.u32 v2, v8;
	v24 =	vmul.u32 $0x28, v24;
	v10 =	vadd.s32 v2, v10;
	v18 =	vld.idx.msk [tilespmem:v29+s2+$0x0], $0xffff  }
0x182: {  	s29 =	simm.s32 $0xD;
	v28 =	vbroadcast v27, $0x0;
	v39 =	vld.idx.msk [tilespmem:v9+s2+$0x0], $0xffff;
	[tilespmem:v16+s2+$0x0] =	vst.idx.msk $0xffff, v14;
	v13 =	vadd.f32 v13, v14;
	v14 =	vbroadcast v21, $0x0  }
0x183: {  	[tilespmem:v11+s2+$0x0] =	vst.idx.msk $0xffff, v12;
	v38 =	vbroadcast v24, $0x0;
	v26 =	vmul.u32 $0x28, v22;
	v36 =	vld.idx.msk [tilespmem:v31+s2+$0x0], $0xffff;
	v21 =	vmov s29  }
0x184: {  	s30 =	simm.s32 $0xE;
	s31 =	simm.s32 $0xF;
	v16 =	vld.idx.msk [tilespmem:v15+s2+$0x0], $0xffff;
	v22 =	vmul.u32 $0x28, v21;
	v21 =	vor.u32 v0, v14;
	v11 =	vor.u32 v2, v14  }
0x185: {  	v14 =	vadd.f32 v20, v13;
	[tilespmem:v19+s2+$0x0] =	vst.idx.msk $0xffff, v13;
	v19 =	vld.idx.msk [tilespmem:v17+s2+$0x0], $0xffff;
	v13 =	vmov s30;
	v20 =	vmov s31  }
0x186: {  	v37 =	vld.idx.msk [tilespmem:v5+s2+$0x0], $0xffff;
	[tilespmem:v17+s2+$0x0] =	vst.idx.msk $0xffff, v12;
	v40 =	vbroadcast v22, $0x0;
	v22 =	vadd.s32 v0, v34;
	v13 =	vmul.u32 $0x28, v13  }
0x187: {  	v26 =	vbroadcast v26, $0x0;
	v24 =	vld.idx.msk [tilespmem:v10+s2+$0x0], $0xffff;
	v27 =	vmul.u32 $0x28, v20;
	[tilespmem:v23+s2+$0x0] =	vst.idx.msk $0xffff, v14;
	v30 =	vadd.f32 v25, v14  }
0x188: {  	v20 =	vadd.s32 v0, v28;
	v23 =	vor.u32 v0, v38;
	v25 =	vld.idx.msk [tilespmem:v8+s2+$0x0], $0xffff;
	v13 =	vbroadcast v13, $0x0  }
0x189: {  	v14 =	vadd.s32 v2, v40;
	v41 =	vbroadcast v27, $0x0;
	v17 =	vadd.s32 v0, v40;
	[tilespmem:v15+s2+$0x0] =	vst.idx.msk $0xffff, v30  }
0x18a: {  	v15 =	vadd.f32 v16, v30;
	v33 =	vld.idx.msk [tilespmem:v21+s2+$0x0], $0xffff;
	v27 =	vor.u32 v0, v13;
	v16 =	vadd.f32 v19, v12  }
0x18b: {  	v13 =	vadd.s32 v2, v13;
	v19 =	vor.u32 v0, v26;
	v30 =	vld.idx.msk [tilespmem:v6+s2+$0x0], $0xffff;
	v12 =	vadd.s32 v2, v34  }
0x18c: {  	v32 =	vld.idx.msk [tilespmem:v22+s2+$0x0], $0xffff;
	v35 =	vadd.f32 v18, v15;
	[tilespmem:v31+s2+$0x0] =	vst.idx.msk $0xffff, v16;
	v16 =	vadd.f32 v36, v16  }
0x18d: {  	v34 =	vadd.s32 v0, v41;
	[tilespmem:v29+s2+$0x0] =	vst.idx.msk $0xffff, v15;
	v15 =	vadd.s32 v2, v38;
	v29 =	vld.idx.msk [tilespmem:v20+s2+$0x0], $0xffff  }
0x18e: {  	s26 =	simm.s32 $0x10;
	v18 =	vadd.s32 v2, v41;
	v31 =	vld.idx.msk [tilespmem:v23+s2+$0x0], $0xffff;
	v36 =	vadd.f32 v39, v35;
	v37 =	vadd.f32 v37, v16  }
.LBB2_16:
0x18f: {  	s0 =	sadd.s32 $0x1, s26;
	v28 =	vadd.s32 v2, v28  }
0x190: {  	s1 =	sadd.s32 $0x2, s26;
	v26 =	vor.u32 v2, v26;
	v38 =	vld.idx.msk [tilespmem:v7+s2+$0x0], $0xffff;
	[tilespmem:v9+s2+$0x0] =	vst.idx.msk $0xffff, v35;
	v35 =	vmov v27;
	v9 =	vmov v34;
	s25 =	smov.u32 s26;
	s24 =	sadd.s32 $0x8, s26  }
0x191: {  	p0 =	slt.u32 s26, $0x3F8;
	v34 =	vmov s0;
	v39 =	vmov s1;
	s0 =	sadd.s32 $0x3, s25;
	[tilespmem:v21+s2+$0x0] =	vst.idx.msk $0xffff, v36;
	v21 =	vadd.f32 v33, v36;
	v33 =	vld.idx.msk [tilespmem:v4+s2+$0x0], $0xffff  }
0x192: {  	v24 =	vadd.f32 v24, v37;
	v34 =	vmul.u32 $0x28, v34;
	v36 =	vmul.u32 $0x28, v39;
	v39 =	vld.idx.msk [tilespmem:v19+s2+$0x0], $0xffff;
	[tilespmem:v10+s2+$0x0] =	vst.idx.msk $0xffff, v37  }
0x193: {  	v37 =	vmov s25;
	v40 =	vmov s0;
	v10 =	vmovc v28;
	[tilespmem:v22+s2+$0x0] =	vst.idx.msk $0xffff, v21;
	v21 =	vadd.f32 v32, v21;
	v41 =	vld.idx.msk [tilespmem:v27+s2+$0x0], $0xffff  }
0x194: {  	s0 =	sadd.s32 $0x4, s25;
	v22 =	vmul.u32 $0x28, v37;
	v34 =	vbroadcast v34, $0x0;
	v37 =	vld.idx.msk [tilespmem:v12+s2+$0x0], $0xffff;
	[tilespmem:v8+s2+$0x0] =	vst.idx.msk $0xffff, v24;
	v24 =	vadd.f32 v25, v24  }
0x195: {  	v27 =	vmov s0;
	s0 =	sadd.s32 $0x5, s25;
	v25 =	vmul.u32 $0x28, v40;
	v8 =	vmovc v26;
	[tilespmem:v23+s2+$0x0] =	vst.idx.msk $0xffff, v21;
	v23 =	vadd.f32 v31, v21;
	v31 =	vld.idx.msk [tilespmem:v17+s2+$0x0], $0xffff  }
0x196: {  	v22 =	vbroadcast v22, $0x0;
	v21 =	vmov s0;
	v40 =	vld.idx.msk [tilespmem:v15+s2+$0x0], $0xffff;
	[tilespmem:v6+s2+$0x0] =	vst.idx.msk $0xffff, v24;
	v28 =	vadd.f32 v30, v24;
	v6 =	vmovc v14  }
0x197: {  	v42 =	vbroadcast v36, $0x0;
	v14 =	vmul.u32 $0x28, v27;
	v27 =	vmul.u32 $0x28, v21;
	[tilespmem:v20+s2+$0x0] =	vst.idx.msk $0xffff, v23;
	v36 =	vld.idx.msk [tilespmem:v9+s2+$0x0], $0xffff  }
0x198: {  	v21 =	vor.u32 v0, v22;
	v43 =	vor.u32 v2, v22;
	v20 =	vadd.f32 v29, v23;
	v24 =	vld.idx.msk [tilespmem:v10+s2+$0x0], $0xffff  }
0x199: {  	s0 =	sadd.s32 $0x6, s25;
	v26 =	vbroadcast v14, $0x0;
	v29 =	vbroadcast v27, $0x0;
	v14 =	vadd.f32 v38, v28;
	v30 =	vld.idx.msk [tilespmem:v11+s2+$0x0], $0xffff;
	[tilespmem:v7+s2+$0x0] =	vst.idx.msk $0xffff, v28  }
0x19a: {  	v22 =	vadd.s32 v0, v34;
	v23 =	vmov s0;
	s0 =	sadd.s32 $0x7, s25;
	v28 =	vbroadcast v25, $0x0;
	v7 =	vmovc v13;
	[tilespmem:v19+s2+$0x0] =	vst.idx.msk $0xffff, v20  }
0x19b: {  	v13 =	vmul.u32 $0x28, v23;
	v27 =	vadd.f32 v39, v20;
	v19 =	vmov s0;
	v25 =	vld.idx.msk [tilespmem:v8+s2+$0x0], $0xffff;
	[tilespmem:v4+s2+$0x0] =	vst.idx.msk $0xffff, v14;
	v4 =	vmovc v18  }
0x19c: {  	v23 =	vor.u32 v0, v42;
	v18 =	vmul.u32 $0x28, v19;
	[tilespmem:v5+s2+$0x0] =	vst.idx.msk $0xffff, v16;
	v16 =	vadd.f32 v33, v14  }
0x19d: {  	v13 =	vbroadcast v13, $0x0;
	v14 =	vadd.s32 v2, v29;
	v5 =	vmov v15;
	v33 =	vld.idx.msk [tilespmem:v21+s2+$0x0], $0xffff;
	[tilespmem:v17+s2+$0x0] =	vst.idx.msk $0xffff, v27  }
0x19e: {  	v20 =	vadd.s32 v0, v28;
	v18 =	vbroadcast v18, $0x0;
	[tilespmem:v11+s2+$0x0] =	vst.idx.msk $0xffff, v16;
	v11 =	vadd.f32 v31, v27  }
.Ltmp7:
0x19f: {  	v27 =	vor.u32 v0, v13;
	v13 =	vadd.s32 v2, v13;
	v15 =	vadd.f32 v30, v16;
	v32 =	vld.idx.msk [tilespmem:v22+s2+$0x0], $0xffff;
	(pc) =	sbr.rel @p0 .LBB2_16-.Ltmp7, $4  }
0x1a0: {  	v19 =	vor.u32 v0, v26;
	v30 =	vld.idx.msk [tilespmem:v6+s2+$0x0], $0xffff;
	[tilespmem:v35+s2+$0x0] =	vst.idx.msk $0xffff, v11;
	v35 =	vadd.f32 v41, v11  }
0x1a1: {  	v16 =	vadd.f32 v37, v15;
	v31 =	vld.idx.msk [tilespmem:v23+s2+$0x0], $0xffff;
	[tilespmem:v12+s2+$0x0] =	vst.idx.msk $0xffff, v15;
	v12 =	vadd.s32 v2, v34  }
0x1a2: {  	v17 =	vadd.s32 v0, v29;
	v34 =	vadd.s32 v0, v18;
	v36 =	vadd.f32 v36, v35;
	v11 =	vmovc v43  }
0x1a3: {  	s26 =	smov.u32 s24;
	v15 =	vadd.s32 v2, v42;
	v18 =	vadd.s32 v2, v18;
	v37 =	vadd.f32 v40, v16;
	v29 =	vld.idx.msk [tilespmem:v20+s2+$0x0], $0xffff  }
0x1a4: {  	_ =	sdelay $0x2  }
0x1a5: {  	v24 =	vadd.f32 v24, v37  }
0x1a6: {  	v38 =	vld.idx.msk [tilespmem:v7+s2+$0x0], $0xffff  }
0x1a7: {  	[tilespmem:v9+s2+$0x0] =	vst.idx.msk $0xffff, v35;
	v9 =	vadd.f32 v25, v24  }
0x1a8: {  	[tilespmem:v21+s2+$0x0] =	vst.idx.msk $0xffff, v36;
	v21 =	vadd.f32 v33, v36;
	v25 =	vld.idx.msk [tilespmem:v4+s2+$0x0], $0xffff  }
0x1a9: {  	[tilespmem:v10+s2+$0x0] =	vst.idx.msk $0xffff, v37;
	v30 =	vadd.f32 v30, v9  }
0x1aa: {  	v28 =	vadd.s32 v2, v28;
	v10 =	vld.idx.msk [tilespmem:v11+s2+$0x0], $0xffff;
	[tilespmem:v22+s2+$0x0] =	vst.idx.msk $0xffff, v21;
	v21 =	vadd.f32 v32, v21  }
0x1ab: {  	v61 =	vld.idx.msk [tilespmem:v19+s2+$0x0], $0xffff;
	[tilespmem:v5+s2+$0x0] =	vst.idx.msk $0xffff, v16;
	v22 =	vadd.f32 v38, v30  }
0x1ac: {  	v62 =	vld.idx.msk [tilespmem:v12+s2+$0x0], $0xffff;
	[tilespmem:v8+s2+$0x0] =	vst.idx.msk $0xffff, v24;
	v8 =	vadd.f32 v31, v21  }
0x1ad: {  	v26 =	vor.u32 v2, v26;
	[tilespmem:v23+s2+$0x0] =	vst.idx.msk $0xffff, v21;
	v21 =	vld.idx.msk [tilespmem:v17+s2+$0x0], $0xffff;
	v23 =	vadd.f32 v25, v22  }
0x1ae: {  	v24 =	vld.idx.msk [tilespmem:v15+s2+$0x0], $0xffff;
	[tilespmem:v20+s2+$0x0] =	vst.idx.msk $0xffff, v8  }
0x1af: {  	[tilespmem:v6+s2+$0x0] =	vst.idx.msk $0xffff, v9;
	v6 =	vadd.f32 v29, v8;
	v9 =	vld.idx.msk [tilespmem:v28+s2+$0x0], $0xffff;
	v8 =	vadd.f32 v10, v23  }
0x1b0: {  	[tilespmem:v7+s2+$0x0] =	vst.idx.msk $0xffff, v30;
	v7 =	vld.idx.msk [tilespmem:v27+s2+$0x0], $0xffff  }
0x1b1: {  	[tilespmem:v19+s2+$0x0] =	vst.idx.msk $0xffff, v6;
	v6 =	vadd.f32 v61, v6;
	v10 =	vadd.f32 v62, v8  }
0x1b2: {  	v19 =	vld.idx.msk [tilespmem:v26+s2+$0x0], $0xffff;
	[tilespmem:v4+s2+$0x0] =	vst.idx.msk $0xffff, v22  }
0x1b3: {  	[tilespmem:v17+s2+$0x0] =	vst.idx.msk $0xffff, v6;
	v4 =	vadd.f32 v21, v6;
	v6 =	vadd.f32 v24, v10  }
0x1b4: {  	v5 =	vld.idx.msk [tilespmem:v14+s2+$0x0], $0xffff;
	[tilespmem:v11+s2+$0x0] =	vst.idx.msk $0xffff, v23  }
0x1b5: {  	[tilespmem:v27+s2+$0x0] =	vst.idx.msk $0xffff, v4;
	v4 =	vadd.f32 v7, v4;
	v9 =	vadd.f32 v9, v6  }
0x1b6: {  	v7 =	vld.idx.msk [tilespmem:v13+s2+$0x0], $0xffff;
	[tilespmem:v12+s2+$0x0] =	vst.idx.msk $0xffff, v8  }
0x1b7: {  	[tilespmem:v34+s2+$0x0] =	vst.idx.msk $0xffff, v4;
	v8 =	vadd.f32 v19, v9  }
0x1b8: {  	[tilespmem:v15+s2+$0x0] =	vst.idx.msk $0xffff, v10  }
0x1b9: {  	[tilespmem:v28+s2+$0x0] =	vst.idx.msk $0xffff, v6;
	v4 =	vadd.f32 v5, v8  }
0x1ba: {  	[tilespmem:v26+s2+$0x0] =	vst.idx.msk $0xffff, v9  }
0x1bb: {  	[tilespmem:v14+s2+$0x0] =	vst.idx.msk $0xffff, v8;
	v5 =	vadd.f32 v7, v4  }
0x1bc: {  	[tilespmem:v13+s2+$0x0] =	vst.idx.msk $0xffff, v4  }
0x1bd: {  	[tilespmem:v18+s2+$0x0] =	vst.idx.msk $0xffff, v5  }
0x1be: {  	_ =	swait.ge [sflag:s22], $0x4000  }
0x1bf: {  	s0 =	simm.s32 $0x0;
	[sflag:s22] =	ssyncset.done $0x0  }
0x1c0: {  	s1 =	sand.u32 $0x1F0, s0;
	[sflag:s22] =	ssyncadd.s32 $0xFFFFC000  }
0x1c1: {  	v4 =	vld [tilespmem:s1+$0x1B200]  }
0x1c2: {  	v5 =	vld [tilespmem:s1+$0x1B000];
	_ =	sdelay $0x2  }
0x1c3: {  	s24 =	simm.s32 $0x1  }
0x1c4: {  	v6 =	vmul.u32 $0x28, v4;
	v4 =	vmov s24  }
0x1c5: {  	v5 =	vmul.u32 $0x28, v5;
	v8 =	vand.u32 $0x8, v4  }
0x1c6: {  	v11 =	vand.u32 $0x7, v4;
	v4 =	vadd.s32 v8, v6  }
0x1c7: {  	v7 =	vadd.s32 v8, v5;
	v4 =	vor.u32 v11, v4  }
0x1c8: {  	v10 =	vmov s0;
	v7 =	vor.u32 v11, v7  }
0x1c9: {  	s30 =	simm.s32 $0x2;
	v12 =	vand.u32 $0x8, v10  }
0x1ca: {  	s26 =	sand.u32 $0x1F0, s30;
	v16 =	vand.u32 $0x6, v10;
	v9 =	vmov s1;
	v13 =	vadd.s32 v12, v5  }
0x1cb: {  	s25 =	simm.s32 $0x4;
	v9 =	vmul.u32 $0x28, v9;
	v17 =	vor.u32 v16, v13;
	v13 =	vld [tilespmem:s26+$0x1B200]  }
0x1cc: {  	v63 =	vmov s25;
	v10 =	vld.idx.msk [tilespmem:v4+s2+$0x0], $0xffff  }
0x1cd: {  	v20 =	vor.u32 $0x10, v12;
	v4 =	vadd.s32 v12, v6;
	v14 =	vld.idx.msk [tilespmem:v7+s2+$0x0], $0xffff;
	v7 =	vbroadcast v9, $0x0  }
0x1ce: {  	v19 =	vld [tilespmem:s26+$0x1B000];
	v18 =	vadd.s32 v20, v5;
	v15 =	vor.u32 v16, v4;
	v4 =	vadd.s32 v20, v6  }
0x1cf: {  	v24 =	vor.u32 $0x10, v8;
	v21 =	vadd.s32 v3, v7;
	v9 =	vor.u32 v16, v4;
	v4 =	vld [tilespmem:s1+$0x1B400]  }
0x1d0: {  	v5 =	vadd.s32 v24, v5;
	v7 =	vor.u32 v16, v18;
	v18 =	vadd.s32 v8, v21  }
0x1d1: {  	s31 =	simm.s32 $0x3;
	v13 =	vmul.u32 $0x28, v13;
	v6 =	vadd.s32 v24, v6;
	v8 =	vor.u32 v11, v18  }
0x1d2: {  	v23 =	vor.u32 v11, v6;
	v6 =	vmov s31;
	v10 =	vsub.f32 v10, v14  }
0x1d3: {  	v26 =	vor.u32 v11, v5;
	v17 =	vld.idx.msk [tilespmem:v17+s2+$0x0], $0xffff;
	v5 =	vand.u32 $0x7, v6;
	v18 =	vand.u32 $0x8, v6  }
0x1d4: {  	v14 =	vmul.u32 $0x28, v19;
	v6 =	vadd.s32 v18, v13;
	v25 =	vld.idx.msk [tilespmem:v15+s2+$0x0], $0xffff;
	v10 =	vmul.f32 v10, v4  }
0x1d5: {  	v12 =	vadd.s32 v12, v21;
	v24 =	vadd.s32 v21, v24;
	v19 =	vor.u32 v5, v6  }
0x1d6: {  	v22 =	vmov s30;
	v21 =	vadd.s32 v20, v21;
	v27 =	vadd.s32 v18, v14;
	[tilespmem:v8+s21+$0x0] =	vst.idx.msk $0xffff, v10  }
0x1d7: {  	v12 =	vor.u32 v16, v12;
	v15 =	vand.u32 $0x8, v22;
	v10 =	vor.u32 v5, v27;
	v28 =	vld.idx.msk [tilespmem:v23+s2+$0x0], $0xffff  }
0x1d8: {  	v6 =	vand.u32 $0x6, v22;
	v22 =	vadd.s32 v15, v13;
	v27 =	vadd.s32 v15, v14;
	v29 =	vld.idx.msk [tilespmem:v26+s2+$0x0], $0xffff  }
0x1d9: {  	v23 =	vor.u32 v6, v27;
	v27 =	vsub.f32 v25, v17;
	v25 =	vmov s26  }
0x1da: {  	s24 =	sand.u32 $0x1F0, s25;
	v22 =	vor.u32 v6, v22;
	v8 =	vor.u32 $0x10, v15;
	v30 =	vmul.u32 $0x28, v25;
	v25 =	vld.idx.msk [tilespmem:v19+s2+$0x0], $0xffff  }
0x1db: {  	v20 =	vor.u32 v11, v24;
	v26 =	vadd.s32 v8, v14;
	v31 =	vmul.f32 v27, v4;
	v27 =	vld [tilespmem:s24+$0x1B200]  }
0x1dc: {  	v11 =	vor.u32 v16, v21;
	v19 =	vor.u32 v6, v26;
	v26 =	vld.idx.msk [tilespmem:v10+s2+$0x0], $0xffff;
	v30 =	vbroadcast v30, $0x0  }
0x1dd: {  	v21 =	vand.u32 $0x8, v63;
	v17 =	vadd.s32 v8, v13;
	v10 =	vld [tilespmem:s26+$0x1B400];
	v24 =	vsub.f32 v28, v29  }
0x1de: {  	v17 =	vor.u32 v6, v17;
	s26 =	simm.s32 $0x6;
	[tilespmem:v12+s21+$0x0] =	vst.idx.msk $0xffff, v31;
	v28 =	vld [tilespmem:s24+$0x1B000];
	v12 =	vand.u32 $0x6, v63;
	v16 =	vadd.s32 v3, v30  }
.LBB2_18:
0x1df: {  	p0 =	slt.u32 s26, $0x1FE;
	v29 =	vld.idx.msk [tilespmem:v22+s2+$0x0], $0xffff;
	v22 =	vadd.s32 v18, v16;
	v30 =	vor.u32 $0x10, v18;
	v18 =	vmul.f32 v24, v4  }
0x1e0: {  	v24 =	vld.idx.msk [tilespmem:v23+s2+$0x0], $0xffff;
	v22 =	vor.u32 v5, v22;
	v13 =	vadd.s32 v30, v13;
	v14 =	vadd.s32 v30, v14  }
0x1e1: {  	s0 =	sadd.s32 $0x1, s25;
	s25 =	smov.u32 s26;
	v23 =	vsub.f32 v25, v26;
	v25 =	vor.u32 v5, v13;
	v26 =	vld.idx.msk [tilespmem:v9+s2+$0x0], $0xffff;
	[tilespmem:v20+s21+$0x0] =	vst.idx.msk $0xffff, v18  }
0x1e2: {  	v20 =	vmov s0;
	v9 =	vmovc v17;
	v13 =	vmul.u32 $0x28, v27;
	v27 =	vor.u32 v5, v14;
	v31 =	vld.idx.msk [tilespmem:v7+s2+$0x0], $0xffff;
	v7 =	vmovc v19  }
0x1e3: {  	v18 =	vand.u32 $0x8, v20;
	v17 =	vmul.f32 v23, v10;
	v14 =	vmul.u32 $0x28, v28  }
0x1e4: {  	v28 =	vand.u32 $0x7, v20;
	v19 =	vadd.s32 v21, v13;
	v20 =	vadd.s32 v18, v13  }
0x1e5: {  	v32 =	vor.u32 $0x10, v21;
	v20 =	vor.u32 v28, v20;
	v23 =	vadd.s32 v18, v14;
	[tilespmem:v22+s21+$0x0] =	vst.idx.msk $0xffff, v17  }
0x1e6: {  	v22 =	vor.u32 v12, v19;
	v17 =	vadd.s32 v21, v14;
	v33 =	vor.u32 v28, v23;
	v34 =	vld.idx.msk [tilespmem:v25+s2+$0x0], $0xffff  }
0x1e7: {  	v35 =	vadd.s32 v15, v16;
	v19 =	vsub.f32 v29, v24;
	v23 =	vor.u32 v12, v17;
	v24 =	vld.idx.msk [tilespmem:v27+s2+$0x0], $0xffff  }
0x1e8: {  	v15 =	vmovc v21;
	v29 =	vor.u32 v6, v35;
	v17 =	vadd.s32 v32, v13;
	v25 =	vadd.s32 v32, v14  }
0x1e9: {  	v21 =	vmov s24;
	v17 =	vor.u32 v12, v17;
	v35 =	vmul.f32 v19, v10  }
.Ltmp8:
0x1ea: {  	v21 =	vmul.u32 $0x28, v21;
	v19 =	vor.u32 v12, v25;
	v27 =	vsub.f32 v26, v31;
	v25 =	vld.idx.msk [tilespmem:v20+s2+$0x0], $0xffff;
	(pc) =	sbr.rel @p0 .LBB2_18-.Ltmp8, $4  }
0x1eb: {  	v31 =	vadd.s32 v8, v16;
	v16 =	vadd.s32 v16, v30;
	v8 =	vmov v32;
	v26 =	vld.idx.msk [tilespmem:v33+s2+$0x0], $0xffff  }
0x1ec: {  	v30 =	vbroadcast v21, $0x0;
	v32 =	vmul.f32 v27, v4;
	v4 =	vmovc v10;
	v20 =	vor.u32 v5, v16;
	v5 =	vmovc v28;
	v10 =	vld [tilespmem:s24+$0x1B400];
	s24 =	sand.u32 $0x1F0, s26  }
0x1ed: {  	v16 =	vmov s26;
	v24 =	vsub.f32 v34, v24;
	v27 =	vld [tilespmem:s24+$0x1B200];
	[tilespmem:v29+s21+$0x0] =	vst.idx.msk $0xffff, v35;
	v29 =	vor.u32 v6, v31;
	v6 =	vmovc v12  }
0x1ee: {  	v21 =	vand.u32 $0x8, v16;
	s26 =	sadd.s32 $0x2, s26;
	v12 =	vand.u32 $0x6, v16;
	v16 =	vadd.s32 v3, v30;
	v28 =	vld [tilespmem:s24+$0x1B000];
	[tilespmem:v11+s21+$0x0] =	vst.idx.msk $0xffff, v32;
	v11 =	vmovc v29  }
0x1ef: {  	_ =	sdelay $0x1  }
0x1f0: {  	s0 =	sadd.s32 $0x1, s25  }
0x1f1: {  	v29 =	vmov s0;
	v27 =	vmul.u32 $0x28, v27  }
0x1f2: {  	v30 =	vand.u32 $0x8, v29;
	v28 =	vmul.u32 $0x28, v28  }
0x1f3: {  	v29 =	vand.u32 $0x7, v29;
	v31 =	vadd.s32 v30, v27  }
0x1f4: {  	v35 =	vadd.s32 v18, v16;
	v31 =	vor.u32 v29, v31;
	v32 =	vadd.s32 v30, v28  }
0x1f5: {  	v22 =	vld.idx.msk [tilespmem:v22+s2+$0x0], $0xffff;
	v36 =	vmov s24;
	v33 =	vadd.s32 v21, v27;
	v32 =	vor.u32 v29, v32  }
0x1f6: {  	v23 =	vld.idx.msk [tilespmem:v23+s2+$0x0], $0xffff;
	v15 =	vadd.s32 v15, v16;
	v33 =	vor.u32 v12, v33;
	v34 =	vadd.s32 v21, v28  }
0x1f7: {  	v44 =	vor.u32 $0x10, v18;
	v49 =	vor.u32 $0x10, v21;
	v34 =	vor.u32 v12, v34  }
0x1f8: {  	v47 =	vld [tilespmem:s24+$0x1B400];
	v35 =	vor.u32 v5, v35;
	v36 =	vmul.u32 $0x28, v36;
	v25 =	vsub.f32 v25, v26  }
0x1f9: {  	v15 =	vor.u32 v6, v15;
	v13 =	vadd.s32 v44, v13;
	v14 =	vadd.s32 v44, v14;
	v31 =	vld.idx.msk [tilespmem:v31+s2+$0x0], $0xffff  }
0x1fa: {  	v13 =	vor.u32 v5, v13;
	v14 =	vor.u32 v5, v14;
	v45 =	vbroadcast v36, $0x0;
	v32 =	vld.idx.msk [tilespmem:v32+s2+$0x0], $0xffff  }
0x1fb: {  	v25 =	vmul.f32 v25, v10;
	v50 =	vor.u32 $0x10, v30;
	v22 =	vsub.f32 v22, v23;
	v43 =	vld.idx.msk [tilespmem:v33+s2+$0x0], $0xffff  }
0x1fc: {  	v23 =	vadd.s32 v3, v45;
	v52 =	vadd.s32 v50, v27;
	v27 =	vadd.s32 v49, v27;
	v46 =	vld.idx.msk [tilespmem:v34+s2+$0x0], $0xffff  }
0x1fd: {  	[tilespmem:v35+s21+$0x0] =	vst.idx.msk $0xffff, v25;
	v48 =	vadd.s32 v30, v23;
	v53 =	vadd.s32 v50, v28  }
0x1fe: {  	v9 =	vld.idx.msk [tilespmem:v9+s2+$0x0], $0xffff;
	v54 =	vadd.s32 v21, v23;
	v28 =	vadd.s32 v49, v28;
	v51 =	vor.u32 v29, v48  }
0x1ff: {  	v7 =	vld.idx.msk [tilespmem:v7+s2+$0x0], $0xffff;
	v22 =	vmul.f32 v22, v10;
	v31 =	vsub.f32 v31, v32;
	v32 =	vor.u32 v29, v52  }
0x200: {  	v27 =	vor.u32 v12, v27;
	v13 =	vld.idx.msk [tilespmem:v13+s2+$0x0], $0xffff;
	v21 =	vor.u32 v12, v54;
	v33 =	vor.u32 v29, v53  }
0x201: {  	v14 =	vld.idx.msk [tilespmem:v14+s2+$0x0], $0xffff;
	[tilespmem:v15+s21+$0x0] =	vst.idx.msk $0xffff, v22;
	v26 =	vsub.f32 v43, v46;
	v31 =	vmul.f32 v31, v47  }
0x202: {  	v28 =	vor.u32 v12, v28;
	v17 =	vld.idx.msk [tilespmem:v17+s2+$0x0], $0xffff  }
0x203: {  	v19 =	vld.idx.msk [tilespmem:v19+s2+$0x0], $0xffff;
	v26 =	vmul.f32 v26, v47;
	[tilespmem:v51+s21+$0x0] =	vst.idx.msk $0xffff, v31  }
0x204: {  	v30 =	vld.idx.msk [tilespmem:v32+s2+$0x0], $0xffff  }
0x205: {  	[tilespmem:v21+s21+$0x0] =	vst.idx.msk $0xffff, v26;
	v31 =	vld.idx.msk [tilespmem:v33+s2+$0x0], $0xffff  }
0x206: {  	v24 =	vmul.f32 v24, v4;
	v8 =	vadd.s32 v8, v16;
	v55 =	vld.idx.msk [tilespmem:v27+s2+$0x0], $0xffff  }
0x207: {  	v18 =	vadd.s32 v16, v44;
	v57 =	vor.u32 v6, v8;
	v56 =	vld.idx.msk [tilespmem:v28+s2+$0x0], $0xffff  }
0x208: {  	[tilespmem:v20+s21+$0x0] =	vst.idx.msk $0xffff, v24;
	v5 =	vor.u32 v5, v18;
	v7 =	vsub.f32 v9, v7  }
0x209: {  	v59 =	vadd.s32 v23, v50;
	v61 =	vadd.s32 v49, v23;
	v58 =	vsub.f32 v13, v14  }
0x20a: {  	v4 =	vmul.f32 v7, v4;
	v8 =	vor.u32 v29, v59;
	v60 =	vsub.f32 v17, v19  }
0x20b: {  	v62 =	vor.u32 v12, v61;
	v7 =	vmul.f32 v58, v10;
	v63 =	vsub.f32 v30, v31  }
0x20c: {  	[tilespmem:v11+s21+$0x0] =	vst.idx.msk $0xffff, v4;
	v4 =	vmul.f32 v60, v10;
	v9 =	vsub.f32 v55, v56  }
0x20d: {  	[tilespmem:v5+s21+$0x0] =	vst.idx.msk $0xffff, v7;
	v5 =	vmul.f32 v63, v47  }
0x20e: {  	[tilespmem:v57+s21+$0x0] =	vst.idx.msk $0xffff, v4;
	v4 =	vmul.f32 v9, v47  }
0x20f: {  	s24 =	simm.s32 $0x14000;
	[tilespmem:v8+s21+$0x0] =	vst.idx.msk $0xffff, v5  }
0x210: {  	s25 =	simm.s32 $0x40;
	s28 =	sadd.s32 $0x0, s9;
	s26 =	simm.s32 $0x14028;
	[tilespmem:v62+s21+$0x0] =	vst.idx.msk $0xffff, v4  }
.LBB2_20:
0x211: {  	[hbm4b:s28+s2] =	stream.linear.scatter [tilespmem:s24], [sflag:$0x2], $0x20, $0x38;
	[tilespmem:$0x1B600] =	vst v63  }
0x212: {  	s0 =	smov.u32 s25;
	s24 =	smov.u32 s26;
	p0 =	sne.s32 s25, $0x7FC0  }
.Ltmp9:
0x213: {  	s25 =	sadd.s32 $0x40, s25;
	(pc) =	sbr.rel @p0 .LBB2_20-.Ltmp9, $2  }
0x214: {  	_ =	sdelay $0x2  }
0x215: {  	s26 =	sadd.s32 $0x28, s26;
	s28 =	sadd.s32 s0, s9  }
0x216: {  	[hbm4b:s28+s2] =	stream.linear.scatter [tilespmem:s24], [sflag:$0x2], $0x20, $0x38;
	[tilespmem:$0x1B600] =	vst v63  }
0x217: {  	s24 =	simm.s32 $0x0;
	s25 =	simm.s32 $0x0  }
.LBB2_22:
0x218: {  	p0 =	sne.s32 s25, $0x3FE0  }
.Ltmp10:
0x219: {  	_ = 	snop;
	(pc) =	sbr.rel @p0 .LBB2_22-.Ltmp10, $4  }
0x21a: {  	_ = 	snop  }
0x21b: {  	s0 =	sadd.s32 s25, s10  }
0x21c: {  	[tilespmem:s24], [sflag:$0x1] =	stream.linear.gather [hbm4b:s0+s2], $0x20, $0x38;
	[tilespmem:$0x1B600] =	vst v63  }
0x21d: {  	s25 =	sadd.s32 $0x20, s25;
	s24 =	sadd.s32 $0x28, s24  }
0x21e: {  	s0 =	simm.s32 $0x0  }
0x21f: {  	s0 =	sor.u32 s11, s0  }
0x220: {  	s1 =	simm.s32 $0x10;
	v4 =	vor.u32 s0, v0  }
0x221: {  	s1 =	sor.u32 s11, s1  }
0x222: {  	s24 =	simm.s32 $0x30;
	v5 =	vor.u32 s1, v0  }
0x223: {  	s0 =	sor.u32 s11, s24  }
0x224: {  	v8 =	vor.u32 s0, v0  }
0x225: {  	v6 =	vld.idx.msk [tilespmem:v4+s17+$0x0], $0xffff  }
0x226: {  	v4 =	vld.idx.msk [tilespmem:v4+s19+$0x0], $0xffff  }
0x227: {  	v7 =	vld.idx.msk [tilespmem:v5+s17+$0x0], $0xffff  }
0x228: {  	v5 =	vld.idx.msk [tilespmem:v5+s19+$0x0], $0xffff  }
0x229: {  	v11 =	vld.idx.msk [tilespmem:v8+s17+$0x0], $0xffff  }
0x22a: {  	v8 =	vld.idx.msk [tilespmem:v8+s19+$0x0], $0xffff  }
0x22b: {  	s25 =	simm.s32 $0x20  }
0x22c: {  	s1 =	sor.u32 s11, s25;
	v4 =	vadd.f32 v4, v6  }
0x22d: {  	v9 =	vor.u32 s1, v0  }
0x22e: {  	v5 =	vadd.f32 v5, v7;
	v7 =	vmul.f32 $2.500000000e-01, v7;
	v4 =	vadd.f32 $1.000000050e-03, v4  }
0x22f: {  	v6 =	vmul.f32 $2.500000000e-01, v6;
	v8 =	vadd.f32 v8, v11  }
0x230: {  	v5 =	vadd.f32 $1.000000050e-03, v5;
	v7 =	vtrunc.f32 v7;
	v4 =	vmul.f32 $2.500000000e-01, v4  }
0x231: {  	v6 =	vtrunc.f32 v6;
	v7 =	vcvt.f32.s32 v7  }
0x232: {  	v8 =	vadd.f32 $1.000000050e-03, v8;
	v5 =	vmul.f32 $2.500000000e-01, v5;
	v10 =	vtrunc.f32 v4  }
0x233: {  	vm8 =	vlt.s32 v7, $0x1FF;
	v12 =	vcvt.f32.s32 v10;
	vm0 =	vgt.f32 v4, v10;
	v10 =	vld.idx.msk [tilespmem:v9+s17+$0x0], $0xffff  }
0x234: {  	v13 =	vtrunc.f32 v5;
	v4 =	vcvt.f32.s32 v6;
	v9 =	vld.idx.msk [tilespmem:v9+s19+$0x0], $0xffff;
	v6 =	vsel vm0, $0x1, v1  }
0x235: {  	v8 =	vmul.f32 $2.500000000e-01, v8;
	vm7 =	vgt.f32 v5, v13;
	v6 =	vadd.s32 v12, v6  }
0x236: {  	v12 =	vcvt.f32.s32 v13;
	vm1 =	vlt.s32 v4, $0x1FF;
	vm2 =	vlt.s32 v6, $0x1FF  }
0x237: {  	v5 =	vsel vm7, $0x1, v1;
	v13 =	vnsel vm1, $0x1FF, v4;
	v14 =	vnsel vm2, $0x1FF, v6  }
0x238: {  	s26 =	simm.s32 $0x50;
	s30 =	simm.s32 $0x40;
	v15 =	vnsel vm8, $0x1FF, v7;
	v4 =	vadd.s32 v12, v5;
	v5 =	vsub.s32 v14, v13  }
0x239: {  	s31 =	sor.u32 s11, s30;
	s0 =	sor.u32 s11, s26;
	v6 =	vmul.f32 $2.500000000e-01, v11;
	v7 =	vadd.f32 v9, v10;
	v5 =	vcvt.s32.f32 v5  }
0x23a: {  	v12 =	vor.u32 s0, v0;
	v11 =	vor.u32 s31, v0;
	vm9 =	vlt.s32 v4, $0x1FF  }
0x23b: {  	v6 =	vtrunc.f32 v6;
	v7 =	vadd.f32 $1.000000050e-03, v7;
	v5 =	vmax.f32 v5, $1.000000000e+00  }
0x23c: {  	v4 =	vnsel vm9, $0x1FF, v4;
	v6 =	vcvt.f32.s32 v6;
	(erf) = vrcp.f32 v5  }
0x23d: {  	v10 =	vmul.f32 $2.500000000e-01, v10;
	v5 =	vsub.s32 v4, v15;
	v7 =	vmul.f32 $2.500000000e-01, v7  }
0x23e: {  	v62 =	vtrunc.f32 v8;
	vm10 =	vlt.s32 v6, $0x1FF;
	v9 =	vcvt.s32.f32 v5  }
0x23f: {  	v5 =	vnsel vm10, $0x1FF, v6;
	v6 =	vtrunc.f32 v10;
	v16 =	vtrunc.f32 v7  }
0x240: {  	v17 =	vmax.f32 v9, $1.000000000e+00;
	v9 =	vld.idx.msk [tilespmem:v12+s17+$0x0], $0xffff;
	v10 =	vcvt.f32.s32 v16;
	vm11 =	vgt.f32 v7, v16  }
0x241: {  	vm12 =	vgt.f32 v8, v62;
	v8 =	vld.idx.msk [tilespmem:v11+s17+$0x0], $0xffff;
	v6 =	vcvt.f32.s32 v6;
	v7 =	vsel vm11, $0x1, v1  }
0x242: {  	s24 =	simm.s32 $0x1B010;
	v18 =	vcvt.f32.s32 v62;
	v11 =	vld.idx.msk [tilespmem:v11+s19+$0x0], $0xffff;
	v10 =	vadd.s32 v10, v7  }
0x243: {  	[tilespmem:s24+$0x0] =	vst v15;
	v16 =	vsel vm12, $0x1, v1;
	v12 =	vld.idx.msk [tilespmem:v12+s19+$0x0], $0xffff;
	vm13 =	vlt.s32 v6, $0x1FF;
	vm14 =	vlt.s32 v10, $0x1FF  }
0x244: {  	s25 =	simm.s32 $0x1B210;
	[tilespmem:s24+$0xFFFFFFF0] =	vst v13;
	v7 =	vnsel vm13, $0x1FF, v6;
	v6 =	vnsel vm14, $0x1FF, v10;
	v10 =	vadd.s32 v18, v16  }
0x245: {  	s26 =	simm.s32 $0x1B410;
	[tilespmem:s25+$0xFFFFFFF0] =	vst v14;
	v13 =	vmul.f32 $2.500000000e-01, v9;
	v63 =	vsub.s32 v6, v7;
	vm15 =	vlt.s32 v10, $0x1FF;
	v14 =	vpop (erf)  }
0x246: {  	s28 =	simm.s32 $0x4;
	s29 =	simm.s32 $0x70;
	v10 =	vnsel vm15, $0x1FF, v10;
	(erf) = vrcp.f32 v17;
	[tilespmem:s26+$0xFFFFFFF0] =	vst v14;
	v14 =	vcvt.s32.f32 v63  }
.LBB2_24:
0x247: {  	s0 =	sadd.s32 $0xFFFFFFF0, s29;
	s1 =	sor.u32 s11, s29;
	v11 =	vadd.f32 v11, v8;
	v13 =	vtrunc.f32 v13;
	v15 =	vsub.s32 v10, v5;
	[tilespmem:s25+$0x0] =	vst v4;
	v4 =	vmovc v10  }
0x248: {  	s28 =	sadd.s32 $0x2, s28;
	v9 =	vadd.f32 v12, v9;
	s0 =	sor.u32 s11, s0;
	v10 =	vor.u32 s1, v0;
	v12 =	vmax.f32 v14, $1.000000000e+00  }
0x249: {  	p0 =	slt.u32 s28, $0x1E;
	v14 =	vor.u32 s0, v0;
	v11 =	vadd.f32 $1.000000050e-03, v11;
	(erf) = vrcp.f32 v12  }
0x24a: {  	v12 =	vcvt.f32.s32 v13;
	v9 =	vadd.f32 $1.000000050e-03, v9;
	v13 =	vcvt.s32.f32 v15  }
0x24b: {  	v11 =	vmul.f32 $2.500000000e-01, v11  }
0x24c: {  	v15 =	vmul.f32 $2.500000000e-01, v8;
	v16 =	vmul.f32 $2.500000000e-01, v9;
	vm0 =	vlt.s32 v12, $0x1FF  }
0x24d: {  	v19 =	vmax.f32 v13, $1.000000000e+00;
	v18 =	vnsel vm0, $0x1FF, v12;
	v9 =	vld.idx.msk [tilespmem:v10+s17+$0x0], $0xffff;
	v17 =	vtrunc.f32 v11  }
0x24e: {  	v12 =	vtrunc.f32 v15;
	v8 =	vld.idx.msk [tilespmem:v14+s17+$0x0], $0xffff;
	v13 =	vcvt.f32.s32 v17;
	vm0 =	vgt.f32 v11, v17  }
0x24f: {  	v17 =	vtrunc.f32 v16;
	v11 =	vld.idx.msk [tilespmem:v14+s19+$0x0], $0xffff;
	v14 =	vcvt.f32.s32 v12;
	v15 =	vsel vm0, $0x1, v1;
	v20 =	vpop (erf)  }
.Ltmp11:
0x250: {  	s24 =	sadd.s32 $0x20, s24;
	vm0 =	vgt.f32 v16, v17;
	v12 =	vld.idx.msk [tilespmem:v10+s19+$0x0], $0xffff;
	v21 =	vadd.s32 v13, v15;
	v13 =	vcvt.f32.s32 v17;
	[tilespmem:s26+$0x0] =	vst v20;
	(pc) =	sbr.rel @p0 .LBB2_24-.Ltmp11, $4  }
0x251: {  	s25 =	sadd.s32 $0x20, s25;
	v15 =	vsel vm0, $0x1, v1;
	vm1 =	vlt.s32 v14, $0x1FF;
	vm2 =	vlt.s32 v21, $0x1FF;
	[tilespmem:s24+$0xFFFFFFF0] =	vst v7  }
0x252: {  	s26 =	sadd.s32 $0x20, s26;
	v7 =	vnsel vm1, $0x1FF, v14;
	v15 =	vadd.s32 v13, v15;
	[tilespmem:s25+$0xFFFFFFF0] =	vst v6;
	v6 =	vnsel vm2, $0x1FF, v21;
	v10 =	vpop (erf)  }
0x253: {  	v13 =	vmul.f32 $2.500000000e-01, v9;
	v14 =	vsub.s32 v6, v7;
	vm0 =	vlt.s32 v15, $0x1FF;
	[tilespmem:s26+$0xFFFFFFF0] =	vst v10  }
0x254: {  	s29 =	sadd.s32 $0x20, s29;
	v14 =	vcvt.s32.f32 v14;
	v10 =	vnsel vm0, $0x1FF, v15;
	[tilespmem:s24+$0x0] =	vst v5;
	(erf) = vrcp.f32 v19;
	v5 =	vmovc v18  }
0x255: {  	v11 =	vadd.f32 v11, v8  }
0x256: {  	v13 =	vtrunc.f32 v13  }
0x257: {  	v9 =	vadd.f32 v12, v9;
	v12 =	vsub.s32 v10, v5;
	v11 =	vadd.f32 $1.000000050e-03, v11  }
0x258: {  	v8 =	vmul.f32 $2.500000000e-01, v8;
	v14 =	vmax.f32 v14, $1.000000000e+00;
	v13 =	vcvt.f32.s32 v13  }
0x259: {  	v12 =	vcvt.s32.f32 v12;
	v9 =	vadd.f32 $1.000000050e-03, v9;
	v11 =	vmul.f32 $2.500000000e-01, v11  }
0x25a: {  	(erf) = vrcp.f32 v14;
	v8 =	vtrunc.f32 v8  }
0x25b: {  	v9 =	vmul.f32 $2.500000000e-01, v9;
	v14 =	vtrunc.f32 v11  }
0x25c: {  	v12 =	vmax.f32 v12, $1.000000000e+00;
	v15 =	vcvt.f32.s32 v14;
	vm1 =	vgt.f32 v11, v14  }
0x25d: {  	v8 =	vcvt.f32.s32 v8;
	v14 =	vtrunc.f32 v9;
	v11 =	vsel vm1, $0x1, v1  }
0x25e: {  	vm13 =	vgt.f32 v9, v14;
	v11 =	vadd.s32 v15, v11;
	v15 =	vcvt.f32.s32 v14  }
0x25f: {  	vm0 =	vlt.s32 v13, $0x1FF;
	(erf) = vrcp.f32 v12;
	v9 =	vsel vm13, $0x1, v1  }
0x260: {  	vm2 =	vlt.s32 v8, $0x1FF;
	vm14 =	vlt.s32 v11, $0x1FF;
	v9 =	vadd.s32 v15, v9  }
0x261: {  	v8 =	vnsel vm2, $0x1FF, v8;
	v11 =	vnsel vm14, $0x1FF, v11;
	vm15 =	vlt.s32 v9, $0x1FF  }
0x262: {  	v12 =	vnsel vm0, $0x1FF, v13;
	v14 =	vsub.s32 v11, v8;
	v9 =	vnsel vm15, $0x1FF, v9  }
0x263: {  	[tilespmem:s25+$0x0] =	vst v4;
	s0 =	sadd.s32 $0x20, s24;
	v13 =	vcvt.s32.f32 v14;
	v14 =	vsub.s32 v9, v12  }
0x264: {  	[tilespmem:s0+$0xFFFFFFF0] =	vst v7;
	v14 =	vcvt.s32.f32 v14  }
0x265: {  	[tilespmem:s0+$0x0] =	vst v5;
	v4 =	vpop (erf);
	v13 =	vmax.f32 v13, $1.000000000e+00  }
0x266: {  	s1 =	sadd.s32 $0x20, s25;
	[tilespmem:s26+$0x0] =	vst v4;
	(erf) = vrcp.f32 v13;
	v4 =	vmax.f32 v14, $1.000000000e+00  }
0x267: {  	[tilespmem:s1+$0xFFFFFFF0] =	vst v6;
	v6 =	vpop (erf);
	(erf) = vrcp.f32 v4  }
0x268: {  	s0 =	sadd.s32 $0x20, s0;
	[tilespmem:s1+$0x0] =	vst v10  }
0x269: {  	s30 =	simm.s32 $0x1;
	[tilespmem:s0+$0x0] =	vst v12  }
0x26a: {  	s28 =	sadd.s32 $0x20, s26;
	s29 =	simm.s32 $0x0;
	v5 =	vmov s30;
	[tilespmem:s0+$0xFFFFFFF0] =	vst v8;
	v4 =	vpop (erf)  }
0x26b: {  	v5 =	vmul.u32 $0x28, v5;
	[tilespmem:s28+$0x0] =	vst v4;
	v4 =	vmov s29  }
0x26c: {  	s31 =	simm.s32 $0x2;
	s1 =	sadd.s32 $0x20, s1;
	[tilespmem:s28+$0xFFFFFFF0] =	vst v6;
	v4 =	vmul.u32 $0x28, v4  }
0x26d: {  	v5 =	vbroadcast v5, $0x0;
	[tilespmem:s1+$0xFFFFFFF0] =	vst v11;
	v6 =	vmov s31  }
0x26e: {  	s25 =	simm.s32 $0x8;
	v6 =	vmul.u32 $0x28, v6;
	[tilespmem:s1+$0x0] =	vst v9;
	s1 =	simm.s32 $0x9;
	v4 =	vbroadcast v4, $0x0  }
0x26f: {  	s24 =	sadd.s32 $0x20, s28;
	v26 =	vmov s25;
	v31 =	vadd.s32 v2, v5;
	v22 =	vmov s1;
	s28 =	simm.s32 $0x4;
	v7 =	vpop (erf)  }
0x270: {  	s26 =	simm.s32 $0x3;
	v13 =	vbroadcast v6, $0x0;
	v8 =	vmov s28;
	[tilespmem:s24+$0xFFFFFFF0] =	vst v7;
	v11 =	vor.u32 v0, v4;
	v9 =	vpop (erf)  }
0x271: {  	v14 =	vadd.s32 v0, v5;
	s29 =	simm.s32 $0x5;
	v8 =	vmul.u32 $0x28, v8;
	v7 =	vmov s26;
	[tilespmem:s24+$0x0] =	vst v9  }
0x272: {  	s30 =	simm.s32 $0x6;
	v16 =	vor.u32 v0, v13;
	v10 =	vmov s29;
	v7 =	vmul.u32 $0x28, v7;
	_ =	swait.ge [sflag:s20], $0x4000  }
0x273: {  	s31 =	simm.s32 $0x7;
	v6 =	vmul.u32 $0x28, v10;
	v8 =	vbroadcast v8, $0x0;
	v9 =	vmov s30;
	[sflag:s20] =	ssyncset.done $0x0  }
0x274: {  	v10 =	vbroadcast v7, $0x0;
	v7 =	vmul.u32 $0x28, v9;
	v9 =	vmov s31;
	[sflag:s20] =	ssyncadd.s32 $0xFFFFC000  }
0x275: {  	v12 =	vimm.f32 $0.0e+00;
	v22 =	vmul.u32 $0x28, v22;
	v9 =	vmul.u32 $0x28, v9;
	v18 =	vld.idx.msk [tilespmem:v11+s2+$0x0], $0xffff  }
0x276: {  	v17 =	vor.u32 v2, v4;
	v23 =	vor.u32 v0, v8;
	v4 =	vbroadcast v7, $0x0  }
0x277: {  	v15 =	vbroadcast v6, $0x0;
	v19 =	vadd.s32 v0, v10;
	v20 =	vbroadcast v9, $0x0;
	v21 =	vld.idx.msk [tilespmem:v14+s2+$0x0], $0xffff  }
0x278: {  	v5 =	vadd.s32 v2, v13;
	v34 =	vbroadcast v22, $0x0;
	s28 =	simm.s32 $0xC;
	v29 =	vor.u32 v0, v4  }
0x279: {  	v22 =	vmov s28;
	s26 =	simm.s32 $0xB;
	v6 =	vadd.s32 v2, v15;
	v13 =	vld.idx.msk [tilespmem:v16+s2+$0x0], $0xffff;
	v9 =	vadd.s32 v0, v20  }
0x27a: {  	v15 =	vadd.s32 v0, v15;
	v27 =	vmov s26;
	v18 =	vadd.f32 v18, v12  }
0x27b: {  	s24 =	simm.s32 $0xA;
	v27 =	vmul.u32 $0x28, v27;
	v25 =	vld.idx.msk [tilespmem:v23+s2+$0x0], $0xffff;
	v7 =	vadd.s32 v2, v4;
	v4 =	vadd.s32 v2, v20  }
0x27c: {  	v24 =	vmov s24;
	v20 =	vld.idx.msk [tilespmem:v19+s2+$0x0], $0xffff;
	[tilespmem:v14+s2+$0x0] =	vst.idx.msk $0xffff, v18;
	v14 =	vadd.f32 v21, v18;
	v21 =	vmul.u32 $0x28, v26  }
0x27d: {  	v8 =	vor.u32 v2, v8;
	v24 =	vmul.u32 $0x28, v24;
	v10 =	vadd.s32 v2, v10;
	v18 =	vld.idx.msk [tilespmem:v29+s2+$0x0], $0xffff  }
0x27e: {  	s29 =	simm.s32 $0xD;
	v28 =	vbroadcast v27, $0x0;
	v39 =	vld.idx.msk [tilespmem:v9+s2+$0x0], $0xffff;
	[tilespmem:v16+s2+$0x0] =	vst.idx.msk $0xffff, v14;
	v13 =	vadd.f32 v13, v14;
	v14 =	vbroadcast v21, $0x0  }
0x27f: {  	[tilespmem:v11+s2+$0x0] =	vst.idx.msk $0xffff, v12;
	v38 =	vbroadcast v24, $0x0;
	v26 =	vmul.u32 $0x28, v22;
	v36 =	vld.idx.msk [tilespmem:v31+s2+$0x0], $0xffff;
	v21 =	vmov s29  }
0x280: {  	s30 =	simm.s32 $0xE;
	s31 =	simm.s32 $0xF;
	v16 =	vld.idx.msk [tilespmem:v15+s2+$0x0], $0xffff;
	v22 =	vmul.u32 $0x28, v21;
	v21 =	vor.u32 v0, v14;
	v11 =	vor.u32 v2, v14  }
0x281: {  	v14 =	vadd.f32 v20, v13;
	[tilespmem:v19+s2+$0x0] =	vst.idx.msk $0xffff, v13;
	v19 =	vld.idx.msk [tilespmem:v17+s2+$0x0], $0xffff;
	v13 =	vmov s30;
	v20 =	vmov s31  }
0x282: {  	v37 =	vld.idx.msk [tilespmem:v5+s2+$0x0], $0xffff;
	[tilespmem:v17+s2+$0x0] =	vst.idx.msk $0xffff, v12;
	v40 =	vbroadcast v22, $0x0;
	v22 =	vadd.s32 v0, v34;
	v13 =	vmul.u32 $0x28, v13  }
0x283: {  	v26 =	vbroadcast v26, $0x0;
	v24 =	vld.idx.msk [tilespmem:v10+s2+$0x0], $0xffff;
	v27 =	vmul.u32 $0x28, v20;
	[tilespmem:v23+s2+$0x0] =	vst.idx.msk $0xffff, v14;
	v30 =	vadd.f32 v25, v14  }
0x284: {  	v20 =	vadd.s32 v0, v28;
	v23 =	vor.u32 v0, v38;
	v25 =	vld.idx.msk [tilespmem:v8+s2+$0x0], $0xffff;
	v13 =	vbroadcast v13, $0x0  }
0x285: {  	v14 =	vadd.s32 v2, v40;
	v41 =	vbroadcast v27, $0x0;
	v17 =	vadd.s32 v0, v40;
	[tilespmem:v15+s2+$0x0] =	vst.idx.msk $0xffff, v30  }
0x286: {  	v15 =	vadd.f32 v16, v30;
	v33 =	vld.idx.msk [tilespmem:v21+s2+$0x0], $0xffff;
	v27 =	vor.u32 v0, v13;
	v16 =	vadd.f32 v19, v12  }
0x287: {  	v13 =	vadd.s32 v2, v13;
	v19 =	vor.u32 v0, v26;
	v30 =	vld.idx.msk [tilespmem:v6+s2+$0x0], $0xffff;
	v12 =	vadd.s32 v2, v34  }
0x288: {  	v32 =	vld.idx.msk [tilespmem:v22+s2+$0x0], $0xffff;
	v35 =	vadd.f32 v18, v15;
	[tilespmem:v31+s2+$0x0] =	vst.idx.msk $0xffff, v16;
	v16 =	vadd.f32 v36, v16  }
0x289: {  	v34 =	vadd.s32 v0, v41;
	[tilespmem:v29+s2+$0x0] =	vst.idx.msk $0xffff, v15;
	v15 =	vadd.s32 v2, v38;
	v29 =	vld.idx.msk [tilespmem:v20+s2+$0x0], $0xffff  }
0x28a: {  	s26 =	simm.s32 $0x10;
	v18 =	vadd.s32 v2, v41;
	v31 =	vld.idx.msk [tilespmem:v23+s2+$0x0], $0xffff;
	v36 =	vadd.f32 v39, v35;
	v37 =	vadd.f32 v37, v16  }
.LBB2_26:
0x28b: {  	s0 =	sadd.s32 $0x1, s26;
	v28 =	vadd.s32 v2, v28  }
0x28c: {  	s1 =	sadd.s32 $0x2, s26;
	v26 =	vor.u32 v2, v26;
	v38 =	vld.idx.msk [tilespmem:v7+s2+$0x0], $0xffff;
	[tilespmem:v9+s2+$0x0] =	vst.idx.msk $0xffff, v35;
	v35 =	vmov v27;
	v9 =	vmov v34;
	s25 =	smov.u32 s26;
	s24 =	sadd.s32 $0x8, s26  }
0x28d: {  	p0 =	slt.u32 s26, $0x1F8;
	v34 =	vmov s0;
	v39 =	vmov s1;
	s0 =	sadd.s32 $0x3, s25;
	[tilespmem:v21+s2+$0x0] =	vst.idx.msk $0xffff, v36;
	v21 =	vadd.f32 v33, v36;
	v33 =	vld.idx.msk [tilespmem:v4+s2+$0x0], $0xffff  }
0x28e: {  	v24 =	vadd.f32 v24, v37;
	v34 =	vmul.u32 $0x28, v34;
	v36 =	vmul.u32 $0x28, v39;
	v39 =	vld.idx.msk [tilespmem:v19+s2+$0x0], $0xffff;
	[tilespmem:v10+s2+$0x0] =	vst.idx.msk $0xffff, v37  }
0x28f: {  	v37 =	vmov s25;
	v40 =	vmov s0;
	v10 =	vmovc v28;
	[tilespmem:v22+s2+$0x0] =	vst.idx.msk $0xffff, v21;
	v21 =	vadd.f32 v32, v21;
	v41 =	vld.idx.msk [tilespmem:v27+s2+$0x0], $0xffff  }
0x290: {  	s0 =	sadd.s32 $0x4, s25;
	v22 =	vmul.u32 $0x28, v37;
	v34 =	vbroadcast v34, $0x0;
	v37 =	vld.idx.msk [tilespmem:v12+s2+$0x0], $0xffff;
	[tilespmem:v8+s2+$0x0] =	vst.idx.msk $0xffff, v24;
	v24 =	vadd.f32 v25, v24  }
0x291: {  	v27 =	vmov s0;
	s0 =	sadd.s32 $0x5, s25;
	v25 =	vmul.u32 $0x28, v40;
	v8 =	vmovc v26;
	[tilespmem:v23+s2+$0x0] =	vst.idx.msk $0xffff, v21;
	v23 =	vadd.f32 v31, v21;
	v31 =	vld.idx.msk [tilespmem:v17+s2+$0x0], $0xffff  }
0x292: {  	v22 =	vbroadcast v22, $0x0;
	v21 =	vmov s0;
	v40 =	vld.idx.msk [tilespmem:v15+s2+$0x0], $0xffff;
	[tilespmem:v6+s2+$0x0] =	vst.idx.msk $0xffff, v24;
	v28 =	vadd.f32 v30, v24;
	v6 =	vmovc v14  }
0x293: {  	v42 =	vbroadcast v36, $0x0;
	v14 =	vmul.u32 $0x28, v27;
	v27 =	vmul.u32 $0x28, v21;
	[tilespmem:v20+s2+$0x0] =	vst.idx.msk $0xffff, v23;
	v36 =	vld.idx.msk [tilespmem:v9+s2+$0x0], $0xffff  }
0x294: {  	v21 =	vor.u32 v0, v22;
	v43 =	vor.u32 v2, v22;
	v20 =	vadd.f32 v29, v23;
	v24 =	vld.idx.msk [tilespmem:v10+s2+$0x0], $0xffff  }
0x295: {  	s0 =	sadd.s32 $0x6, s25;
	v26 =	vbroadcast v14, $0x0;
	v29 =	vbroadcast v27, $0x0;
	v14 =	vadd.f32 v38, v28;
	v30 =	vld.idx.msk [tilespmem:v11+s2+$0x0], $0xffff;
	[tilespmem:v7+s2+$0x0] =	vst.idx.msk $0xffff, v28  }
0x296: {  	v22 =	vadd.s32 v0, v34;
	v23 =	vmov s0;
	s0 =	sadd.s32 $0x7, s25;
	v28 =	vbroadcast v25, $0x0;
	v7 =	vmovc v13;
	[tilespmem:v19+s2+$0x0] =	vst.idx.msk $0xffff, v20  }
0x297: {  	v13 =	vmul.u32 $0x28, v23;
	v27 =	vadd.f32 v39, v20;
	v19 =	vmov s0;
	v25 =	vld.idx.msk [tilespmem:v8+s2+$0x0], $0xffff;
	[tilespmem:v4+s2+$0x0] =	vst.idx.msk $0xffff, v14;
	v4 =	vmovc v18  }
0x298: {  	v23 =	vor.u32 v0, v42;
	v18 =	vmul.u32 $0x28, v19;
	[tilespmem:v5+s2+$0x0] =	vst.idx.msk $0xffff, v16;
	v16 =	vadd.f32 v33, v14  }
0x299: {  	v13 =	vbroadcast v13, $0x0;
	v14 =	vadd.s32 v2, v29;
	v5 =	vmov v15;
	v33 =	vld.idx.msk [tilespmem:v21+s2+$0x0], $0xffff;
	[tilespmem:v17+s2+$0x0] =	vst.idx.msk $0xffff, v27  }
0x29a: {  	v20 =	vadd.s32 v0, v28;
	v18 =	vbroadcast v18, $0x0;
	[tilespmem:v11+s2+$0x0] =	vst.idx.msk $0xffff, v16;
	v11 =	vadd.f32 v31, v27  }
.Ltmp12:
0x29b: {  	v27 =	vor.u32 v0, v13;
	v13 =	vadd.s32 v2, v13;
	v15 =	vadd.f32 v30, v16;
	v32 =	vld.idx.msk [tilespmem:v22+s2+$0x0], $0xffff;
	(pc) =	sbr.rel @p0 .LBB2_26-.Ltmp12, $4  }
0x29c: {  	v19 =	vor.u32 v0, v26;
	v30 =	vld.idx.msk [tilespmem:v6+s2+$0x0], $0xffff;
	[tilespmem:v35+s2+$0x0] =	vst.idx.msk $0xffff, v11;
	v35 =	vadd.f32 v41, v11  }
0x29d: {  	v16 =	vadd.f32 v37, v15;
	v31 =	vld.idx.msk [tilespmem:v23+s2+$0x0], $0xffff;
	[tilespmem:v12+s2+$0x0] =	vst.idx.msk $0xffff, v15;
	v12 =	vadd.s32 v2, v34  }
0x29e: {  	v17 =	vadd.s32 v0, v29;
	v34 =	vadd.s32 v0, v18;
	v36 =	vadd.f32 v36, v35;
	v11 =	vmovc v43  }
0x29f: {  	s26 =	smov.u32 s24;
	v15 =	vadd.s32 v2, v42;
	v18 =	vadd.s32 v2, v18;
	v37 =	vadd.f32 v40, v16;
	v29 =	vld.idx.msk [tilespmem:v20+s2+$0x0], $0xffff  }
0x2a0: {  	_ =	sdelay $0x2  }
0x2a1: {  	v24 =	vadd.f32 v24, v37  }
0x2a2: {  	v38 =	vld.idx.msk [tilespmem:v7+s2+$0x0], $0xffff  }
0x2a3: {  	[tilespmem:v9+s2+$0x0] =	vst.idx.msk $0xffff, v35;
	v9 =	vadd.f32 v25, v24  }
0x2a4: {  	[tilespmem:v21+s2+$0x0] =	vst.idx.msk $0xffff, v36;
	v21 =	vadd.f32 v33, v36;
	v25 =	vld.idx.msk [tilespmem:v4+s2+$0x0], $0xffff  }
0x2a5: {  	[tilespmem:v10+s2+$0x0] =	vst.idx.msk $0xffff, v37;
	v30 =	vadd.f32 v30, v9  }
0x2a6: {  	v28 =	vadd.s32 v2, v28;
	v10 =	vld.idx.msk [tilespmem:v11+s2+$0x0], $0xffff;
	[tilespmem:v22+s2+$0x0] =	vst.idx.msk $0xffff, v21;
	v21 =	vadd.f32 v32, v21  }
0x2a7: {  	v61 =	vld.idx.msk [tilespmem:v19+s2+$0x0], $0xffff;
	[tilespmem:v5+s2+$0x0] =	vst.idx.msk $0xffff, v16;
	v22 =	vadd.f32 v38, v30  }
0x2a8: {  	v62 =	vld.idx.msk [tilespmem:v12+s2+$0x0], $0xffff;
	[tilespmem:v8+s2+$0x0] =	vst.idx.msk $0xffff, v24;
	v8 =	vadd.f32 v31, v21  }
0x2a9: {  	v26 =	vor.u32 v2, v26;
	[tilespmem:v23+s2+$0x0] =	vst.idx.msk $0xffff, v21;
	v21 =	vld.idx.msk [tilespmem:v17+s2+$0x0], $0xffff;
	v23 =	vadd.f32 v25, v22  }
0x2aa: {  	v24 =	vld.idx.msk [tilespmem:v15+s2+$0x0], $0xffff;
	[tilespmem:v20+s2+$0x0] =	vst.idx.msk $0xffff, v8  }
0x2ab: {  	[tilespmem:v6+s2+$0x0] =	vst.idx.msk $0xffff, v9;
	v6 =	vadd.f32 v29, v8;
	v9 =	vld.idx.msk [tilespmem:v28+s2+$0x0], $0xffff;
	v8 =	vadd.f32 v10, v23  }
0x2ac: {  	[tilespmem:v7+s2+$0x0] =	vst.idx.msk $0xffff, v30;
	v7 =	vld.idx.msk [tilespmem:v27+s2+$0x0], $0xffff  }
0x2ad: {  	[tilespmem:v19+s2+$0x0] =	vst.idx.msk $0xffff, v6;
	v6 =	vadd.f32 v61, v6;
	v10 =	vadd.f32 v62, v8  }
0x2ae: {  	v19 =	vld.idx.msk [tilespmem:v26+s2+$0x0], $0xffff;
	[tilespmem:v4+s2+$0x0] =	vst.idx.msk $0xffff, v22  }
0x2af: {  	[tilespmem:v17+s2+$0x0] =	vst.idx.msk $0xffff, v6;
	v4 =	vadd.f32 v21, v6;
	v6 =	vadd.f32 v24, v10  }
0x2b0: {  	v5 =	vld.idx.msk [tilespmem:v14+s2+$0x0], $0xffff;
	[tilespmem:v11+s2+$0x0] =	vst.idx.msk $0xffff, v23  }
0x2b1: {  	[tilespmem:v27+s2+$0x0] =	vst.idx.msk $0xffff, v4;
	v4 =	vadd.f32 v7, v4;
	v9 =	vadd.f32 v9, v6  }
0x2b2: {  	v7 =	vld.idx.msk [tilespmem:v13+s2+$0x0], $0xffff;
	[tilespmem:v12+s2+$0x0] =	vst.idx.msk $0xffff, v8  }
0x2b3: {  	[tilespmem:v34+s2+$0x0] =	vst.idx.msk $0xffff, v4;
	v8 =	vadd.f32 v19, v9  }
0x2b4: {  	[tilespmem:v15+s2+$0x0] =	vst.idx.msk $0xffff, v10  }
0x2b5: {  	[tilespmem:v28+s2+$0x0] =	vst.idx.msk $0xffff, v6;
	v4 =	vadd.f32 v5, v8  }
0x2b6: {  	[tilespmem:v26+s2+$0x0] =	vst.idx.msk $0xffff, v9  }
0x2b7: {  	[tilespmem:v14+s2+$0x0] =	vst.idx.msk $0xffff, v8;
	v5 =	vadd.f32 v7, v4  }
0x2b8: {  	[tilespmem:v13+s2+$0x0] =	vst.idx.msk $0xffff, v4  }
0x2b9: {  	[tilespmem:v18+s2+$0x0] =	vst.idx.msk $0xffff, v5  }
0x2ba: {  	_ =	swait.ge [sflag:s22], $0x4000  }
0x2bb: {  	s0 =	simm.s32 $0x0;
	[sflag:s22] =	ssyncset.done $0x0  }
0x2bc: {  	s1 =	sand.u32 $0x1F0, s0;
	[sflag:s22] =	ssyncadd.s32 $0xFFFFC000  }
0x2bd: {  	v4 =	vld [tilespmem:s1+$0x1B200]  }
0x2be: {  	v5 =	vld [tilespmem:s1+$0x1B000];
	_ =	sdelay $0x2  }
0x2bf: {  	s24 =	simm.s32 $0x1  }
0x2c0: {  	v6 =	vmul.u32 $0x28, v4;
	v4 =	vmov s24  }
0x2c1: {  	v5 =	vmul.u32 $0x28, v5;
	v8 =	vand.u32 $0x8, v4  }
0x2c2: {  	v11 =	vand.u32 $0x7, v4;
	v4 =	vadd.s32 v8, v6  }
0x2c3: {  	v7 =	vadd.s32 v8, v5;
	v4 =	vor.u32 v11, v4  }
0x2c4: {  	v10 =	vmov s0;
	v7 =	vor.u32 v11, v7  }
0x2c5: {  	s30 =	simm.s32 $0x2;
	v12 =	vand.u32 $0x8, v10  }
0x2c6: {  	s26 =	sand.u32 $0x1F0, s30;
	v16 =	vand.u32 $0x6, v10;
	v9 =	vmov s1;
	v13 =	vadd.s32 v12, v5  }
0x2c7: {  	s25 =	simm.s32 $0x4;
	v9 =	vmul.u32 $0x28, v9;
	v17 =	vor.u32 v16, v13;
	v13 =	vld [tilespmem:s26+$0x1B200]  }
0x2c8: {  	v63 =	vmov s25;
	v10 =	vld.idx.msk [tilespmem:v4+s2+$0x0], $0xffff  }
0x2c9: {  	v20 =	vor.u32 $0x10, v12;
	v4 =	vadd.s32 v12, v6;
	v14 =	vld.idx.msk [tilespmem:v7+s2+$0x0], $0xffff;
	v7 =	vbroadcast v9, $0x0  }
0x2ca: {  	v19 =	vld [tilespmem:s26+$0x1B000];
	v18 =	vadd.s32 v20, v5;
	v15 =	vor.u32 v16, v4;
	v4 =	vadd.s32 v20, v6  }
0x2cb: {  	v24 =	vor.u32 $0x10, v8;
	v21 =	vadd.s32 v3, v7;
	v9 =	vor.u32 v16, v4;
	v4 =	vld [tilespmem:s1+$0x1B400]  }
0x2cc: {  	v5 =	vadd.s32 v24, v5;
	v7 =	vor.u32 v16, v18;
	v18 =	vadd.s32 v8, v21  }
0x2cd: {  	s31 =	simm.s32 $0x3;
	v13 =	vmul.u32 $0x28, v13;
	v6 =	vadd.s32 v24, v6;
	v8 =	vor.u32 v11, v18  }
0x2ce: {  	v23 =	vor.u32 v11, v6;
	v6 =	vmov s31;
	v10 =	vsub.f32 v10, v14  }
0x2cf: {  	v26 =	vor.u32 v11, v5;
	v17 =	vld.idx.msk [tilespmem:v17+s2+$0x0], $0xffff;
	v5 =	vand.u32 $0x7, v6;
	v18 =	vand.u32 $0x8, v6  }
0x2d0: {  	v14 =	vmul.u32 $0x28, v19;
	v6 =	vadd.s32 v18, v13;
	v25 =	vld.idx.msk [tilespmem:v15+s2+$0x0], $0xffff;
	v10 =	vmul.f32 v10, v4  }
0x2d1: {  	v12 =	vadd.s32 v12, v21;
	v24 =	vadd.s32 v21, v24;
	v19 =	vor.u32 v5, v6  }
0x2d2: {  	v22 =	vmov s30;
	v21 =	vadd.s32 v20, v21;
	v27 =	vadd.s32 v18, v14;
	[tilespmem:v8+s21+$0x0] =	vst.idx.msk $0xffff, v10  }
0x2d3: {  	v12 =	vor.u32 v16, v12;
	v15 =	vand.u32 $0x8, v22;
	v10 =	vor.u32 v5, v27;
	v28 =	vld.idx.msk [tilespmem:v23+s2+$0x0], $0xffff  }
0x2d4: {  	v6 =	vand.u32 $0x6, v22;
	v22 =	vadd.s32 v15, v13;
	v27 =	vadd.s32 v15, v14;
	v29 =	vld.idx.msk [tilespmem:v26+s2+$0x0], $0xffff  }
0x2d5: {  	v23 =	vor.u32 v6, v27;
	v27 =	vsub.f32 v25, v17;
	v25 =	vmov s26  }
0x2d6: {  	s24 =	sand.u32 $0x1F0, s25;
	v22 =	vor.u32 v6, v22;
	v8 =	vor.u32 $0x10, v15;
	v30 =	vmul.u32 $0x28, v25;
	v25 =	vld.idx.msk [tilespmem:v19+s2+$0x0], $0xffff  }
0x2d7: {  	v20 =	vor.u32 v11, v24;
	v26 =	vadd.s32 v8, v14;
	v31 =	vmul.f32 v27, v4;
	v27 =	vld [tilespmem:s24+$0x1B200]  }
0x2d8: {  	v11 =	vor.u32 v16, v21;
	v19 =	vor.u32 v6, v26;
	v26 =	vld.idx.msk [tilespmem:v10+s2+$0x0], $0xffff;
	v30 =	vbroadcast v30, $0x0  }
0x2d9: {  	v21 =	vand.u32 $0x8, v63;
	v17 =	vadd.s32 v8, v13;
	v10 =	vld [tilespmem:s26+$0x1B400];
	v24 =	vsub.f32 v28, v29  }
0x2da: {  	v17 =	vor.u32 v6, v17;
	s26 =	simm.s32 $0x6;
	[tilespmem:v12+s21+$0x0] =	vst.idx.msk $0xffff, v31;
	v28 =	vld [tilespmem:s24+$0x1B000];
	v12 =	vand.u32 $0x6, v63;
	v16 =	vadd.s32 v3, v30  }
.LBB2_28:
0x2db: {  	p0 =	slt.u32 s26, $0x1FE;
	v29 =	vld.idx.msk [tilespmem:v22+s2+$0x0], $0xffff;
	v22 =	vadd.s32 v18, v16;
	v30 =	vor.u32 $0x10, v18;
	v18 =	vmul.f32 v24, v4  }
0x2dc: {  	v24 =	vld.idx.msk [tilespmem:v23+s2+$0x0], $0xffff;
	v22 =	vor.u32 v5, v22;
	v13 =	vadd.s32 v30, v13;
	v14 =	vadd.s32 v30, v14  }
0x2dd: {  	s0 =	sadd.s32 $0x1, s25;
	s25 =	smov.u32 s26;
	v23 =	vsub.f32 v25, v26;
	v25 =	vor.u32 v5, v13;
	v26 =	vld.idx.msk [tilespmem:v9+s2+$0x0], $0xffff;
	[tilespmem:v20+s21+$0x0] =	vst.idx.msk $0xffff, v18  }
0x2de: {  	v20 =	vmov s0;
	v9 =	vmovc v17;
	v13 =	vmul.u32 $0x28, v27;
	v27 =	vor.u32 v5, v14;
	v31 =	vld.idx.msk [tilespmem:v7+s2+$0x0], $0xffff;
	v7 =	vmovc v19  }
0x2df: {  	v18 =	vand.u32 $0x8, v20;
	v17 =	vmul.f32 v23, v10;
	v14 =	vmul.u32 $0x28, v28  }
0x2e0: {  	v28 =	vand.u32 $0x7, v20;
	v19 =	vadd.s32 v21, v13;
	v20 =	vadd.s32 v18, v13  }
0x2e1: {  	v32 =	vor.u32 $0x10, v21;
	v20 =	vor.u32 v28, v20;
	v23 =	vadd.s32 v18, v14;
	[tilespmem:v22+s21+$0x0] =	vst.idx.msk $0xffff, v17  }
0x2e2: {  	v22 =	vor.u32 v12, v19;
	v17 =	vadd.s32 v21, v14;
	v33 =	vor.u32 v28, v23;
	v34 =	vld.idx.msk [tilespmem:v25+s2+$0x0], $0xffff  }
0x2e3: {  	v35 =	vadd.s32 v15, v16;
	v19 =	vsub.f32 v29, v24;
	v23 =	vor.u32 v12, v17;
	v24 =	vld.idx.msk [tilespmem:v27+s2+$0x0], $0xffff  }
0x2e4: {  	v15 =	vmovc v21;
	v29 =	vor.u32 v6, v35;
	v17 =	vadd.s32 v32, v13;
	v25 =	vadd.s32 v32, v14  }
0x2e5: {  	v21 =	vmov s24;
	v17 =	vor.u32 v12, v17;
	v35 =	vmul.f32 v19, v10  }
.Ltmp13:
0x2e6: {  	v21 =	vmul.u32 $0x28, v21;
	v19 =	vor.u32 v12, v25;
	v27 =	vsub.f32 v26, v31;
	v25 =	vld.idx.msk [tilespmem:v20+s2+$0x0], $0xffff;
	(pc) =	sbr.rel @p0 .LBB2_28-.Ltmp13, $4  }
0x2e7: {  	v31 =	vadd.s32 v8, v16;
	v16 =	vadd.s32 v16, v30;
	v8 =	vmov v32;
	v26 =	vld.idx.msk [tilespmem:v33+s2+$0x0], $0xffff  }
0x2e8: {  	v30 =	vbroadcast v21, $0x0;
	v32 =	vmul.f32 v27, v4;
	v4 =	vmovc v10;
	v20 =	vor.u32 v5, v16;
	v5 =	vmovc v28;
	v10 =	vld [tilespmem:s24+$0x1B400];
	s24 =	sand.u32 $0x1F0, s26  }
0x2e9: {  	v16 =	vmov s26;
	v24 =	vsub.f32 v34, v24;
	v27 =	vld [tilespmem:s24+$0x1B200];
	[tilespmem:v29+s21+$0x0] =	vst.idx.msk $0xffff, v35;
	v29 =	vor.u32 v6, v31;
	v6 =	vmovc v12  }
0x2ea: {  	v21 =	vand.u32 $0x8, v16;
	s26 =	sadd.s32 $0x2, s26;
	v12 =	vand.u32 $0x6, v16;
	v16 =	vadd.s32 v3, v30;
	v28 =	vld [tilespmem:s24+$0x1B000];
	[tilespmem:v11+s21+$0x0] =	vst.idx.msk $0xffff, v32;
	v11 =	vmovc v29  }
0x2eb: {  	_ =	sdelay $0x1  }
0x2ec: {  	s0 =	sadd.s32 $0x1, s25  }
0x2ed: {  	v29 =	vmov s0;
	v27 =	vmul.u32 $0x28, v27  }
0x2ee: {  	v30 =	vand.u32 $0x8, v29;
	v28 =	vmul.u32 $0x28, v28  }
0x2ef: {  	v29 =	vand.u32 $0x7, v29;
	v31 =	vadd.s32 v30, v27  }
0x2f0: {  	v35 =	vadd.s32 v18, v16;
	v31 =	vor.u32 v29, v31;
	v32 =	vadd.s32 v30, v28  }
0x2f1: {  	v22 =	vld.idx.msk [tilespmem:v22+s2+$0x0], $0xffff;
	v36 =	vmov s24;
	v33 =	vadd.s32 v21, v27;
	v32 =	vor.u32 v29, v32  }
0x2f2: {  	v23 =	vld.idx.msk [tilespmem:v23+s2+$0x0], $0xffff;
	v15 =	vadd.s32 v15, v16;
	v33 =	vor.u32 v12, v33;
	v34 =	vadd.s32 v21, v28  }
0x2f3: {  	v44 =	vor.u32 $0x10, v18;
	v49 =	vor.u32 $0x10, v21;
	v34 =	vor.u32 v12, v34  }
0x2f4: {  	v47 =	vld [tilespmem:s24+$0x1B400];
	v35 =	vor.u32 v5, v35;
	v36 =	vmul.u32 $0x28, v36;
	v25 =	vsub.f32 v25, v26  }
0x2f5: {  	v15 =	vor.u32 v6, v15;
	v13 =	vadd.s32 v44, v13;
	v14 =	vadd.s32 v44, v14;
	v31 =	vld.idx.msk [tilespmem:v31+s2+$0x0], $0xffff  }
0x2f6: {  	v13 =	vor.u32 v5, v13;
	v14 =	vor.u32 v5, v14;
	v45 =	vbroadcast v36, $0x0;
	v32 =	vld.idx.msk [tilespmem:v32+s2+$0x0], $0xffff  }
0x2f7: {  	v25 =	vmul.f32 v25, v10;
	v50 =	vor.u32 $0x10, v30;
	v22 =	vsub.f32 v22, v23;
	v43 =	vld.idx.msk [tilespmem:v33+s2+$0x0], $0xffff  }
0x2f8: {  	v23 =	vadd.s32 v3, v45;
	v52 =	vadd.s32 v50, v27;
	v27 =	vadd.s32 v49, v27;
	v46 =	vld.idx.msk [tilespmem:v34+s2+$0x0], $0xffff  }
0x2f9: {  	[tilespmem:v35+s21+$0x0] =	vst.idx.msk $0xffff, v25;
	v48 =	vadd.s32 v30, v23;
	v53 =	vadd.s32 v50, v28  }
0x2fa: {  	v9 =	vld.idx.msk [tilespmem:v9+s2+$0x0], $0xffff;
	v54 =	vadd.s32 v21, v23;
	v28 =	vadd.s32 v49, v28;
	v51 =	vor.u32 v29, v48  }
0x2fb: {  	v7 =	vld.idx.msk [tilespmem:v7+s2+$0x0], $0xffff;
	v22 =	vmul.f32 v22, v10;
	v31 =	vsub.f32 v31, v32;
	v32 =	vor.u32 v29, v52  }
0x2fc: {  	v27 =	vor.u32 v12, v27;
	v13 =	vld.idx.msk [tilespmem:v13+s2+$0x0], $0xffff;
	v21 =	vor.u32 v12, v54;
	v33 =	vor.u32 v29, v53  }
0x2fd: {  	v14 =	vld.idx.msk [tilespmem:v14+s2+$0x0], $0xffff;
	[tilespmem:v15+s21+$0x0] =	vst.idx.msk $0xffff, v22;
	v26 =	vsub.f32 v43, v46;
	v31 =	vmul.f32 v31, v47  }
0x2fe: {  	v28 =	vor.u32 v12, v28;
	v17 =	vld.idx.msk [tilespmem:v17+s2+$0x0], $0xffff  }
0x2ff: {  	v19 =	vld.idx.msk [tilespmem:v19+s2+$0x0], $0xffff;
	v26 =	vmul.f32 v26, v47;
	[tilespmem:v51+s21+$0x0] =	vst.idx.msk $0xffff, v31  }
0x300: {  	v30 =	vld.idx.msk [tilespmem:v32+s2+$0x0], $0xffff  }
0x301: {  	[tilespmem:v21+s21+$0x0] =	vst.idx.msk $0xffff, v26;
	v31 =	vld.idx.msk [tilespmem:v33+s2+$0x0], $0xffff  }
0x302: {  	v24 =	vmul.f32 v24, v4;
	v8 =	vadd.s32 v8, v16;
	v55 =	vld.idx.msk [tilespmem:v27+s2+$0x0], $0xffff  }
0x303: {  	v18 =	vadd.s32 v16, v44;
	v57 =	vor.u32 v6, v8;
	v56 =	vld.idx.msk [tilespmem:v28+s2+$0x0], $0xffff  }
0x304: {  	[tilespmem:v20+s21+$0x0] =	vst.idx.msk $0xffff, v24;
	v5 =	vor.u32 v5, v18;
	v7 =	vsub.f32 v9, v7  }
0x305: {  	v59 =	vadd.s32 v23, v50;
	v61 =	vadd.s32 v49, v23;
	v58 =	vsub.f32 v13, v14  }
0x306: {  	v4 =	vmul.f32 v7, v4;
	v8 =	vor.u32 v29, v59;
	v60 =	vsub.f32 v17, v19  }
0x307: {  	v62 =	vor.u32 v12, v61;
	v7 =	vmul.f32 v58, v10;
	v63 =	vsub.f32 v30, v31  }
0x308: {  	[tilespmem:v11+s21+$0x0] =	vst.idx.msk $0xffff, v4;
	v4 =	vmul.f32 v60, v10;
	v9 =	vsub.f32 v55, v56  }
0x309: {  	[tilespmem:v5+s21+$0x0] =	vst.idx.msk $0xffff, v7;
	v5 =	vmul.f32 v63, v47  }
0x30a: {  	[tilespmem:v57+s21+$0x0] =	vst.idx.msk $0xffff, v4;
	v4 =	vmul.f32 v9, v47  }
0x30b: {  	s24 =	simm.s32 $0x14000;
	[tilespmem:v8+s21+$0x0] =	vst.idx.msk $0xffff, v5  }
0x30c: {  	s25 =	simm.s32 $0x40;
	s28 =	sadd.s32 $0x0, s12;
	s26 =	simm.s32 $0x14028;
	[tilespmem:v62+s21+$0x0] =	vst.idx.msk $0xffff, v4  }
.LBB2_30:
0x30d: {  	[hbm4b:s28+s2] =	stream.linear.scatter [tilespmem:s24], [sflag:$0x2], $0x20, $0x38;
	[tilespmem:$0x1B600] =	vst v63  }
0x30e: {  	s0 =	smov.u32 s25;
	s24 =	smov.u32 s26;
	p0 =	sne.s32 s25, $0x7FC0  }
.Ltmp14:
0x30f: {  	s25 =	sadd.s32 $0x40, s25;
	(pc) =	sbr.rel @p0 .LBB2_30-.Ltmp14, $2  }
0x310: {  	_ =	sdelay $0x2  }
0x311: {  	s26 =	sadd.s32 $0x28, s26;
	s28 =	sadd.s32 s0, s12  }
0x312: {  	[hbm4b:s28+s2] =	stream.linear.scatter [tilespmem:s24], [sflag:$0x2], $0x20, $0x38;
	[tilespmem:$0x1B600] =	vst v63  }
0x313: {  	s24 =	simm.s32 $0x0;
	s25 =	simm.s32 $0x0  }
.LBB2_32:
0x314: {  	p0 =	sne.s32 s25, $0x3FE0  }
.Ltmp15:
0x315: {  	_ = 	snop;
	(pc) =	sbr.rel @p0 .LBB2_32-.Ltmp15, $4  }
0x316: {  	_ = 	snop  }
0x317: {  	s0 =	sadd.s32 s25, s13  }
0x318: {  	[tilespmem:s24], [sflag:$0x1] =	stream.linear.gather [hbm4b:s0+s2], $0x20, $0x38;
	[tilespmem:$0x1B600] =	vst v63  }
0x319: {  	s25 =	sadd.s32 $0x20, s25;
	s24 =	sadd.s32 $0x28, s24  }
0x31a: {  	s0 =	simm.s32 $0x0  }
0x31b: {  	s0 =	sor.u32 s14, s0  }
0x31c: {  	s1 =	simm.s32 $0x10;
	v4 =	vor.u32 s0, v0  }
0x31d: {  	s1 =	sor.u32 s14, s1  }
0x31e: {  	s24 =	simm.s32 $0x30;
	v5 =	vor.u32 s1, v0  }
0x31f: {  	s0 =	sor.u32 s14, s24  }
0x320: {  	v8 =	vor.u32 s0, v0  }
0x321: {  	v6 =	vld.idx.msk [tilespmem:v4+s17+$0x0], $0xffff  }
0x322: {  	v4 =	vld.idx.msk [tilespmem:v4+s19+$0x0], $0xffff  }
0x323: {  	v7 =	vld.idx.msk [tilespmem:v5+s17+$0x0], $0xffff  }
0x324: {  	v5 =	vld.idx.msk [tilespmem:v5+s19+$0x0], $0xffff  }
0x325: {  	v11 =	vld.idx.msk [tilespmem:v8+s17+$0x0], $0xffff  }
0x326: {  	v8 =	vld.idx.msk [tilespmem:v8+s19+$0x0], $0xffff  }
0x327: {  	s25 =	simm.s32 $0x20  }
0x328: {  	s1 =	sor.u32 s14, s25;
	v4 =	vadd.f32 v4, v6  }
0x329: {  	v9 =	vor.u32 s1, v0  }
0x32a: {  	v5 =	vadd.f32 v5, v7;
	v7 =	vmul.f32 $2.500000000e-01, v7;
	v4 =	vadd.f32 $1.000000050e-03, v4  }
0x32b: {  	v6 =	vmul.f32 $2.500000000e-01, v6;
	v8 =	vadd.f32 v8, v11  }
0x32c: {  	v5 =	vadd.f32 $1.000000050e-03, v5;
	v7 =	vtrunc.f32 v7;
	v4 =	vmul.f32 $2.500000000e-01, v4  }
0x32d: {  	v6 =	vtrunc.f32 v6;
	v7 =	vcvt.f32.s32 v7  }
0x32e: {  	v8 =	vadd.f32 $1.000000050e-03, v8;
	v5 =	vmul.f32 $2.500000000e-01, v5;
	v10 =	vtrunc.f32 v4  }
0x32f: {  	vm8 =	vlt.s32 v7, $0x1FF;
	v12 =	vcvt.f32.s32 v10;
	vm0 =	vgt.f32 v4, v10;
	v10 =	vld.idx.msk [tilespmem:v9+s17+$0x0], $0xffff  }
0x330: {  	v13 =	vtrunc.f32 v5;
	v4 =	vcvt.f32.s32 v6;
	v9 =	vld.idx.msk [tilespmem:v9+s19+$0x0], $0xffff;
	v6 =	vsel vm0, $0x1, v1  }
0x331: {  	v8 =	vmul.f32 $2.500000000e-01, v8;
	vm7 =	vgt.f32 v5, v13;
	v6 =	vadd.s32 v12, v6  }
0x332: {  	v12 =	vcvt.f32.s32 v13;
	vm1 =	vlt.s32 v4, $0x1FF;
	vm2 =	vlt.s32 v6, $0x1FF  }
0x333: {  	v5 =	vsel vm7, $0x1, v1;
	v13 =	vnsel vm1, $0x1FF, v4;
	v14 =	vnsel vm2, $0x1FF, v6  }
0x334: {  	s26 =	simm.s32 $0x50;
	s30 =	simm.s32 $0x40;
	v15 =	vnsel vm8, $0x1FF, v7;
	v4 =	vadd.s32 v12, v5;
	v5 =	vsub.s32 v14, v13  }
0x335: {  	s31 =	sor.u32 s14, s30;
	s0 =	sor.u32 s14, s26;
	v6 =	vmul.f32 $2.500000000e-01, v11;
	v7 =	vadd.f32 v9, v10;
	v5 =	vcvt.s32.f32 v5  }
0x336: {  	v12 =	vor.u32 s0, v0;
	v11 =	vor.u32 s31, v0;
	vm9 =	vlt.s32 v4, $0x1FF  }
0x337: {  	v6 =	vtrunc.f32 v6;
	v7 =	vadd.f32 $1.000000050e-03, v7;
	v5 =	vmax.f32 v5, $1.000000000e+00  }
0x338: {  	v4 =	vnsel vm9, $0x1FF, v4;
	v6 =	vcvt.f32.s32 v6;
	(erf) = vrcp.f32 v5  }
0x339: {  	v10 =	vmul.f32 $2.500000000e-01, v10;
	v5 =	vsub.s32 v4, v15;
	v7 =	vmul.f32 $2.500000000e-01, v7  }
0x33a: {  	v62 =	vtrunc.f32 v8;
	vm10 =	vlt.s32 v6, $0x1FF;
	v9 =	vcvt.s32.f32 v5  }
0x33b: {  	v5 =	vnsel vm10, $0x1FF, v6;
	v6 =	vtrunc.f32 v10;
	v16 =	vtrunc.f32 v7  }
0x33c: {  	v17 =	vmax.f32 v9, $1.000000000e+00;
	v9 =	vld.idx.msk [tilespmem:v12+s17+$0x0], $0xffff;
	v10 =	vcvt.f32.s32 v16;
	vm11 =	vgt.f32 v7, v16  }
0x33d: {  	vm12 =	vgt.f32 v8, v62;
	v8 =	vld.idx.msk [tilespmem:v11+s17+$0x0], $0xffff;
	v6 =	vcvt.f32.s32 v6;
	v7 =	vsel vm11, $0x1, v1  }
0x33e: {  	s24 =	simm.s32 $0x1B010;
	v18 =	vcvt.f32.s32 v62;
	v11 =	vld.idx.msk [tilespmem:v11+s19+$0x0], $0xffff;
	v10 =	vadd.s32 v10, v7  }
0x33f: {  	[tilespmem:s24+$0x0] =	vst v15;
	v16 =	vsel vm12, $0x1, v1;
	v12 =	vld.idx.msk [tilespmem:v12+s19+$0x0], $0xffff;
	vm13 =	vlt.s32 v6, $0x1FF;
	vm14 =	vlt.s32 v10, $0x1FF  }
0x340: {  	s25 =	simm.s32 $0x1B210;
	[tilespmem:s24+$0xFFFFFFF0] =	vst v13;
	v7 =	vnsel vm13, $0x1FF, v6;
	v6 =	vnsel vm14, $0x1FF, v10;
	v10 =	vadd.s32 v18, v16  }
0x341: {  	s26 =	simm.s32 $0x1B410;
	[tilespmem:s25+$0xFFFFFFF0] =	vst v14;
	v13 =	vmul.f32 $2.500000000e-01, v9;
	v63 =	vsub.s32 v6, v7;
	vm15 =	vlt.s32 v10, $0x1FF;
	v14 =	vpop (erf)  }
0x342: {  	s28 =	simm.s32 $0x4;
	s29 =	simm.s32 $0x70;
	v10 =	vnsel vm15, $0x1FF, v10;
	(erf) = vrcp.f32 v17;
	[tilespmem:s26+$0xFFFFFFF0] =	vst v14;
	v14 =	vcvt.s32.f32 v63  }
.LBB2_34:
0x343: {  	s0 =	sadd.s32 $0xFFFFFFF0, s29;
	s1 =	sor.u32 s14, s29;
	v11 =	vadd.f32 v11, v8;
	v13 =	vtrunc.f32 v13;
	v15 =	vsub.s32 v10, v5;
	[tilespmem:s25+$0x0] =	vst v4;
	v4 =	vmovc v10  }
0x344: {  	s28 =	sadd.s32 $0x2, s28;
	v9 =	vadd.f32 v12, v9;
	s0 =	sor.u32 s14, s0;
	v10 =	vor.u32 s1, v0;
	v12 =	vmax.f32 v14, $1.000000000e+00  }
0x345: {  	p0 =	slt.u32 s28, $0x1E;
	v14 =	vor.u32 s0, v0;
	v11 =	vadd.f32 $1.000000050e-03, v11;
	(erf) = vrcp.f32 v12  }
0x346: {  	v12 =	vcvt.f32.s32 v13;
	v9 =	vadd.f32 $1.000000050e-03, v9;
	v13 =	vcvt.s32.f32 v15  }
0x347: {  	v11 =	vmul.f32 $2.500000000e-01, v11  }
0x348: {  	v15 =	vmul.f32 $2.500000000e-01, v8;
	v16 =	vmul.f32 $2.500000000e-01, v9;
	vm0 =	vlt.s32 v12, $0x1FF  }
0x349: {  	v19 =	vmax.f32 v13, $1.000000000e+00;
	v18 =	vnsel vm0, $0x1FF, v12;
	v9 =	vld.idx.msk [tilespmem:v10+s17+$0x0], $0xffff;
	v17 =	vtrunc.f32 v11  }
0x34a: {  	v12 =	vtrunc.f32 v15;
	v8 =	vld.idx.msk [tilespmem:v14+s17+$0x0], $0xffff;
	v13 =	vcvt.f32.s32 v17;
	vm0 =	vgt.f32 v11, v17  }
0x34b: {  	v17 =	vtrunc.f32 v16;
	v11 =	vld.idx.msk [tilespmem:v14+s19+$0x0], $0xffff;
	v14 =	vcvt.f32.s32 v12;
	v15 =	vsel vm0, $0x1, v1;
	v20 =	vpop (erf)  }
.Ltmp16:
0x34c: {  	s24 =	sadd.s32 $0x20, s24;
	vm0 =	vgt.f32 v16, v17;
	v12 =	vld.idx.msk [tilespmem:v10+s19+$0x0], $0xffff;
	v21 =	vadd.s32 v13, v15;
	v13 =	vcvt.f32.s32 v17;
	[tilespmem:s26+$0x0] =	vst v20;
	(pc) =	sbr.rel @p0 .LBB2_34-.Ltmp16, $4  }
0x34d: {  	s25 =	sadd.s32 $0x20, s25;
	v15 =	vsel vm0, $0x1, v1;
	vm1 =	vlt.s32 v14, $0x1FF;
	vm2 =	vlt.s32 v21, $0x1FF;
	[tilespmem:s24+$0xFFFFFFF0] =	vst v7  }
0x34e: {  	s26 =	sadd.s32 $0x20, s26;
	v7 =	vnsel vm1, $0x1FF, v14;
	v15 =	vadd.s32 v13, v15;
	[tilespmem:s25+$0xFFFFFFF0] =	vst v6;
	v6 =	vnsel vm2, $0x1FF, v21;
	v10 =	vpop (erf)  }
0x34f: {  	v13 =	vmul.f32 $2.500000000e-01, v9;
	v14 =	vsub.s32 v6, v7;
	vm0 =	vlt.s32 v15, $0x1FF;
	[tilespmem:s26+$0xFFFFFFF0] =	vst v10  }
0x350: {  	s29 =	sadd.s32 $0x20, s29;
	v14 =	vcvt.s32.f32 v14;
	v10 =	vnsel vm0, $0x1FF, v15;
	[tilespmem:s24+$0x0] =	vst v5;
	(erf) = vrcp.f32 v19;
	v5 =	vmovc v18  }
0x351: {  	v11 =	vadd.f32 v11, v8  }
0x352: {  	v13 =	vtrunc.f32 v13  }
0x353: {  	v9 =	vadd.f32 v12, v9;
	v12 =	vsub.s32 v10, v5;
	v11 =	vadd.f32 $1.000000050e-03, v11  }
0x354: {  	v8 =	vmul.f32 $2.500000000e-01, v8;
	v14 =	vmax.f32 v14, $1.000000000e+00;
	v13 =	vcvt.f32.s32 v13  }
0x355: {  	v12 =	vcvt.s32.f32 v12;
	v9 =	vadd.f32 $1.000000050e-03, v9;
	v11 =	vmul.f32 $2.500000000e-01, v11  }
0x356: {  	(erf) = vrcp.f32 v14;
	v8 =	vtrunc.f32 v8  }
0x357: {  	v9 =	vmul.f32 $2.500000000e-01, v9;
	v14 =	vtrunc.f32 v11  }
0x358: {  	v12 =	vmax.f32 v12, $1.000000000e+00;
	v15 =	vcvt.f32.s32 v14;
	vm1 =	vgt.f32 v11, v14  }
0x359: {  	v8 =	vcvt.f32.s32 v8;
	v14 =	vtrunc.f32 v9;
	v11 =	vsel vm1, $0x1, v1  }
0x35a: {  	vm13 =	vgt.f32 v9, v14;
	v11 =	vadd.s32 v15, v11;
	v15 =	vcvt.f32.s32 v14  }
0x35b: {  	vm0 =	vlt.s32 v13, $0x1FF;
	(erf) = vrcp.f32 v12;
	v9 =	vsel vm13, $0x1, v1  }
0x35c: {  	vm2 =	vlt.s32 v8, $0x1FF;
	vm14 =	vlt.s32 v11, $0x1FF;
	v9 =	vadd.s32 v15, v9  }
0x35d: {  	v8 =	vnsel vm2, $0x1FF, v8;
	v11 =	vnsel vm14, $0x1FF, v11;
	vm15 =	vlt.s32 v9, $0x1FF  }
0x35e: {  	v12 =	vnsel vm0, $0x1FF, v13;
	v14 =	vsub.s32 v11, v8;
	v9 =	vnsel vm15, $0x1FF, v9  }
0x35f: {  	[tilespmem:s25+$0x0] =	vst v4;
	s0 =	sadd.s32 $0x20, s24;
	v13 =	vcvt.s32.f32 v14;
	v14 =	vsub.s32 v9, v12  }
0x360: {  	[tilespmem:s0+$0xFFFFFFF0] =	vst v7;
	v14 =	vcvt.s32.f32 v14  }
0x361: {  	[tilespmem:s0+$0x0] =	vst v5;
	v4 =	vpop (erf);
	v13 =	vmax.f32 v13, $1.000000000e+00  }
0x362: {  	s1 =	sadd.s32 $0x20, s25;
	[tilespmem:s26+$0x0] =	vst v4;
	(erf) = vrcp.f32 v13;
	v4 =	vmax.f32 v14, $1.000000000e+00  }
0x363: {  	[tilespmem:s1+$0xFFFFFFF0] =	vst v6;
	v6 =	vpop (erf);
	(erf) = vrcp.f32 v4  }
0x364: {  	s0 =	sadd.s32 $0x20, s0;
	[tilespmem:s1+$0x0] =	vst v10  }
0x365: {  	s30 =	simm.s32 $0x1;
	[tilespmem:s0+$0x0] =	vst v12  }
0x366: {  	s28 =	sadd.s32 $0x20, s26;
	s29 =	simm.s32 $0x0;
	v5 =	vmov s30;
	[tilespmem:s0+$0xFFFFFFF0] =	vst v8;
	v4 =	vpop (erf)  }
0x367: {  	v5 =	vmul.u32 $0x28, v5;
	[tilespmem:s28+$0x0] =	vst v4;
	v4 =	vmov s29  }
0x368: {  	s31 =	simm.s32 $0x2;
	s1 =	sadd.s32 $0x20, s1;
	[tilespmem:s28+$0xFFFFFFF0] =	vst v6;
	v4 =	vmul.u32 $0x28, v4  }
0x369: {  	v5 =	vbroadcast v5, $0x0;
	[tilespmem:s1+$0xFFFFFFF0] =	vst v11;
	v6 =	vmov s31  }
0x36a: {  	s25 =	simm.s32 $0x8;
	v6 =	vmul.u32 $0x28, v6;
	[tilespmem:s1+$0x0] =	vst v9;
	s1 =	simm.s32 $0x9;
	v4 =	vbroadcast v4, $0x0  }
0x36b: {  	s24 =	sadd.s32 $0x20, s28;
	v26 =	vmov s25;
	v31 =	vadd.s32 v2, v5;
	v22 =	vmov s1;
	s28 =	simm.s32 $0x4;
	v7 =	vpop (erf)  }
0x36c: {  	s26 =	simm.s32 $0x3;
	v13 =	vbroadcast v6, $0x0;
	v8 =	vmov s28;
	[tilespmem:s24+$0xFFFFFFF0] =	vst v7;
	v11 =	vor.u32 v0, v4;
	v9 =	vpop (erf)  }
0x36d: {  	v14 =	vadd.s32 v0, v5;
	s29 =	simm.s32 $0x5;
	v8 =	vmul.u32 $0x28, v8;
	v7 =	vmov s26;
	[tilespmem:s24+$0x0] =	vst v9  }
0x36e: {  	s30 =	simm.s32 $0x6;
	v16 =	vor.u32 v0, v13;
	v10 =	vmov s29;
	v7 =	vmul.u32 $0x28, v7;
	_ =	swait.ge [sflag:s20], $0x4000  }
0x36f: {  	s31 =	simm.s32 $0x7;
	v6 =	vmul.u32 $0x28, v10;
	v8 =	vbroadcast v8, $0x0;
	v9 =	vmov s30;
	[sflag:s20] =	ssyncset.done $0x0  }
0x370: {  	v10 =	vbroadcast v7, $0x0;
	v7 =	vmul.u32 $0x28, v9;
	v9 =	vmov s31;
	[sflag:s20] =	ssyncadd.s32 $0xFFFFC000  }
0x371: {  	v12 =	vimm.f32 $0.0e+00;
	v22 =	vmul.u32 $0x28, v22;
	v9 =	vmul.u32 $0x28, v9;
	v18 =	vld.idx.msk [tilespmem:v11+s2+$0x0], $0xffff  }
0x372: {  	v17 =	vor.u32 v2, v4;
	v23 =	vor.u32 v0, v8;
	v4 =	vbroadcast v7, $0x0  }
0x373: {  	v15 =	vbroadcast v6, $0x0;
	v19 =	vadd.s32 v0, v10;
	v20 =	vbroadcast v9, $0x0;
	v21 =	vld.idx.msk [tilespmem:v14+s2+$0x0], $0xffff  }
0x374: {  	v5 =	vadd.s32 v2, v13;
	v34 =	vbroadcast v22, $0x0;
	s28 =	simm.s32 $0xC;
	v29 =	vor.u32 v0, v4  }
0x375: {  	v22 =	vmov s28;
	s26 =	simm.s32 $0xB;
	v6 =	vadd.s32 v2, v15;
	v13 =	vld.idx.msk [tilespmem:v16+s2+$0x0], $0xffff;
	v9 =	vadd.s32 v0, v20  }
0x376: {  	v15 =	vadd.s32 v0, v15;
	v27 =	vmov s26;
	v18 =	vadd.f32 v18, v12  }
0x377: {  	s24 =	simm.s32 $0xA;
	v27 =	vmul.u32 $0x28, v27;
	v25 =	vld.idx.msk [tilespmem:v23+s2+$0x0], $0xffff;
	v7 =	vadd.s32 v2, v4;
	v4 =	vadd.s32 v2, v20  }
0x378: {  	v24 =	vmov s24;
	v20 =	vld.idx.msk [tilespmem:v19+s2+$0x0], $0xffff;
	[tilespmem:v14+s2+$0x0] =	vst.idx.msk $0xffff, v18;
	v14 =	vadd.f32 v21, v18;
	v21 =	vmul.u32 $0x28, v26  }
0x379: {  	v8 =	vor.u32 v2, v8;
	v24 =	vmul.u32 $0x28, v24;
	v10 =	vadd.s32 v2, v10;
	v18 =	vld.idx.msk [tilespmem:v29+s2+$0x0], $0xffff  }
0x37a: {  	s29 =	simm.s32 $0xD;
	v28 =	vbroadcast v27, $0x0;
	v39 =	vld.idx.msk [tilespmem:v9+s2+$0x0], $0xffff;
	[tilespmem:v16+s2+$0x0] =	vst.idx.msk $0xffff, v14;
	v13 =	vadd.f32 v13, v14;
	v14 =	vbroadcast v21, $0x0  }
0x37b: {  	[tilespmem:v11+s2+$0x0] =	vst.idx.msk $0xffff, v12;
	v38 =	vbroadcast v24, $0x0;
	v26 =	vmul.u32 $0x28, v22;
	v36 =	vld.idx.msk [tilespmem:v31+s2+$0x0], $0xffff;
	v21 =	vmov s29  }
0x37c: {  	s30 =	simm.s32 $0xE;
	s31 =	simm.s32 $0xF;
	v16 =	vld.idx.msk [tilespmem:v15+s2+$0x0], $0xffff;
	v22 =	vmul.u32 $0x28, v21;
	v21 =	vor.u32 v0, v14;
	v11 =	vor.u32 v2, v14  }
0x37d: {  	v14 =	vadd.f32 v20, v13;
	[tilespmem:v19+s2+$0x0] =	vst.idx.msk $0xffff, v13;
	v19 =	vld.idx.msk [tilespmem:v17+s2+$0x0], $0xffff;
	v13 =	vmov s30;
	v20 =	vmov s31  }
0x37e: {  	v37 =	vld.idx.msk [tilespmem:v5+s2+$0x0], $0xffff;
	[tilespmem:v17+s2+$0x0] =	vst.idx.msk $0xffff, v12;
	v40 =	vbroadcast v22, $0x0;
	v22 =	vadd.s32 v0, v34;
	v13 =	vmul.u32 $0x28, v13  }
0x37f: {  	v26 =	vbroadcast v26, $0x0;
	v24 =	vld.idx.msk [tilespmem:v10+s2+$0x0], $0xffff;
	v27 =	vmul.u32 $0x28, v20;
	[tilespmem:v23+s2+$0x0] =	vst.idx.msk $0xffff, v14;
	v30 =	vadd.f32 v25, v14  }
0x380: {  	v20 =	vadd.s32 v0, v28;
	v23 =	vor.u32 v0, v38;
	v25 =	vld.idx.msk [tilespmem:v8+s2+$0x0], $0xffff;
	v13 =	vbroadcast v13, $0x0  }
0x381: {  	v14 =	vadd.s32 v2, v40;
	v41 =	vbroadcast v27, $0x0;
	v17 =	vadd.s32 v0, v40;
	[tilespmem:v15+s2+$0x0] =	vst.idx.msk $0xffff, v30  }
0x382: {  	v15 =	vadd.f32 v16, v30;
	v33 =	vld.idx.msk [tilespmem:v21+s2+$0x0], $0xffff;
	v27 =	vor.u32 v0, v13;
	v16 =	vadd.f32 v19, v12  }
0x383: {  	v13 =	vadd.s32 v2, v13;
	v19 =	vor.u32 v0, v26;
	v30 =	vld.idx.msk [tilespmem:v6+s2+$0x0], $0xffff;
	v12 =	vadd.s32 v2, v34  }
0x384: {  	v32 =	vld.idx.msk [tilespmem:v22+s2+$0x0], $0xffff;
	v35 =	vadd.f32 v18, v15;
	[tilespmem:v31+s2+$0x0] =	vst.idx.msk $0xffff, v16;
	v16 =	vadd.f32 v36, v16  }
0x385: {  	v34 =	vadd.s32 v0, v41;
	[tilespmem:v29+s2+$0x0] =	vst.idx.msk $0xffff, v15;
	v15 =	vadd.s32 v2, v38;
	v29 =	vld.idx.msk [tilespmem:v20+s2+$0x0], $0xffff  }
0x386: {  	s26 =	simm.s32 $0x10;
	v18 =	vadd.s32 v2, v41;
	v31 =	vld.idx.msk [tilespmem:v23+s2+$0x0], $0xffff;
	v36 =	vadd.f32 v39, v35;
	v37 =	vadd.f32 v37, v16  }
.LBB2_36:
0x387: {  	s0 =	sadd.s32 $0x1, s26;
	v28 =	vadd.s32 v2, v28  }
0x388: {  	s1 =	sadd.s32 $0x2, s26;
	v26 =	vor.u32 v2, v26;
	v38 =	vld.idx.msk [tilespmem:v7+s2+$0x0], $0xffff;
	[tilespmem:v9+s2+$0x0] =	vst.idx.msk $0xffff, v35;
	v35 =	vmov v27;
	v9 =	vmov v34;
	s25 =	smov.u32 s26;
	s24 =	sadd.s32 $0x8, s26  }
0x389: {  	p0 =	slt.u32 s26, $0x1F8;
	v34 =	vmov s0;
	v39 =	vmov s1;
	s0 =	sadd.s32 $0x3, s25;
	[tilespmem:v21+s2+$0x0] =	vst.idx.msk $0xffff, v36;
	v21 =	vadd.f32 v33, v36;
	v33 =	vld.idx.msk [tilespmem:v4+s2+$0x0], $0xffff  }
0x38a: {  	v24 =	vadd.f32 v24, v37;
	v34 =	vmul.u32 $0x28, v34;
	v36 =	vmul.u32 $0x28, v39;
	v39 =	vld.idx.msk [tilespmem:v19+s2+$0x0], $0xffff;
	[tilespmem:v10+s2+$0x0] =	vst.idx.msk $0xffff, v37  }
0x38b: {  	v37 =	vmov s25;
	v40 =	vmov s0;
	v10 =	vmovc v28;
	[tilespmem:v22+s2+$0x0] =	vst.idx.msk $0xffff, v21;
	v21 =	vadd.f32 v32, v21;
	v41 =	vld.idx.msk [tilespmem:v27+s2+$0x0], $0xffff  }
0x38c: {  	s0 =	sadd.s32 $0x4, s25;
	v22 =	vmul.u32 $0x28, v37;
	v34 =	vbroadcast v34, $0x0;
	v37 =	vld.idx.msk [tilespmem:v12+s2+$0x0], $0xffff;
	[tilespmem:v8+s2+$0x0] =	vst.idx.msk $0xffff, v24;
	v24 =	vadd.f32 v25, v24  }
0x38d: {  	v27 =	vmov s0;
	s0 =	sadd.s32 $0x5, s25;
	v25 =	vmul.u32 $0x28, v40;
	v8 =	vmovc v26;
	[tilespmem:v23+s2+$0x0] =	vst.idx.msk $0xffff, v21;
	v23 =	vadd.f32 v31, v21;
	v31 =	vld.idx.msk [tilespmem:v17+s2+$0x0], $0xffff  }
0x38e: {  	v22 =	vbroadcast v22, $0x0;
	v21 =	vmov s0;
	v40 =	vld.idx.msk [tilespmem:v15+s2+$0x0], $0xffff;
	[tilespmem:v6+s2+$0x0] =	vst.idx.msk $0xffff, v24;
	v28 =	vadd.f32 v30, v24;
	v6 =	vmovc v14  }
0x38f: {  	v42 =	vbroadcast v36, $0x0;
	v14 =	vmul.u32 $0x28, v27;
	v27 =	vmul.u32 $0x28, v21;
	[tilespmem:v20+s2+$0x0] =	vst.idx.msk $0xffff, v23;
	v36 =	vld.idx.msk [tilespmem:v9+s2+$0x0], $0xffff  }
0x390: {  	v21 =	vor.u32 v0, v22;
	v43 =	vor.u32 v2, v22;
	v20 =	vadd.f32 v29, v23;
	v24 =	vld.idx.msk [tilespmem:v10+s2+$0x0], $0xffff  }
0x391: {  	s0 =	sadd.s32 $0x6, s25;
	v26 =	vbroadcast v14, $0x0;
	v29 =	vbroadcast v27, $0x0;
	v14 =	vadd.f32 v38, v28;
	v30 =	vld.idx.msk [tilespmem:v11+s2+$0x0], $0xffff;
	[tilespmem:v7+s2+$0x0] =	vst.idx.msk $0xffff, v28  }
0x392: {  	v22 =	vadd.s32 v0, v34;
	v23 =	vmov s0;
	s0 =	sadd.s32 $0x7, s25;
	v28 =	vbroadcast v25, $0x0;
	v7 =	vmovc v13;
	[tilespmem:v19+s2+$0x0] =	vst.idx.msk $0xffff, v20  }
0x393: {  	v13 =	vmul.u32 $0x28, v23;
	v27 =	vadd.f32 v39, v20;
	v19 =	vmov s0;
	v25 =	vld.idx.msk [tilespmem:v8+s2+$0x0], $0xffff;
	[tilespmem:v4+s2+$0x0] =	vst.idx.msk $0xffff, v14;
	v4 =	vmovc v18  }
0x394: {  	v23 =	vor.u32 v0, v42;
	v18 =	vmul.u32 $0x28, v19;
	[tilespmem:v5+s2+$0x0] =	vst.idx.msk $0xffff, v16;
	v16 =	vadd.f32 v33, v14  }
0x395: {  	v13 =	vbroadcast v13, $0x0;
	v14 =	vadd.s32 v2, v29;
	v5 =	vmov v15;
	v33 =	vld.idx.msk [tilespmem:v21+s2+$0x0], $0xffff;
	[tilespmem:v17+s2+$0x0] =	vst.idx.msk $0xffff, v27  }
0x396: {  	v20 =	vadd.s32 v0, v28;
	v18 =	vbroadcast v18, $0x0;
	[tilespmem:v11+s2+$0x0] =	vst.idx.msk $0xffff, v16;
	v11 =	vadd.f32 v31, v27  }
.Ltmp17:
0x397: {  	v27 =	vor.u32 v0, v13;
	v13 =	vadd.s32 v2, v13;
	v15 =	vadd.f32 v30, v16;
	v32 =	vld.idx.msk [tilespmem:v22+s2+$0x0], $0xffff;
	(pc) =	sbr.rel @p0 .LBB2_36-.Ltmp17, $4  }
0x398: {  	v19 =	vor.u32 v0, v26;
	v30 =	vld.idx.msk [tilespmem:v6+s2+$0x0], $0xffff;
	[tilespmem:v35+s2+$0x0] =	vst.idx.msk $0xffff, v11;
	v35 =	vadd.f32 v41, v11  }
0x399: {  	v16 =	vadd.f32 v37, v15;
	v31 =	vld.idx.msk [tilespmem:v23+s2+$0x0], $0xffff;
	[tilespmem:v12+s2+$0x0] =	vst.idx.msk $0xffff, v15;
	v12 =	vadd.s32 v2, v34  }
0x39a: {  	v17 =	vadd.s32 v0, v29;
	v34 =	vadd.s32 v0, v18;
	v36 =	vadd.f32 v36, v35;
	v11 =	vmovc v43  }
0x39b: {  	s26 =	smov.u32 s24;
	v15 =	vadd.s32 v2, v42;
	v18 =	vadd.s32 v2, v18;
	v37 =	vadd.f32 v40, v16;
	v29 =	vld.idx.msk [tilespmem:v20+s2+$0x0], $0xffff  }
0x39c: {  	_ =	sdelay $0x2  }
0x39d: {  	v24 =	vadd.f32 v24, v37  }
0x39e: {  	v38 =	vld.idx.msk [tilespmem:v7+s2+$0x0], $0xffff  }
0x39f: {  	[tilespmem:v9+s2+$0x0] =	vst.idx.msk $0xffff, v35;
	v9 =	vadd.f32 v25, v24  }
0x3a0: {  	[tilespmem:v21+s2+$0x0] =	vst.idx.msk $0xffff, v36;
	v21 =	vadd.f32 v33, v36;
	v25 =	vld.idx.msk [tilespmem:v4+s2+$0x0], $0xffff  }
0x3a1: {  	[tilespmem:v10+s2+$0x0] =	vst.idx.msk $0xffff, v37;
	v30 =	vadd.f32 v30, v9  }
0x3a2: {  	v28 =	vadd.s32 v2, v28;
	v10 =	vld.idx.msk [tilespmem:v11+s2+$0x0], $0xffff;
	[tilespmem:v22+s2+$0x0] =	vst.idx.msk $0xffff, v21;
	v21 =	vadd.f32 v32, v21  }
0x3a3: {  	v61 =	vld.idx.msk [tilespmem:v19+s2+$0x0], $0xffff;
	[tilespmem:v5+s2+$0x0] =	vst.idx.msk $0xffff, v16;
	v22 =	vadd.f32 v38, v30  }
0x3a4: {  	v62 =	vld.idx.msk [tilespmem:v12+s2+$0x0], $0xffff;
	[tilespmem:v8+s2+$0x0] =	vst.idx.msk $0xffff, v24;
	v8 =	vadd.f32 v31, v21  }
0x3a5: {  	v26 =	vor.u32 v2, v26;
	[tilespmem:v23+s2+$0x0] =	vst.idx.msk $0xffff, v21;
	v21 =	vld.idx.msk [tilespmem:v17+s2+$0x0], $0xffff;
	v23 =	vadd.f32 v25, v22  }
0x3a6: {  	v24 =	vld.idx.msk [tilespmem:v15+s2+$0x0], $0xffff;
	[tilespmem:v20+s2+$0x0] =	vst.idx.msk $0xffff, v8  }
0x3a7: {  	[tilespmem:v6+s2+$0x0] =	vst.idx.msk $0xffff, v9;
	v6 =	vadd.f32 v29, v8;
	v9 =	vld.idx.msk [tilespmem:v28+s2+$0x0], $0xffff;
	v8 =	vadd.f32 v10, v23  }
0x3a8: {  	[tilespmem:v7+s2+$0x0] =	vst.idx.msk $0xffff, v30;
	v7 =	vld.idx.msk [tilespmem:v27+s2+$0x0], $0xffff  }
0x3a9: {  	[tilespmem:v19+s2+$0x0] =	vst.idx.msk $0xffff, v6;
	v6 =	vadd.f32 v61, v6;
	v10 =	vadd.f32 v62, v8  }
0x3aa: {  	v19 =	vld.idx.msk [tilespmem:v26+s2+$0x0], $0xffff;
	[tilespmem:v4+s2+$0x0] =	vst.idx.msk $0xffff, v22  }
0x3ab: {  	[tilespmem:v17+s2+$0x0] =	vst.idx.msk $0xffff, v6;
	v4 =	vadd.f32 v21, v6;
	v6 =	vadd.f32 v24, v10  }
0x3ac: {  	v5 =	vld.idx.msk [tilespmem:v14+s2+$0x0], $0xffff;
	[tilespmem:v11+s2+$0x0] =	vst.idx.msk $0xffff, v23  }
0x3ad: {  	[tilespmem:v27+s2+$0x0] =	vst.idx.msk $0xffff, v4;
	v4 =	vadd.f32 v7, v4;
	v9 =	vadd.f32 v9, v6  }
0x3ae: {  	v7 =	vld.idx.msk [tilespmem:v13+s2+$0x0], $0xffff;
	[tilespmem:v12+s2+$0x0] =	vst.idx.msk $0xffff, v8  }
0x3af: {  	[tilespmem:v34+s2+$0x0] =	vst.idx.msk $0xffff, v4;
	v8 =	vadd.f32 v19, v9  }
0x3b0: {  	[tilespmem:v15+s2+$0x0] =	vst.idx.msk $0xffff, v10  }
0x3b1: {  	[tilespmem:v28+s2+$0x0] =	vst.idx.msk $0xffff, v6;
	v4 =	vadd.f32 v5, v8  }
0x3b2: {  	[tilespmem:v26+s2+$0x0] =	vst.idx.msk $0xffff, v9  }
0x3b3: {  	[tilespmem:v14+s2+$0x0] =	vst.idx.msk $0xffff, v8;
	v5 =	vadd.f32 v7, v4  }
0x3b4: {  	[tilespmem:v13+s2+$0x0] =	vst.idx.msk $0xffff, v4  }
0x3b5: {  	[tilespmem:v18+s2+$0x0] =	vst.idx.msk $0xffff, v5  }
0x3b6: {  	_ =	swait.ge [sflag:s22], $0x4000  }
0x3b7: {  	s0 =	simm.s32 $0x0;
	[sflag:s22] =	ssyncset.done $0x0  }
0x3b8: {  	s1 =	sand.u32 $0x1F0, s0;
	[sflag:s22] =	ssyncadd.s32 $0xFFFFC000  }
0x3b9: {  	v4 =	vld [tilespmem:s1+$0x1B200]  }
0x3ba: {  	v5 =	vld [tilespmem:s1+$0x1B000];
	_ =	sdelay $0x2  }
0x3bb: {  	s24 =	simm.s32 $0x1  }
0x3bc: {  	v6 =	vmul.u32 $0x28, v4;
	v4 =	vmov s24  }
0x3bd: {  	v5 =	vmul.u32 $0x28, v5;
	v8 =	vand.u32 $0x8, v4  }
0x3be: {  	v11 =	vand.u32 $0x7, v4;
	v4 =	vadd.s32 v8, v6  }
0x3bf: {  	v7 =	vadd.s32 v8, v5;
	v4 =	vor.u32 v11, v4  }
0x3c0: {  	v10 =	vmov s0;
	v7 =	vor.u32 v11, v7  }
0x3c1: {  	s30 =	simm.s32 $0x2;
	v12 =	vand.u32 $0x8, v10  }
0x3c2: {  	s26 =	sand.u32 $0x1F0, s30;
	v16 =	vand.u32 $0x6, v10;
	v9 =	vmov s1;
	v13 =	vadd.s32 v12, v5  }
0x3c3: {  	s25 =	simm.s32 $0x4;
	v9 =	vmul.u32 $0x28, v9;
	v17 =	vor.u32 v16, v13;
	v13 =	vld [tilespmem:s26+$0x1B200]  }
0x3c4: {  	v63 =	vmov s25;
	v10 =	vld.idx.msk [tilespmem:v4+s2+$0x0], $0xffff  }
0x3c5: {  	v20 =	vor.u32 $0x10, v12;
	v4 =	vadd.s32 v12, v6;
	v14 =	vld.idx.msk [tilespmem:v7+s2+$0x0], $0xffff;
	v7 =	vbroadcast v9, $0x0  }
0x3c6: {  	v19 =	vld [tilespmem:s26+$0x1B000];
	v18 =	vadd.s32 v20, v5;
	v15 =	vor.u32 v16, v4;
	v4 =	vadd.s32 v20, v6  }
0x3c7: {  	v24 =	vor.u32 $0x10, v8;
	v21 =	vadd.s32 v3, v7;
	v9 =	vor.u32 v16, v4;
	v4 =	vld [tilespmem:s1+$0x1B400]  }
0x3c8: {  	v5 =	vadd.s32 v24, v5;
	v7 =	vor.u32 v16, v18;
	v18 =	vadd.s32 v8, v21  }
0x3c9: {  	s31 =	simm.s32 $0x3;
	v13 =	vmul.u32 $0x28, v13;
	v6 =	vadd.s32 v24, v6;
	v8 =	vor.u32 v11, v18  }
0x3ca: {  	v23 =	vor.u32 v11, v6;
	v6 =	vmov s31;
	v10 =	vsub.f32 v10, v14  }
0x3cb: {  	v26 =	vor.u32 v11, v5;
	v17 =	vld.idx.msk [tilespmem:v17+s2+$0x0], $0xffff;
	v5 =	vand.u32 $0x7, v6;
	v18 =	vand.u32 $0x8, v6  }
0x3cc: {  	v14 =	vmul.u32 $0x28, v19;
	v6 =	vadd.s32 v18, v13;
	v25 =	vld.idx.msk [tilespmem:v15+s2+$0x0], $0xffff;
	v10 =	vmul.f32 v10, v4  }
0x3cd: {  	v12 =	vadd.s32 v12, v21;
	v24 =	vadd.s32 v21, v24;
	v19 =	vor.u32 v5, v6  }
0x3ce: {  	v22 =	vmov s30;
	v21 =	vadd.s32 v20, v21;
	v27 =	vadd.s32 v18, v14;
	[tilespmem:v8+s21+$0x0] =	vst.idx.msk $0xffff, v10  }
0x3cf: {  	v12 =	vor.u32 v16, v12;
	v15 =	vand.u32 $0x8, v22;
	v10 =	vor.u32 v5, v27;
	v28 =	vld.idx.msk [tilespmem:v23+s2+$0x0], $0xffff  }
0x3d0: {  	v6 =	vand.u32 $0x6, v22;
	v22 =	vadd.s32 v15, v13;
	v27 =	vadd.s32 v15, v14;
	v29 =	vld.idx.msk [tilespmem:v26+s2+$0x0], $0xffff  }
0x3d1: {  	v23 =	vor.u32 v6, v27;
	v27 =	vsub.f32 v25, v17;
	v25 =	vmov s26  }
0x3d2: {  	s24 =	sand.u32 $0x1F0, s25;
	v22 =	vor.u32 v6, v22;
	v8 =	vor.u32 $0x10, v15;
	v30 =	vmul.u32 $0x28, v25;
	v25 =	vld.idx.msk [tilespmem:v19+s2+$0x0], $0xffff  }
0x3d3: {  	v20 =	vor.u32 v11, v24;
	v26 =	vadd.s32 v8, v14;
	v31 =	vmul.f32 v27, v4;
	v27 =	vld [tilespmem:s24+$0x1B200]  }
0x3d4: {  	v11 =	vor.u32 v16, v21;
	v19 =	vor.u32 v6, v26;
	v26 =	vld.idx.msk [tilespmem:v10+s2+$0x0], $0xffff;
	v30 =	vbroadcast v30, $0x0  }
0x3d5: {  	v21 =	vand.u32 $0x8, v63;
	v17 =	vadd.s32 v8, v13;
	v10 =	vld [tilespmem:s26+$0x1B400];
	v24 =	vsub.f32 v28, v29  }
0x3d6: {  	v17 =	vor.u32 v6, v17;
	s26 =	simm.s32 $0x6;
	[tilespmem:v12+s21+$0x0] =	vst.idx.msk $0xffff, v31;
	v28 =	vld [tilespmem:s24+$0x1B000];
	v12 =	vand.u32 $0x6, v63;
	v16 =	vadd.s32 v3, v30  }
.LBB2_38:
0x3d7: {  	p0 =	slt.u32 s26, $0x1FE;
	v29 =	vld.idx.msk [tilespmem:v22+s2+$0x0], $0xffff;
	v22 =	vadd.s32 v18, v16;
	v30 =	vor.u32 $0x10, v18;
	v18 =	vmul.f32 v24, v4  }
0x3d8: {  	v24 =	vld.idx.msk [tilespmem:v23+s2+$0x0], $0xffff;
	v22 =	vor.u32 v5, v22;
	v13 =	vadd.s32 v30, v13;
	v14 =	vadd.s32 v30, v14  }
0x3d9: {  	s0 =	sadd.s32 $0x1, s25;
	s25 =	smov.u32 s26;
	v23 =	vsub.f32 v25, v26;
	v25 =	vor.u32 v5, v13;
	v26 =	vld.idx.msk [tilespmem:v9+s2+$0x0], $0xffff;
	[tilespmem:v20+s21+$0x0] =	vst.idx.msk $0xffff, v18  }
0x3da: {  	v20 =	vmov s0;
	v9 =	vmovc v17;
	v13 =	vmul.u32 $0x28, v27;
	v27 =	vor.u32 v5, v14;
	v31 =	vld.idx.msk [tilespmem:v7+s2+$0x0], $0xffff;
	v7 =	vmovc v19  }
0x3db: {  	v18 =	vand.u32 $0x8, v20;
	v17 =	vmul.f32 v23, v10;
	v14 =	vmul.u32 $0x28, v28  }
0x3dc: {  	v28 =	vand.u32 $0x7, v20;
	v19 =	vadd.s32 v21, v13;
	v20 =	vadd.s32 v18, v13  }
0x3dd: {  	v32 =	vor.u32 $0x10, v21;
	v20 =	vor.u32 v28, v20;
	v23 =	vadd.s32 v18, v14;
	[tilespmem:v22+s21+$0x0] =	vst.idx.msk $0xffff, v17  }
0x3de: {  	v22 =	vor.u32 v12, v19;
	v17 =	vadd.s32 v21, v14;
	v33 =	vor.u32 v28, v23;
	v34 =	vld.idx.msk [tilespmem:v25+s2+$0x0], $0xffff  }
0x3df: {  	v35 =	vadd.s32 v15, v16;
	v19 =	vsub.f32 v29, v24;
	v23 =	vor.u32 v12, v17;
	v24 =	vld.idx.msk [tilespmem:v27+s2+$0x0], $0xffff  }
0x3e0: {  	v15 =	vmovc v21;
	v29 =	vor.u32 v6, v35;
	v17 =	vadd.s32 v32, v13;
	v25 =	vadd.s32 v32, v14  }
0x3e1: {  	v21 =	vmov s24;
	v17 =	vor.u32 v12, v17;
	v35 =	vmul.f32 v19, v10  }
.Ltmp18:
0x3e2: {  	v21 =	vmul.u32 $0x28, v21;
	v19 =	vor.u32 v12, v25;
	v27 =	vsub.f32 v26, v31;
	v25 =	vld.idx.msk [tilespmem:v20+s2+$0x0], $0xffff;
	(pc) =	sbr.rel @p0 .LBB2_38-.Ltmp18, $4  }
0x3e3: {  	v31 =	vadd.s32 v8, v16;
	v16 =	vadd.s32 v16, v30;
	v8 =	vmov v32;
	v26 =	vld.idx.msk [tilespmem:v33+s2+$0x0], $0xffff  }
0x3e4: {  	v30 =	vbroadcast v21, $0x0;
	v32 =	vmul.f32 v27, v4;
	v4 =	vmovc v10;
	v20 =	vor.u32 v5, v16;
	v5 =	vmovc v28;
	v10 =	vld [tilespmem:s24+$0x1B400];
	s24 =	sand.u32 $0x1F0, s26  }
0x3e5: {  	v16 =	vmov s26;
	v24 =	vsub.f32 v34, v24;
	v27 =	vld [tilespmem:s24+$0x1B200];
	[tilespmem:v29+s21+$0x0] =	vst.idx.msk $0xffff, v35;
	v29 =	vor.u32 v6, v31;
	v6 =	vmovc v12  }
0x3e6: {  	v21 =	vand.u32 $0x8, v16;
	s26 =	sadd.s32 $0x2, s26;
	v12 =	vand.u32 $0x6, v16;
	v16 =	vadd.s32 v3, v30;
	v28 =	vld [tilespmem:s24+$0x1B000];
	[tilespmem:v11+s21+$0x0] =	vst.idx.msk $0xffff, v32;
	v11 =	vmovc v29  }
0x3e7: {  	_ =	sdelay $0x1  }
0x3e8: {  	s0 =	sadd.s32 $0x1, s25  }
0x3e9: {  	v29 =	vmov s0;
	v27 =	vmul.u32 $0x28, v27  }
0x3ea: {  	v30 =	vand.u32 $0x8, v29;
	v28 =	vmul.u32 $0x28, v28  }
0x3eb: {  	v29 =	vand.u32 $0x7, v29;
	v31 =	vadd.s32 v30, v27  }
0x3ec: {  	v35 =	vadd.s32 v18, v16;
	v31 =	vor.u32 v29, v31;
	v32 =	vadd.s32 v30, v28  }
0x3ed: {  	v22 =	vld.idx.msk [tilespmem:v22+s2+$0x0], $0xffff;
	v36 =	vmov s24;
	v33 =	vadd.s32 v21, v27;
	v32 =	vor.u32 v29, v32  }
0x3ee: {  	v23 =	vld.idx.msk [tilespmem:v23+s2+$0x0], $0xffff;
	v15 =	vadd.s32 v15, v16;
	v33 =	vor.u32 v12, v33;
	v34 =	vadd.s32 v21, v28  }
0x3ef: {  	v44 =	vor.u32 $0x10, v18;
	v49 =	vor.u32 $0x10, v21;
	v34 =	vor.u32 v12, v34  }
0x3f0: {  	v47 =	vld [tilespmem:s24+$0x1B400];
	v35 =	vor.u32 v5, v35;
	v36 =	vmul.u32 $0x28, v36;
	v25 =	vsub.f32 v25, v26  }
0x3f1: {  	v15 =	vor.u32 v6, v15;
	v13 =	vadd.s32 v44, v13;
	v14 =	vadd.s32 v44, v14;
	v31 =	vld.idx.msk [tilespmem:v31+s2+$0x0], $0xffff  }
0x3f2: {  	v13 =	vor.u32 v5, v13;
	v14 =	vor.u32 v5, v14;
	v45 =	vbroadcast v36, $0x0;
	v32 =	vld.idx.msk [tilespmem:v32+s2+$0x0], $0xffff  }
0x3f3: {  	v25 =	vmul.f32 v25, v10;
	v50 =	vor.u32 $0x10, v30;
	v22 =	vsub.f32 v22, v23;
	v43 =	vld.idx.msk [tilespmem:v33+s2+$0x0], $0xffff  }
0x3f4: {  	v23 =	vadd.s32 v3, v45;
	v52 =	vadd.s32 v50, v27;
	v27 =	vadd.s32 v49, v27;
	v46 =	vld.idx.msk [tilespmem:v34+s2+$0x0], $0xffff  }
0x3f5: {  	[tilespmem:v35+s21+$0x0] =	vst.idx.msk $0xffff, v25;
	v48 =	vadd.s32 v30, v23;
	v53 =	vadd.s32 v50, v28  }
0x3f6: {  	v9 =	vld.idx.msk [tilespmem:v9+s2+$0x0], $0xffff;
	v54 =	vadd.s32 v21, v23;
	v28 =	vadd.s32 v49, v28;
	v51 =	vor.u32 v29, v48  }
0x3f7: {  	v7 =	vld.idx.msk [tilespmem:v7+s2+$0x0], $0xffff;
	v22 =	vmul.f32 v22, v10;
	v31 =	vsub.f32 v31, v32;
	v32 =	vor.u32 v29, v52  }
0x3f8: {  	v27 =	vor.u32 v12, v27;
	v13 =	vld.idx.msk [tilespmem:v13+s2+$0x0], $0xffff;
	v21 =	vor.u32 v12, v54;
	v33 =	vor.u32 v29, v53  }
0x3f9: {  	v14 =	vld.idx.msk [tilespmem:v14+s2+$0x0], $0xffff;
	[tilespmem:v15+s21+$0x0] =	vst.idx.msk $0xffff, v22;
	v26 =	vsub.f32 v43, v46;
	v31 =	vmul.f32 v31, v47  }
0x3fa: {  	v28 =	vor.u32 v12, v28;
	v17 =	vld.idx.msk [tilespmem:v17+s2+$0x0], $0xffff  }
0x3fb: {  	v19 =	vld.idx.msk [tilespmem:v19+s2+$0x0], $0xffff;
	v26 =	vmul.f32 v26, v47;
	[tilespmem:v51+s21+$0x0] =	vst.idx.msk $0xffff, v31  }
0x3fc: {  	v30 =	vld.idx.msk [tilespmem:v32+s2+$0x0], $0xffff  }
0x3fd: {  	[tilespmem:v21+s21+$0x0] =	vst.idx.msk $0xffff, v26;
	v31 =	vld.idx.msk [tilespmem:v33+s2+$0x0], $0xffff  }
0x3fe: {  	v24 =	vmul.f32 v24, v4;
	v8 =	vadd.s32 v8, v16;
	v55 =	vld.idx.msk [tilespmem:v27+s2+$0x0], $0xffff  }
0x3ff: {  	v18 =	vadd.s32 v16, v44;
	v57 =	vor.u32 v6, v8;
	v56 =	vld.idx.msk [tilespmem:v28+s2+$0x0], $0xffff  }
0x400: {  	[tilespmem:v20+s21+$0x0] =	vst.idx.msk $0xffff, v24;
	v5 =	vor.u32 v5, v18;
	v7 =	vsub.f32 v9, v7  }
0x401: {  	v59 =	vadd.s32 v23, v50;
	v61 =	vadd.s32 v49, v23;
	v58 =	vsub.f32 v13, v14  }
0x402: {  	v4 =	vmul.f32 v7, v4;
	v8 =	vor.u32 v29, v59;
	v60 =	vsub.f32 v17, v19  }
0x403: {  	v62 =	vor.u32 v12, v61;
	v7 =	vmul.f32 v58, v10;
	v63 =	vsub.f32 v30, v31  }
0x404: {  	[tilespmem:v11+s21+$0x0] =	vst.idx.msk $0xffff, v4;
	v4 =	vmul.f32 v60, v10;
	v9 =	vsub.f32 v55, v56  }
0x405: {  	[tilespmem:v5+s21+$0x0] =	vst.idx.msk $0xffff, v7;
	v5 =	vmul.f32 v63, v47  }
0x406: {  	[tilespmem:v57+s21+$0x0] =	vst.idx.msk $0xffff, v4;
	v4 =	vmul.f32 v9, v47  }
0x407: {  	s24 =	simm.s32 $0x14000;
	[tilespmem:v8+s21+$0x0] =	vst.idx.msk $0xffff, v5  }
0x408: {  	s25 =	simm.s32 $0x40;
	s28 =	sadd.s32 $0x0, s15;
	s26 =	simm.s32 $0x14028;
	[tilespmem:v62+s21+$0x0] =	vst.idx.msk $0xffff, v4  }
.LBB2_40:
0x409: {  	[hbm4b:s28+s2] =	stream.linear.scatter [tilespmem:s24], [sflag:$0x2], $0x20, $0x38;
	[tilespmem:$0x1B600] =	vst v63  }
0x40a: {  	s0 =	smov.u32 s25;
	s24 =	smov.u32 s26;
	p0 =	sne.s32 s25, $0x7FC0  }
.Ltmp19:
0x40b: {  	s25 =	sadd.s32 $0x40, s25;
	(pc) =	sbr.rel @p0 .LBB2_40-.Ltmp19, $2  }
0x40c: {  	_ =	sdelay $0x2  }
0x40d: {  	s26 =	sadd.s32 $0x28, s26;
	s28 =	sadd.s32 s0, s15  }
0x40e: {  	s23 =	sadd.s32 $0x1, s23  }
0x40f: {  	p0 =	sne.s32 s23, s16  }
.Ltmp20:
0x410: {  	_ = 	snop;
	(pc) =	sbr.rel @p0 .LBB2_1-.Ltmp20, $4  }
0x411: {  	[hbm4b:s28+s2] =	stream.linear.scatter [tilespmem:s24], [sflag:$0x2], $0x20, $0x38;
	[tilespmem:$0x1B600] =	vst v63  }
0x412: {  	_ =	swait.ge [sflag:s22], $0x4000  }
0x413: {  	[sflag:s22] =	ssyncset.done $0x0  }
0x414: {  	[sflag:s22] =	ssyncadd.s32 $0xFFFFC000  }
0x415: {  	_ =	sfence.sel $0x180000  }
0x416: {  	[bflag:$0x0] =	sbarrier.arrive $0xFFFF  }
0x417: {  	_ =	strace $0x90000047  }
0x418: {  	s0 =	stileid.u32;
	[bflag:$0x2] =	sbarrier.arrive $0xFFFF  }
0x419: {  	p0 =	sne.s32 s0, $0x0;
	s0 =	rddreg [dreg:$0x4]  }
0x41a: {  	s0 =	sadd.s32 @!p0 $0x100000, s0  }
0x41b: {  	[sflag:s0] =	ssyncadd.tile.s32 @!p0 $0x1;
	_ =	shalt  }
.Lfunc_end2:
_tile_overlayer_lowered:
.L_overlay_start_2:
0x41c: {  	(tag) =	ssettag $0x2  }
0x41d: {  	s0 =	rddreg [dreg:$0x0];
	s2 =	stileid.u32  }
0x41e: {  	s1 =	rddreg [dreg:$0x1];
	p0 =	sne.s32 s2, $0x0  }
0x41f: {  	s3 =	rddreg [dreg:$0x2];
	[bflag:$0x3] =	sbarrier.arrive $0xFFFF;
	s2 =	simm.s32 @!p0 $0x1C03  }
0x420: {  	[timem:s3], [sflag:s2] =	dma.local @!p0 [hbm:s0], s1  }
0x421: {  	s0 =	simm.s32 @!p0 $0x3  }
0x422: {  	_ =	swait.ge @!p0 [sflag:s0], s1  }
0x423: {  	s1 =	ssub.s32 @!p0 $0x0, s1;
	[sflag:s0] =	ssyncset.done @!p0 $0x0  }
0x424: {  	[sflag:s0] =	ssyncadd.s32 @!p0 s1  }
0x425: {  	[bflag:$0x3] =	sbarrier.arrive $0xFFFF  }
0x426: {  	_ =	shalt  }

</sc_bundles>
